<compile_context>
chip_gen: v7x
topology: tpu7x:2x2x1
jax: 0.10.2.dev20260603
libtpu: 0.0.44.dev20260713+nightly
codegen_flags: <defaults>
</compile_context>

<pallas_src>
import functools

import jax
import jax.numpy as jnp
import numpy as np
from jax import lax
from jax.experimental import pallas as pl
from jax.experimental.pallas import tpu as pltpu
from jax.experimental.pallas import tpu_sc as plsc

_PREC = jax.lax.Precision.DEFAULT

N = 10000
NP = 10240
E = 160000
D = 128
AH = 64
NSC = 2
NTILE = 16
CH = 128
CPT = 40
EPAD = NSC * NTILE * CPT * CH
ROWS_PER_TILE = NP // NTILE


def _segsum_sc(h, src_r, dst_r):
    mesh = plsc.VectorSubcoreMesh(core_axis_name="c", subcore_axis_name="s")

    nslot = 2
    ngroup = CPT // nslot

    @functools.partial(
        pl.kernel,
        out_type=jax.ShapeDtypeStruct((NSC, NP, D), jnp.float32),
        mesh=mesh,
        scratch_types=[
            pltpu.VMEM((CPT, CH), jnp.int32),
            pltpu.VMEM((CPT, CH), jnp.int32),
            [pltpu.VMEM((CH, D), jnp.float32)] * nslot,
            pltpu.VMEM_SHARED((NP, D), jnp.float32),
            [pltpu.SemaphoreType.DMA] * nslot,
            [pltpu.SemaphoreType.DMA] * nslot,
        ],
    )
    def seg_kernel(h_hbm, src_hbm, dst_hbm, out_hbm, src_v, dst_v, bufs,
                   agg_sh, gsem, ssem):
        c = lax.axis_index("c")
        s = lax.axis_index("s")
        w = c * NTILE + s
        pltpu.sync_copy(src_hbm.at[w], src_v)
        pltpu.sync_copy(dst_hbm.at[w], dst_v)

        def zero_row(i, carry):
            for k8 in range(D // 16):
                bufs[0][i, pl.ds(k8 * 16, 16)] = jnp.zeros((16,), jnp.float32)
            return carry
        lax.fori_loop(0, CH, zero_row, 0)
        for r in range(ROWS_PER_TILE // CH):
            pltpu.sync_copy(bufs[0], agg_sh.at[pl.ds(s * ROWS_PER_TILE + r * CH, CH)])
        plsc.subcore_barrier()

        def gather_start(j, b):
            pltpu.async_copy(h_hbm.at[src_v.at[j]], bufs[b], gsem[b])

        def gather_wait(j, b):
            pltpu.make_async_copy(h_hbm.at[src_v.at[j]], bufs[b], gsem[b]).wait()

        def scat_start(j, b):
            pltpu.async_copy(bufs[b], agg_sh.at[dst_v.at[j]], ssem[b], add=True)

        def scat_wait(j, b):
            pltpu.make_async_copy(bufs[b], agg_sh.at[dst_v.at[j]], ssem[b]).wait()

        for b in range(nslot):
            gather_start(b, b)

        def group(g, carry):
            j0 = g * nslot
            for b in range(nslot):
                gather_wait(j0 + b, b)
                scat_start(j0 + b, b)
            for b in range(nslot):
                scat_wait(j0 + b, b)
                gather_start(j0 + nslot + b, b)
            return carry
        lax.fori_loop(0, ngroup - 1, group, 0)

        j0 = (ngroup - 1) * nslot
        for b in range(nslot):
            gather_wait(j0 + b, b)
            scat_start(j0 + b, b)
        for b in range(nslot):
            scat_wait(j0 + b, b)
        plsc.subcore_barrier()

        pltpu.sync_copy(agg_sh.at[pl.ds(s * ROWS_PER_TILE, ROWS_PER_TILE)],
                        out_hbm.at[c, pl.ds(s * ROWS_PER_TILE, ROWS_PER_TILE)])

    return seg_kernel(h, src_r, dst_r)


_BR = 1024


def _layer_body(mode, h_ref, a0_ref, a1_ref, wr_ref, br_ref, wo_ref,
                out_ref, colsum_ref):
    i = pl.program_id(0)
    agg = a0_ref[0] + a1_ref[0]
    out = ((jnp.dot(agg, wr_ref[...], preferred_element_type=jnp.float32,
                    precision=_PREC) + br_ref[...])
           + jnp.dot(h_ref[...], wo_ref[...], preferred_element_type=jnp.float32,
                     precision=_PREC))
    if mode == 0:
        out = jnp.maximum(out, 0.0)
    elif mode == 1:
        out = jnp.maximum(out, 0.0) + h_ref[...]
    rid = i * _BR + lax.broadcasted_iota(jnp.int32, (_BR, 1), 0)
    out = jnp.where(rid < N, out, 0.0)
    out_ref[...] = out
    if colsum_ref is not None:
        @pl.when(i == 0)
        def _():
            colsum_ref[...] = jnp.zeros_like(colsum_ref)
        colsum_ref[...] += jnp.sum(out, axis=0, keepdims=True)


def _layer_tc(h, agg, wrel, brel, wroot, mode, want_colsum):
    grid = (NP // _BR,)
    row_spec = pl.BlockSpec((_BR, D), lambda i: (i, 0))
    agg0_spec = pl.BlockSpec((1, _BR, D), lambda i: (0, i, 0))
    agg1_spec = pl.BlockSpec((1, _BR, D), lambda i: (1, i, 0))
    w_spec = pl.BlockSpec((D, D), lambda i: (0, 0))
    b_spec = pl.BlockSpec((1, D), lambda i: (0, 0))
    out_shapes = [jax.ShapeDtypeStruct((NP, D), jnp.float32)]
    out_specs = [row_spec]
    if want_colsum:
        out_shapes.append(jax.ShapeDtypeStruct((1, D), jnp.float32))
        out_specs.append(pl.BlockSpec((1, D), lambda i: (0, 0)))
        body = functools.partial(_layer_body, mode)
    else:
        def body(*refs):
            _layer_body(mode, *refs, None)
    res = pl.pallas_call(
        body,
        grid=grid,
        in_specs=[row_spec, agg0_spec, agg1_spec, w_spec, b_spec, w_spec],
        out_specs=out_specs,
        out_shape=out_shapes,
    )(h, agg, agg, wrel, brel, wroot)
    return res if want_colsum else (res[0], None)


def _proj_body(h_ref, gi_ref, cs_ref, wq_ref, bq_ref, wk_ref, bk_ref,
               wv_ref, bv_ref, wqg_ref, bqg_ref, wkg_ref, bkg_ref,
               wvg_ref, bvg_ref, q_ref, k_ref, v_ref):
    eg = jnp.concatenate([gi_ref[...], cs_ref[...] * (1.0 / N)], axis=1)
    h = h_ref[...]

    def proj(w_ref, b_ref, wg_ref, bg_ref):
        g = jnp.dot(eg, wg_ref[...], preferred_element_type=jnp.float32,
                    precision=_PREC) + bg_ref[...]
        return (jnp.dot(h, w_ref[...], preferred_element_type=jnp.float32,
                        precision=_PREC) + b_ref[...]) + g

    q_ref[...] = proj(wq_ref, bq_ref, wqg_ref, bqg_ref)
    k_ref[...] = proj(wk_ref, bk_ref, wkg_ref, bkg_ref)
    v_ref[...] = proj(wv_ref, bv_ref, wvg_ref, bvg_ref)


def _proj_tc(h, gi, colsum, p):
    grid = (NP // _BR,)
    row_spec = pl.BlockSpec((_BR, D), lambda i: (i, 0))
    qkv_spec = pl.BlockSpec((_BR, AH), lambda i: (i, 0))
    w_spec = pl.BlockSpec((D, AH), lambda i: (0, 0))
    wg_spec = pl.BlockSpec((192, AH), lambda i: (0, 0))
    b_spec = pl.BlockSpec((1, AH), lambda i: (0, 0))
    args = (h, gi, colsum,
            p['WQ'], p['bQ'].reshape(1, AH), p['WK'], p['bK'].reshape(1, AH),
            p['WV'], p['bV'].reshape(1, AH), p['WQg'], p['bQg'].reshape(1, AH),
            p['WKg'], p['bKg'].reshape(1, AH), p['WVg'], p['bVg'].reshape(1, AH))
    return pl.pallas_call(
        _proj_body,
        grid=grid,
        in_specs=[
            row_spec,
            pl.BlockSpec((1, 64), lambda i: (0, 0)),
            pl.BlockSpec((1, D), lambda i: (0, 0)),
            w_spec, b_spec, w_spec, b_spec, w_spec, b_spec,
            wg_spec, b_spec, wg_spec, b_spec, wg_spec, b_spec,
        ],
        out_specs=[qkv_spec, qkv_spec, qkv_spec],
        out_shape=[jax.ShapeDtypeStruct((NP, AH), jnp.float32)] * 3,
    )(*args)


_BI = 512


def _flash_body(q_ref, k_ref, v_ref, out_ref):
    i = pl.program_id(0)
    q = q_ref[...]
    s = lax.dot_general(q, k_ref[...], (((1,), (1,)), ((), ())),
                        preferred_element_type=jnp.float32, precision=_PREC)
    s = s * (1.0 / np.sqrt(AH))
    col = lax.broadcasted_iota(jnp.int32, (1, NP), 1)
    s = jnp.where(col < N, s, -1e30)
    m = jnp.max(s, axis=1, keepdims=True)
    p = jnp.exp(s - m)
    l = jnp.sum(p, axis=1, keepdims=True)
    o = jnp.dot(p / l, v_ref[...], preferred_element_type=jnp.float32,
                precision=_PREC)
    rid = i * _BI + lax.broadcasted_iota(jnp.int32, (_BI, 1), 0)
    o = jnp.where(rid < N, o, 0.0)

    @pl.when(i == 0)
    def _():
        out_ref[...] = jnp.zeros_like(out_ref)
    out_ref[...] += jnp.sum(o, axis=0, keepdims=True)


def _flash_tc(q, k, v):
    grid = (NP // _BI,)
    return pl.pallas_call(
        _flash_body,
        grid=grid,
        in_specs=[
            pl.BlockSpec((_BI, AH), lambda i: (i, 0)),
            pl.BlockSpec((NP, AH), lambda i: (0, 0)),
            pl.BlockSpec((NP, AH), lambda i: (0, 0)),
        ],
        out_specs=pl.BlockSpec((1, AH), lambda i: (0, 0)),
        out_shape=jax.ShapeDtypeStruct((1, AH), jnp.float32),
    )(q, k, v)


def _head_body(asum_ref, wout_ref, bout_ref, w0_ref, b0_ref, w1_ref, b1_ref,
               w2_ref, b2_ref, w3_ref, b3_ref, out_ref):
    aggregated = asum_ref[...] * (1.0 / N)
    se = jnp.dot(aggregated, wout_ref[...],
                 preferred_element_type=jnp.float32, precision=_PREC) + bout_ref[...]
    a = jnp.maximum(jnp.dot(se, w0_ref[...], preferred_element_type=jnp.float32, precision=_PREC)
                    + b0_ref[...], 0.0)
    a = jnp.maximum(jnp.dot(a, w1_ref[...], preferred_element_type=jnp.float32, precision=_PREC)
                    + b1_ref[...], 0.0)
    a = jnp.maximum(jnp.dot(a, w2_ref[...], preferred_element_type=jnp.float32, precision=_PREC)
                    + b2_ref[...], 0.0)
    out_ref[...] = jnp.dot(a, w3_ref[...],
                           preferred_element_type=jnp.float32, precision=_PREC) + b3_ref[...]


def _head_tc(asum, p):
    args = (asum, p['Wout'], p['bout'].reshape(1, -1),
            p['fcW0'], p['fcb0'].reshape(1, -1), p['fcW1'],
            p['fcb1'].reshape(1, -1), p['fcW2'], p['fcb2'].reshape(1, -1),
            p['fcW3'], p['fcb3'].reshape(1, -1))
    return pl.pallas_call(
        _head_body,
        out_shape=jax.ShapeDtypeStruct((1, 32), jnp.float32),
    )(*args)


def kernel(node_features, global_info, edge_index, params):
    p = params
    h = jnp.zeros((NP, D), jnp.float32).at[:N].set(node_features)
    src = edge_index[0].astype(jnp.int32)
    dst = edge_index[1].astype(jnp.int32)
    pad = EPAD - E
    src_r = jnp.concatenate([src, jnp.zeros((pad,), jnp.int32)]).reshape(
        NSC * NTILE, CPT, CH)
    dst_r = jnp.concatenate([dst, jnp.full((pad,), N, jnp.int32)]).reshape(
        NSC * NTILE, CPT, CH)
    gi = global_info.reshape(1, 64)

    colsum = None
    for i in range(4):
        agg = _segsum_sc(h, src_r, dst_r)
        mode = 0 if i == 0 else (1 if i in (1, 2) else 3)
        h, colsum = _layer_tc(h, agg, p['Wrel%d' % i],
                              p['brel%d' % i].reshape(1, D),
                              p['Wroot%d' % i], mode, want_colsum=(i == 3))

    q, k, v = _proj_tc(h, gi, colsum, p)
    asum = _flash_tc(q, k, v)
    out = _head_tc(asum, p)
    return out.reshape(1, 1, 32)

# --- scband reference (transcript-rebuilt; emitter-appended) ---
"""Pipeline reference for scband-actor-77635828842749 (READ-ONLY COPY).

The authoritative reference and input builder live on the scoring server;
editing this copy changes nothing except your own understanding.
"""

import jax, jax.numpy as jnp
import numpy as np

N = 10000
E = 160000
DIN = 128
DH = 128
DOUT = 128
GRAW = 64
GDIM = GRAW + DOUT  # 192
AH = 64
FSD = 128
ADIM = 32


def _lin(key, i, o):
    return jax.random.normal(key, (i, o), jnp.float32) / np.sqrt(i)


def setup_inputs(seed: int = 0):
    key = jax.random.key(seed)
    keys = jax.random.split(key, 40)
    node_features = jax.random.normal(keys[0], (N, DIN), jnp.float32)
    global_info = jax.random.normal(keys[1], (1, 1, GRAW), jnp.float32)
    edge_index = jax.random.randint(keys[2], (2, E), 0, N)
    params = {}
    dims = [(DIN, DH), (DH, DH), (DH, DH), (DH, DOUT)]
    k = 3
    for i, (a, b) in enumerate(dims):
        params['Wrel%d' % i] = _lin(keys[k], a, b); k += 1
        params['brel%d' % i] = jnp.zeros((b,), jnp.float32)
        params['Wroot%d' % i] = _lin(keys[k], a, b); k += 1
    for nm in ['WQ', 'WK', 'WV']:
        params[nm] = _lin(keys[k], DOUT, AH); k += 1
        params['b' + nm[1:]] = jnp.zeros((AH,), jnp.float32)
    for nm in ['WQg', 'WKg', 'WVg']:
        params[nm] = _lin(keys[k], GDIM, AH); k += 1
        params['b' + nm[1:]] = jnp.zeros((AH,), jnp.float32)
    params['Wout'] = _lin(keys[k], AH, FSD); k += 1
    params['bout'] = jnp.zeros((FSD,), jnp.float32)
    fc_dims = [(FSD, 256), (256, 256), (256, 128), (128, ADIM)]
    for i, (a, b) in enumerate(fc_dims):
        params['fcW%d' % i] = _lin(keys[k], a, b); k += 1
        params['fcb%d' % i] = jnp.zeros((b,), jnp.float32)
    return {'node_features': node_features, 'global_info': global_info,
            'edge_index': edge_index, 'params': params}


def _forward(x, global_info, params, edge_index):
    src = edge_index[0]
    dst = edge_index[1]
    h = x
    for i in range(4):
        agg = jax.ops.segment_sum(h[src], dst, num_segments=N)
        out = agg @ params['Wrel%d' % i] + params['brel%d' % i] + h @ params['Wroot%d' % i]
        if i == 0:
            h = jax.nn.relu(out)
        elif i in (1, 2):
            h = jax.nn.relu(out) + h
        else:
            h = out
    node_embed = h  # [N, DOUT]
    h_G = jnp.mean(node_embed, axis=0, keepdims=True)[None]  # [1, 1, DOUT]
    eg = jnp.concatenate([global_info, h_G], axis=-1)  # [1, 1, GDIM]
    Q = (node_embed @ params['WQ'] + params['bQ']) + (eg @ params['WQg'] + params['bQg'])
    K = (node_embed @ params['WK'] + params['bK']) + (eg @ params['WKg'] + params['bKg'])
    V = (node_embed @ params['WV'] + params['bV']) + (eg @ params['WVg'] + params['bVg'])
    # Q, K, V: [1, N, AH] via broadcasting
    scores = jax.nn.softmax((Q @ jnp.swapaxes(K, -2, -1)) / np.sqrt(AH), axis=-1)
    weighted = scores @ V  # [1, N, AH]
    aggregated = jnp.mean(weighted, axis=1, keepdims=True)  # [1, 1, AH]
    se = aggregated @ params['Wout'] + params['bout']
    a = jax.nn.relu(se @ params['fcW0'] + params['fcb0'])
    a = jax.nn.relu(a @ params['fcW1'] + params['fcb1'])
    a = jax.nn.relu(a @ params['fcW2'] + params['fcb2'])
    return a @ params['fcW3'] + params['fcb3']


def reference(node_features, global_info, edge_index, params):
    return _forward(node_features, global_info, params, edge_index)

if __name__ == "__main__":
    import jax
    _d = setup_inputs()
    print(jax.jit(kernel)(*tuple(_d.values())))

</pallas_src>

<mosaic_0001>
#map = affine_map<(d0, d1) -> (0, 0)>
#map1 = affine_map<(d0, d1) -> (0, 0, 0)>
module attributes {stable_mosaic.version = 14 : i64} {
  func.func @seg_kernel(%arg0: i32, %arg1: i32, %arg2: memref<10240x128xf32, #tpu.memory_space<hbm>>, %arg3: memref<32x40x128xi32, #tpu.memory_space<hbm>>, %arg4: memref<32x40x128xi32, #tpu.memory_space<hbm>>, %arg5: memref<2x10240x128xf32, #tpu.memory_space<hbm>>, %arg6: memref<40x128xi32, #tpu.memory_space<vmem>>, %arg7: memref<40x128xi32, #tpu.memory_space<vmem>>, %arg8: memref<128x128xf32, #tpu.memory_space<vmem>>, %arg9: memref<128x128xf32, #tpu.memory_space<vmem>>, %arg10: memref<10240x128xf32, #tpu.memory_space<vmem_shared>>, %arg11: memref<!tpu.dma_semaphore, #tpu.memory_space<semaphore_mem>>, %arg12: memref<!tpu.dma_semaphore, #tpu.memory_space<semaphore_mem>>, %arg13: memref<!tpu.dma_semaphore, #tpu.memory_space<semaphore_mem>>, %arg14: memref<!tpu.dma_semaphore, #tpu.memory_space<semaphore_mem>>) attributes {dimension_semantics = [#tpu.dimension_semantics<core_parallel>, #tpu.dimension_semantics<subcore_parallel>], iteration_bounds = array<i64: 2, 16>, scalar_prefetch = 0 : i64, scratch_operands = 9 : i64, tpu.core_type = #tpu.core_type<sc_vector_subcore>, window_params = [{transform_indices = #map}, {transform_indices = #map1}, {transform_indices = #map1}, {transform_indices = #map1}]} {
    %mul3A = arith.constant 16 : i32
    %mul3A_0 = arith.muli %arg0, %mul3A : i32
    %add3A = arith.addi %mul3A_0, %arg1 : i32
    "tpu.region"() ({
      %run_scoped3A = tpu.sem_alloc : memref<!tpu.dma_semaphore, #tpu.memory_space<semaphore_mem>>
      %dma_start3A_91 = arith.constant 0 : i32
      %dma_start3A_92 = arith.constant 0 : i32
      %dma_start3A_93 = tpu.memref_slice %arg3[%add3A, %dma_start3A_91, %dma_start3A_92] : memref<32x40x128xi32, #tpu.memory_space<hbm>> -> memref<1x40x128xi32, #tpu.memory_space<hbm>>
      %dma_start3A_94 = tpu.memref_squeeze %dma_start3A_93 : memref<1x40x128xi32, #tpu.memory_space<hbm>> -> memref<40x128xi32, #tpu.memory_space<hbm>>
      %dma_start3A_95 = arith.constant 0 : i32
      %dma_start3A_96 = arith.constant 0 : i32
      %dma_start3A_97 = tpu.memref_slice %arg3[%add3A, %dma_start3A_95, %dma_start3A_96] : memref<32x40x128xi32, #tpu.memory_space<hbm>> -> memref<1x40x128xi32, #tpu.memory_space<hbm>>
      %dma_start3A_98 = tpu.memref_squeeze %dma_start3A_97 : memref<1x40x128xi32, #tpu.memory_space<hbm>> -> memref<40x128xi32, #tpu.memory_space<hbm>>
      tpu.enqueue_dma source(%dma_start3A_98 : memref<40x128xi32, #tpu.memory_space<hbm>>) target(%arg6 : memref<40x128xi32, #tpu.memory_space<vmem>>) target_semaphore(%run_scoped3A : memref<!tpu.dma_semaphore, #tpu.memory_space<semaphore_mem>>)
      %dma_wait3A_99 = arith.constant 0 : i32
      %dma_wait3A_100 = arith.constant 0 : i32
      %dma_wait3A_101 = tpu.memref_slice %arg3[%add3A, %dma_wait3A_99, %dma_wait3A_100] : memref<32x40x128xi32, #tpu.memory_space<hbm>> -> memref<1x40x128xi32, #tpu.memory_space<hbm>>
      %dma_wait3A_102 = tpu.memref_squeeze %dma_wait3A_101 : memref<1x40x128xi32, #tpu.memory_space<hbm>> -> memref<40x128xi32, #tpu.memory_space<hbm>>
      %dma_wait3A_103 = arith.constant 0 : i32
      %dma_wait3A_104 = arith.constant 0 : i32
      %dma_wait3A_105 = tpu.memref_slice %arg3[%add3A, %dma_wait3A_103, %dma_wait3A_104] : memref<32x40x128xi32, #tpu.memory_space<hbm>> -> memref<1x40x128xi32, #tpu.memory_space<hbm>>
      %dma_wait3A_106 = tpu.memref_squeeze %dma_wait3A_105 : memref<1x40x128xi32, #tpu.memory_space<hbm>> -> memref<40x128xi32, #tpu.memory_space<hbm>>
      tpu.wait_dma2 semaphore(%run_scoped3A : memref<!tpu.dma_semaphore, #tpu.memory_space<semaphore_mem>>) src(%dma_wait3A_106 : memref<40x128xi32, #tpu.memory_space<hbm>>) dst(%arg6 : memref<40x128xi32, #tpu.memory_space<vmem>>)
      tpu.yield
    }) : () -> ()
    "tpu.region"() ({
      %run_scoped3A = tpu.sem_alloc : memref<!tpu.dma_semaphore, #tpu.memory_space<semaphore_mem>>
      %dma_start3A_91 = arith.constant 0 : i32
      %dma_start3A_92 = arith.constant 0 : i32
      %dma_start3A_93 = tpu.memref_slice %arg4[%add3A, %dma_start3A_91, %dma_start3A_92] : memref<32x40x128xi32, #tpu.memory_space<hbm>> -> memref<1x40x128xi32, #tpu.memory_space<hbm>>
      %dma_start3A_94 = tpu.memref_squeeze %dma_start3A_93 : memref<1x40x128xi32, #tpu.memory_space<hbm>> -> memref<40x128xi32, #tpu.memory_space<hbm>>
      %dma_start3A_95 = arith.constant 0 : i32
      %dma_start3A_96 = arith.constant 0 : i32
      %dma_start3A_97 = tpu.memref_slice %arg4[%add3A, %dma_start3A_95, %dma_start3A_96] : memref<32x40x128xi32, #tpu.memory_space<hbm>> -> memref<1x40x128xi32, #tpu.memory_space<hbm>>
      %dma_start3A_98 = tpu.memref_squeeze %dma_start3A_97 : memref<1x40x128xi32, #tpu.memory_space<hbm>> -> memref<40x128xi32, #tpu.memory_space<hbm>>
      tpu.enqueue_dma source(%dma_start3A_98 : memref<40x128xi32, #tpu.memory_space<hbm>>) target(%arg7 : memref<40x128xi32, #tpu.memory_space<vmem>>) target_semaphore(%run_scoped3A : memref<!tpu.dma_semaphore, #tpu.memory_space<semaphore_mem>>)
      %dma_wait3A_99 = arith.constant 0 : i32
      %dma_wait3A_100 = arith.constant 0 : i32
      %dma_wait3A_101 = tpu.memref_slice %arg4[%add3A, %dma_wait3A_99, %dma_wait3A_100] : memref<32x40x128xi32, #tpu.memory_space<hbm>> -> memref<1x40x128xi32, #tpu.memory_space<hbm>>
      %dma_wait3A_102 = tpu.memref_squeeze %dma_wait3A_101 : memref<1x40x128xi32, #tpu.memory_space<hbm>> -> memref<40x128xi32, #tpu.memory_space<hbm>>
      %dma_wait3A_103 = arith.constant 0 : i32
      %dma_wait3A_104 = arith.constant 0 : i32
      %dma_wait3A_105 = tpu.memref_slice %arg4[%add3A, %dma_wait3A_103, %dma_wait3A_104] : memref<32x40x128xi32, #tpu.memory_space<hbm>> -> memref<1x40x128xi32, #tpu.memory_space<hbm>>
      %dma_wait3A_106 = tpu.memref_squeeze %dma_wait3A_105 : memref<1x40x128xi32, #tpu.memory_space<hbm>> -> memref<40x128xi32, #tpu.memory_space<hbm>>
      tpu.wait_dma2 semaphore(%run_scoped3A : memref<!tpu.dma_semaphore, #tpu.memory_space<semaphore_mem>>) src(%dma_wait3A_106 : memref<40x128xi32, #tpu.memory_space<hbm>>) dst(%arg7 : memref<40x128xi32, #tpu.memory_space<vmem>>)
      tpu.yield
    }) : () -> ()
    %scan3A = arith.constant 0 : i32
    %scan3A_1 = arith.constant 0 : i32
    %scan3A_2 = arith.constant 128 : i32
    %scan3A_3 = arith.addi %scan3A_1, %scan3A_2 : i32
    %scan3A_4 = arith.constant 1 : i32
    scf.for %scan3A_91 = %scan3A_1 to %scan3A_3 step %scan3A_4  : i32 {
      %broadcast_in_dim3A = arith.constant 0.000000e+00 : f32
      %broadcast_in_dim3A_92 = vector.broadcast %broadcast_in_dim3A : f32 to vector<16xf32>
      %swap3A = arith.index_cast %scan3A_91 : i32 to index
      %swap3A_93 = arith.constant 0 : index
      %swap3A_94 = tpu.vector_load %arg8[%swap3A, %swap3A_93] {strides = array<i32>} : memref<128x128xf32, #tpu.memory_space<vmem>>, vector<1x16xf32>,
      %swap3A_95 = vector.shape_cast %swap3A_94 : vector<1x16xf32> to vector<16xf32>
      %swap3A_96 = vector.shape_cast %broadcast_in_dim3A_92 : vector<16xf32> to vector<1x16xf32>
      tpu.vector_store %arg8[%swap3A, %swap3A_93], %swap3A_96 {strides = array<i32>} : memref<128x128xf32, #tpu.memory_space<vmem>>, vector<1x16xf32>,
      %broadcast_in_dim3A_97 = arith.constant 0.000000e+00 : f32
      %broadcast_in_dim3A_98 = vector.broadcast %broadcast_in_dim3A_97 : f32 to vector<16xf32>
      %swap3A_99 = arith.index_cast %scan3A_91 : i32 to index
      %swap3A_100 = arith.constant 16 : index
      %swap3A_101 = tpu.vector_load %arg8[%swap3A_99, %swap3A_100] {strides = array<i32>} : memref<128x128xf32, #tpu.memory_space<vmem>>, vector<1x16xf32>,
      %swap3A_102 = vector.shape_cast %swap3A_101 : vector<1x16xf32> to vector<16xf32>
      %swap3A_103 = vector.shape_cast %broadcast_in_dim3A_98 : vector<16xf32> to vector<1x16xf32>
      tpu.vector_store %arg8[%swap3A_99, %swap3A_100], %swap3A_103 {strides = array<i32>} : memref<128x128xf32, #tpu.memory_space<vmem>>, vector<1x16xf32>,
      %broadcast_in_dim3A_104 = arith.constant 0.000000e+00 : f32
      %broadcast_in_dim3A_105 = vector.broadcast %broadcast_in_dim3A_104 : f32 to vector<16xf32>
      %swap3A_106 = arith.index_cast %scan3A_91 : i32 to index
      %swap3A_107 = arith.constant 32 : index
      %swap3A_108 = tpu.vector_load %arg8[%swap3A_106, %swap3A_107] {strides = array<i32>} : memref<128x128xf32, #tpu.memory_space<vmem>>, vector<1x16xf32>,
      %swap3A_109 = vector.shape_cast %swap3A_108 : vector<1x16xf32> to vector<16xf32>
      %swap3A_110 = vector.shape_cast %broadcast_in_dim3A_105 : vector<16xf32> to vector<1x16xf32>
      tpu.vector_store %arg8[%swap3A_106, %swap3A_107], %swap3A_110 {strides = array<i32>} : memref<128x128xf32, #tpu.memory_space<vmem>>, vector<1x16xf32>,
      %broadcast_in_dim3A_111 = arith.constant 0.000000e+00 : f32
      %broadcast_in_dim3A_112 = vector.broadcast %broadcast_in_dim3A_111 : f32 to vector<16xf32>
      %swap3A_113 = arith.index_cast %scan3A_91 : i32 to index
      %swap3A_114 = arith.constant 48 : index
      %swap3A_115 = tpu.vector_load %arg8[%swap3A_113, %swap3A_114] {strides = array<i32>} : memref<128x128xf32, #tpu.memory_space<vmem>>, vector<1x16xf32>,
      %swap3A_116 = vector.shape_cast %swap3A_115 : vector<1x16xf32> to vector<16xf32>
      %swap3A_117 = vector.shape_cast %broadcast_in_dim3A_112 : vector<16xf32> to vector<1x16xf32>
      tpu.vector_store %arg8[%swap3A_113, %swap3A_114], %swap3A_117 {strides = array<i32>} : memref<128x128xf32, #tpu.memory_space<vmem>>, vector<1x16xf32>,
      %broadcast_in_dim3A_118 = arith.constant 0.000000e+00 : f32
      %broadcast_in_dim3A_119 = vector.broadcast %broadcast_in_dim3A_118 : f32 to vector<16xf32>
      %swap3A_120 = arith.index_cast %scan3A_91 : i32 to index
      %swap3A_121 = arith.constant 64 : index
      %swap3A_122 = tpu.vector_load %arg8[%swap3A_120, %swap3A_121] {strides = array<i32>} : memref<128x128xf32, #tpu.memory_space<vmem>>, vector<1x16xf32>,
      %swap3A_123 = vector.shape_cast %swap3A_122 : vector<1x16xf32> to vector<16xf32>
      %swap3A_124 = vector.shape_cast %broadcast_in_dim3A_119 : vector<16xf32> to vector<1x16xf32>
      tpu.vector_store %arg8[%swap3A_120, %swap3A_121], %swap3A_124 {strides = array<i32>} : memref<128x128xf32, #tpu.memory_space<vmem>>, vector<1x16xf32>,
      %broadcast_in_dim3A_125 = arith.constant 0.000000e+00 : f32
      %broadcast_in_dim3A_126 = vector.broadcast %broadcast_in_dim3A_125 : f32 to vector<16xf32>
      %swap3A_127 = arith.index_cast %scan3A_91 : i32 to index
      %swap3A_128 = arith.constant 80 : index
      %swap3A_129 = tpu.vector_load %arg8[%swap3A_127, %swap3A_128] {strides = array<i32>} : memref<128x128xf32, #tpu.memory_space<vmem>>, vector<1x16xf32>,
      %swap3A_130 = vector.shape_cast %swap3A_129 : vector<1x16xf32> to vector<16xf32>
      %swap3A_131 = vector.shape_cast %broadcast_in_dim3A_126 : vector<16xf32> to vector<1x16xf32>
      tpu.vector_store %arg8[%swap3A_127, %swap3A_128], %swap3A_131 {strides = array<i32>} : memref<128x128xf32, #tpu.memory_space<vmem>>, vector<1x16xf32>,
      %broadcast_in_dim3A_132 = arith.constant 0.000000e+00 : f32
      %broadcast_in_dim3A_133 = vector.broadcast %broadcast_in_dim3A_132 : f32 to vector<16xf32>
      %swap3A_134 = arith.index_cast %scan3A_91 : i32 to index
      %swap3A_135 = arith.constant 96 : index
      %swap3A_136 = tpu.vector_load %arg8[%swap3A_134, %swap3A_135] {strides = array<i32>} : memref<128x128xf32, #tpu.memory_space<vmem>>, vector<1x16xf32>,
      %swap3A_137 = vector.shape_cast %swap3A_136 : vector<1x16xf32> to vector<16xf32>
      %swap3A_138 = vector.shape_cast %broadcast_in_dim3A_133 : vector<16xf32> to vector<1x16xf32>
      tpu.vector_store %arg8[%swap3A_134, %swap3A_135], %swap3A_138 {strides = array<i32>} : memref<128x128xf32, #tpu.memory_space<vmem>>, vector<1x16xf32>,
      %broadcast_in_dim3A_139 = arith.constant 0.000000e+00 : f32
      %broadcast_in_dim3A_140 = vector.broadcast %broadcast_in_dim3A_139 : f32 to vector<16xf32>
      %swap3A_141 = arith.index_cast %scan3A_91 : i32 to index
      %swap3A_142 = arith.constant 112 : index
      %swap3A_143 = tpu.vector_load %arg8[%swap3A_141, %swap3A_142] {strides = array<i32>} : memref<128x128xf32, #tpu.memory_space<vmem>>, vector<1x16xf32>,
      %swap3A_144 = vector.shape_cast %swap3A_143 : vector<1x16xf32> to vector<16xf32>
      %swap3A_145 = vector.shape_cast %broadcast_in_dim3A_140 : vector<16xf32> to vector<1x16xf32>
      tpu.vector_store %arg8[%swap3A_141, %swap3A_142], %swap3A_145 {strides = array<i32>} : memref<128x128xf32, #tpu.memory_space<vmem>>, vector<1x16xf32>,
    }
    %scan3A_5 = arith.constant 128 : i32
    %mul3A_6 = arith.constant 640 : i32
    %mul3A_7 = arith.muli %arg1, %mul3A_6 : i32
    %add3A_8 = arith.constant 0 : i32
    %add3A_9 = arith.addi %mul3A_7, %add3A_8 : i32
    "tpu.region"() ({
      %run_scoped3A = tpu.sem_alloc : memref<!tpu.dma_semaphore, #tpu.memory_space<semaphore_mem>>
      %dma_start3A_91 = arith.constant 0 : i32
      %dma_start3A_92 = tpu.memref_slice %arg10[%add3A_9, %dma_start3A_91] : memref<10240x128xf32, #tpu.memory_space<vmem_shared>> -> memref<128x128xf32, #tpu.memory_space<vmem_shared>>
      %dma_start3A_93 = arith.constant 0 : i32
      %dma_start3A_94 = tpu.memref_slice %arg10[%add3A_9, %dma_start3A_93] : memref<10240x128xf32, #tpu.memory_space<vmem_shared>> -> memref<128x128xf32, #tpu.memory_space<vmem_shared>>
      tpu.enqueue_dma source(%arg8 : memref<128x128xf32, #tpu.memory_space<vmem>>) target(%dma_start3A_94 : memref<128x128xf32, #tpu.memory_space<vmem_shared>>) target_semaphore(%run_scoped3A : memref<!tpu.dma_semaphore, #tpu.memory_space<semaphore_mem>>)
      %dma_wait3A_95 = arith.constant 0 : i32
      %dma_wait3A_96 = tpu.memref_slice %arg10[%add3A_9, %dma_wait3A_95] : memref<10240x128xf32, #tpu.memory_space<vmem_shared>> -> memref<128x128xf32, #tpu.memory_space<vmem_shared>>
      %dma_wait3A_97 = arith.constant 0 : i32
      %dma_wait3A_98 = tpu.memref_slice %arg10[%add3A_9, %dma_wait3A_97] : memref<10240x128xf32, #tpu.memory_space<vmem_shared>> -> memref<128x128xf32, #tpu.memory_space<vmem_shared>>
      tpu.wait_dma2 semaphore(%run_scoped3A : memref<!tpu.dma_semaphore, #tpu.memory_space<semaphore_mem>>) src(%arg8 : memref<128x128xf32, #tpu.memory_space<vmem>>) dst(%dma_wait3A_98 : memref<128x128xf32, #tpu.memory_space<vmem_shared>>)
      tpu.yield
    }) : () -> ()
    %mul3A_10 = arith.constant 640 : i32
    %mul3A_11 = arith.muli %arg1, %mul3A_10 : i32
    %add3A_12 = arith.constant 128 : i32
    %add3A_13 = arith.addi %mul3A_11, %add3A_12 : i32
    "tpu.region"() ({
      %run_scoped3A = tpu.sem_alloc : memref<!tpu.dma_semaphore, #tpu.memory_space<semaphore_mem>>
      %dma_start3A_91 = arith.constant 0 : i32
      %dma_start3A_92 = tpu.memref_slice %arg10[%add3A_13, %dma_start3A_91] : memref<10240x128xf32, #tpu.memory_space<vmem_shared>> -> memref<128x128xf32, #tpu.memory_space<vmem_shared>>
      %dma_start3A_93 = arith.constant 0 : i32
      %dma_start3A_94 = tpu.memref_slice %arg10[%add3A_13, %dma_start3A_93] : memref<10240x128xf32, #tpu.memory_space<vmem_shared>> -> memref<128x128xf32, #tpu.memory_space<vmem_shared>>
      tpu.enqueue_dma source(%arg8 : memref<128x128xf32, #tpu.memory_space<vmem>>) target(%dma_start3A_94 : memref<128x128xf32, #tpu.memory_space<vmem_shared>>) target_semaphore(%run_scoped3A : memref<!tpu.dma_semaphore, #tpu.memory_space<semaphore_mem>>)
      %dma_wait3A_95 = arith.constant 0 : i32
      %dma_wait3A_96 = tpu.memref_slice %arg10[%add3A_13, %dma_wait3A_95] : memref<10240x128xf32, #tpu.memory_space<vmem_shared>> -> memref<128x128xf32, #tpu.memory_space<vmem_shared>>
      %dma_wait3A_97 = arith.constant 0 : i32
      %dma_wait3A_98 = tpu.memref_slice %arg10[%add3A_13, %dma_wait3A_97] : memref<10240x128xf32, #tpu.memory_space<vmem_shared>> -> memref<128x128xf32, #tpu.memory_space<vmem_shared>>
      tpu.wait_dma2 semaphore(%run_scoped3A : memref<!tpu.dma_semaphore, #tpu.memory_space<semaphore_mem>>) src(%arg8 : memref<128x128xf32, #tpu.memory_space<vmem>>) dst(%dma_wait3A_98 : memref<128x128xf32, #tpu.memory_space<vmem_shared>>)
      tpu.yield
    }) : () -> ()
    %mul3A_14 = arith.constant 640 : i32
    %mul3A_15 = arith.muli %arg1, %mul3A_14 : i32
    %add3A_16 = arith.constant 256 : i32
    %add3A_17 = arith.addi %mul3A_15, %add3A_16 : i32
    "tpu.region"() ({
      %run_scoped3A = tpu.sem_alloc : memref<!tpu.dma_semaphore, #tpu.memory_space<semaphore_mem>>
      %dma_start3A_91 = arith.constant 0 : i32
      %dma_start3A_92 = tpu.memref_slice %arg10[%add3A_17, %dma_start3A_91] : memref<10240x128xf32, #tpu.memory_space<vmem_shared>> -> memref<128x128xf32, #tpu.memory_space<vmem_shared>>
      %dma_start3A_93 = arith.constant 0 : i32
      %dma_start3A_94 = tpu.memref_slice %arg10[%add3A_17, %dma_start3A_93] : memref<10240x128xf32, #tpu.memory_space<vmem_shared>> -> memref<128x128xf32, #tpu.memory_space<vmem_shared>>
      tpu.enqueue_dma source(%arg8 : memref<128x128xf32, #tpu.memory_space<vmem>>) target(%dma_start3A_94 : memref<128x128xf32, #tpu.memory_space<vmem_shared>>) target_semaphore(%run_scoped3A : memref<!tpu.dma_semaphore, #tpu.memory_space<semaphore_mem>>)
      %dma_wait3A_95 = arith.constant 0 : i32
      %dma_wait3A_96 = tpu.memref_slice %arg10[%add3A_17, %dma_wait3A_95] : memref<10240x128xf32, #tpu.memory_space<vmem_shared>> -> memref<128x128xf32, #tpu.memory_space<vmem_shared>>
      %dma_wait3A_97 = arith.constant 0 : i32
      %dma_wait3A_98 = tpu.memref_slice %arg10[%add3A_17, %dma_wait3A_97] : memref<10240x128xf32, #tpu.memory_space<vmem_shared>> -> memref<128x128xf32, #tpu.memory_space<vmem_shared>>
      tpu.wait_dma2 semaphore(%run_scoped3A : memref<!tpu.dma_semaphore, #tpu.memory_space<semaphore_mem>>) src(%arg8 : memref<128x128xf32, #tpu.memory_space<vmem>>) dst(%dma_wait3A_98 : memref<128x128xf32, #tpu.memory_space<vmem_shared>>)
      tpu.yield
    }) : () -> ()
    %mul3A_18 = arith.constant 640 : i32
    %mul3A_19 = arith.muli %arg1, %mul3A_18 : i32
    %add3A_20 = arith.constant 384 : i32
    %add3A_21 = arith.addi %mul3A_19, %add3A_20 : i32
    "tpu.region"() ({
      %run_scoped3A = tpu.sem_alloc : memref<!tpu.dma_semaphore, #tpu.memory_space<semaphore_mem>>
      %dma_start3A_91 = arith.constant 0 : i32
      %dma_start3A_92 = tpu.memref_slice %arg10[%add3A_21, %dma_start3A_91] : memref<10240x128xf32, #tpu.memory_space<vmem_shared>> -> memref<128x128xf32, #tpu.memory_space<vmem_shared>>
      %dma_start3A_93 = arith.constant 0 : i32
      %dma_start3A_94 = tpu.memref_slice %arg10[%add3A_21, %dma_start3A_93] : memref<10240x128xf32, #tpu.memory_space<vmem_shared>> -> memref<128x128xf32, #tpu.memory_space<vmem_shared>>
      tpu.enqueue_dma source(%arg8 : memref<128x128xf32, #tpu.memory_space<vmem>>) target(%dma_start3A_94 : memref<128x128xf32, #tpu.memory_space<vmem_shared>>) target_semaphore(%run_scoped3A : memref<!tpu.dma_semaphore, #tpu.memory_space<semaphore_mem>>)
      %dma_wait3A_95 = arith.constant 0 : i32
      %dma_wait3A_96 = tpu.memref_slice %arg10[%add3A_21, %dma_wait3A_95] : memref<10240x128xf32, #tpu.memory_space<vmem_shared>> -> memref<128x128xf32, #tpu.memory_space<vmem_shared>>
      %dma_wait3A_97 = arith.constant 0 : i32
      %dma_wait3A_98 = tpu.memref_slice %arg10[%add3A_21, %dma_wait3A_97] : memref<10240x128xf32, #tpu.memory_space<vmem_shared>> -> memref<128x128xf32, #tpu.memory_space<vmem_shared>>
      tpu.wait_dma2 semaphore(%run_scoped3A : memref<!tpu.dma_semaphore, #tpu.memory_space<semaphore_mem>>) src(%arg8 : memref<128x128xf32, #tpu.memory_space<vmem>>) dst(%dma_wait3A_98 : memref<128x128xf32, #tpu.memory_space<vmem_shared>>)
      tpu.yield
    }) : () -> ()
    %mul3A_22 = arith.constant 640 : i32
    %mul3A_23 = arith.muli %arg1, %mul3A_22 : i32
    %add3A_24 = arith.constant 512 : i32
    %add3A_25 = arith.addi %mul3A_23, %add3A_24 : i32
    "tpu.region"() ({
      %run_scoped3A = tpu.sem_alloc : memref<!tpu.dma_semaphore, #tpu.memory_space<semaphore_mem>>
      %dma_start3A_91 = arith.constant 0 : i32
      %dma_start3A_92 = tpu.memref_slice %arg10[%add3A_25, %dma_start3A_91] : memref<10240x128xf32, #tpu.memory_space<vmem_shared>> -> memref<128x128xf32, #tpu.memory_space<vmem_shared>>
      %dma_start3A_93 = arith.constant 0 : i32
      %dma_start3A_94 = tpu.memref_slice %arg10[%add3A_25, %dma_start3A_93] : memref<10240x128xf32, #tpu.memory_space<vmem_shared>> -> memref<128x128xf32, #tpu.memory_space<vmem_shared>>
      tpu.enqueue_dma source(%arg8 : memref<128x128xf32, #tpu.memory_space<vmem>>) target(%dma_start3A_94 : memref<128x128xf32, #tpu.memory_space<vmem_shared>>) target_semaphore(%run_scoped3A : memref<!tpu.dma_semaphore, #tpu.memory_space<semaphore_mem>>)
      %dma_wait3A_95 = arith.constant 0 : i32
      %dma_wait3A_96 = tpu.memref_slice %arg10[%add3A_25, %dma_wait3A_95] : memref<10240x128xf32, #tpu.memory_space<vmem_shared>> -> memref<128x128xf32, #tpu.memory_space<vmem_shared>>
      %dma_wait3A_97 = arith.constant 0 : i32
      %dma_wait3A_98 = tpu.memref_slice %arg10[%add3A_25, %dma_wait3A_97] : memref<10240x128xf32, #tpu.memory_space<vmem_shared>> -> memref<128x128xf32, #tpu.memory_space<vmem_shared>>
      tpu.wait_dma2 semaphore(%run_scoped3A : memref<!tpu.dma_semaphore, #tpu.memory_space<semaphore_mem>>) src(%arg8 : memref<128x128xf32, #tpu.memory_space<vmem>>) dst(%dma_wait3A_98 : memref<128x128xf32, #tpu.memory_space<vmem_shared>>)
      tpu.yield
    }) : () -> ()
    %barrier3A = arith.constant 0 : index
    tpu.barrier barrier_id(%barrier3A)
    %dma_start3A = arith.constant 0 : i32
    %dma_start3A_26 = arith.constant 0 : i32
    %dma_start3A_27 = tpu.memref_slice %arg6[%dma_start3A, %dma_start3A_26] : memref<40x128xi32, #tpu.memory_space<vmem>> -> memref<1x128xi32, #tpu.memory_space<vmem>>
    %dma_start3A_28 = tpu.memref_squeeze %dma_start3A_27 : memref<1x128xi32, #tpu.memory_space<vmem>> -> memref<128xi32, #tpu.memory_space<vmem>>
    %dma_start3A_29 = arith.constant 0 : i32
    %dma_start3A_30 = arith.constant 0 : i32
    %dma_start3A_31 = tpu.memref_slice %arg2[%dma_start3A_29, %dma_start3A_30] : memref<10240x128xf32, #tpu.memory_space<hbm>> -> memref<10240x128xf32, #tpu.memory_space<hbm>>
    tpu.enqueue_indirect_dma source(%dma_start3A_31 : memref<10240x128xf32, #tpu.memory_space<hbm>>) target(%arg8 : memref<128x128xf32, #tpu.memory_space<vmem>>) offsets(%dma_start3A_28 : memref<128xi32, #tpu.memory_space<vmem>>) semaphore(%arg11 : memref<!tpu.dma_semaphore, #tpu.memory_space<semaphore_mem>>)
    %dma_start3A_32 = arith.constant 1 : i32
    %dma_start3A_33 = arith.constant 0 : i32
    %dma_start3A_34 = tpu.memref_slice %arg6[%dma_start3A_32, %dma_start3A_33] : memref<40x128xi32, #tpu.memory_space<vmem>> -> memref<1x128xi32, #tpu.memory_space<vmem>>
    %dma_start3A_35 = tpu.memref_squeeze %dma_start3A_34 : memref<1x128xi32, #tpu.memory_space<vmem>> -> memref<128xi32, #tpu.memory_space<vmem>>
    %dma_start3A_36 = arith.constant 0 : i32
    %dma_start3A_37 = arith.constant 0 : i32
    %dma_start3A_38 = tpu.memref_slice %arg2[%dma_start3A_36, %dma_start3A_37] : memref<10240x128xf32, #tpu.memory_space<hbm>> -> memref<10240x128xf32, #tpu.memory_space<hbm>>
    tpu.enqueue_indirect_dma source(%dma_start3A_38 : memref<10240x128xf32, #tpu.memory_space<hbm>>) target(%arg9 : memref<128x128xf32, #tpu.memory_space<vmem>>) offsets(%dma_start3A_35 : memref<128xi32, #tpu.memory_space<vmem>>) semaphore(%arg12 : memref<!tpu.dma_semaphore, #tpu.memory_space<semaphore_mem>>)
    %scan3A_39 = arith.constant 0 : i32
    %scan3A_40 = arith.constant 0 : i32
    %scan3A_41 = arith.constant 19 : i32
    %scan3A_42 = arith.addi %scan3A_40, %scan3A_41 : i32
    %scan3A_43 = arith.constant 1 : i32
    scf.for %scan3A_91 = %scan3A_40 to %scan3A_42 step %scan3A_43  : i32 {
      %mul3A_92 = arith.constant 2 : i32
      %mul3A_93 = arith.muli %scan3A_91, %mul3A_92 : i32
      %add3A_94 = arith.constant 0 : i32
      %add3A_95 = arith.addi %mul3A_93, %add3A_94 : i32
      %dma_wait3A_96 = arith.constant 0 : i32
      %dma_wait3A_97 = tpu.memref_slice %arg6[%add3A_95, %dma_wait3A_96] : memref<40x128xi32, #tpu.memory_space<vmem>> -> memref<1x128xi32, #tpu.memory_space<vmem>>
      %dma_wait3A_98 = tpu.memref_squeeze %dma_wait3A_97 : memref<1x128xi32, #tpu.memory_space<vmem>> -> memref<128xi32, #tpu.memory_space<vmem>>
      %dma_wait3A_99 = arith.constant 0 : i32
      %dma_wait3A_100 = arith.constant 0 : i32
      %dma_wait3A_101 = tpu.memref_slice %arg2[%dma_wait3A_99, %dma_wait3A_100] : memref<10240x128xf32, #tpu.memory_space<hbm>> -> memref<10240x128xf32, #tpu.memory_space<hbm>>
      tpu.wait_indirect_dma semaphore(%arg11 : memref<!tpu.dma_semaphore, #tpu.memory_space<semaphore_mem>>) src(%dma_wait3A_101 : memref<10240x128xf32, #tpu.memory_space<hbm>>) dst(%arg8 : memref<128x128xf32, #tpu.memory_space<vmem>>)
      %add3A_102 = arith.constant 0 : i32
      %add3A_103 = arith.addi %mul3A_93, %add3A_102 : i32
      %dma_start3A_104 = arith.constant 0 : i32
      %dma_start3A_105 = tpu.memref_slice %arg7[%add3A_103, %dma_start3A_104] : memref<40x128xi32, #tpu.memory_space<vmem>> -> memref<1x128xi32, #tpu.memory_space<vmem>>
      %dma_start3A_106 = tpu.memref_squeeze %dma_start3A_105 : memref<1x128xi32, #tpu.memory_space<vmem>> -> memref<128xi32, #tpu.memory_space<vmem>>
      %dma_start3A_107 = arith.constant 0 : i32
      %dma_start3A_108 = arith.constant 0 : i32
      %dma_start3A_109 = tpu.memref_slice %arg10[%dma_start3A_107, %dma_start3A_108] : memref<10240x128xf32, #tpu.memory_space<vmem_shared>> -> memref<10240x128xf32, #tpu.memory_space<vmem_shared>>
      tpu.enqueue_indirect_dma source(%arg8 : memref<128x128xf32, #tpu.memory_space<vmem>>) target(%dma_start3A_109 : memref<10240x128xf32, #tpu.memory_space<vmem_shared>>) offsets(%dma_start3A_106 : memref<128xi32, #tpu.memory_space<vmem>>) semaphore(%arg13 : memref<!tpu.dma_semaphore, #tpu.memory_space<semaphore_mem>>) {add = true}
      %add3A_110 = arith.constant 1 : i32
      %add3A_111 = arith.addi %mul3A_93, %add3A_110 : i32
      %dma_wait3A_112 = arith.constant 0 : i32
      %dma_wait3A_113 = tpu.memref_slice %arg6[%add3A_111, %dma_wait3A_112] : memref<40x128xi32, #tpu.memory_space<vmem>> -> memref<1x128xi32, #tpu.memory_space<vmem>>
      %dma_wait3A_114 = tpu.memref_squeeze %dma_wait3A_113 : memref<1x128xi32, #tpu.memory_space<vmem>> -> memref<128xi32, #tpu.memory_space<vmem>>
      %dma_wait3A_115 = arith.constant 0 : i32
      %dma_wait3A_116 = arith.constant 0 : i32
      %dma_wait3A_117 = tpu.memref_slice %arg2[%dma_wait3A_115, %dma_wait3A_116] : memref<10240x128xf32, #tpu.memory_space<hbm>> -> memref<10240x128xf32, #tpu.memory_space<hbm>>
      tpu.wait_indirect_dma semaphore(%arg12 : memref<!tpu.dma_semaphore, #tpu.memory_space<semaphore_mem>>) src(%dma_wait3A_117 : memref<10240x128xf32, #tpu.memory_space<hbm>>) dst(%arg9 : memref<128x128xf32, #tpu.memory_space<vmem>>)
      %add3A_118 = arith.constant 1 : i32
      %add3A_119 = arith.addi %mul3A_93, %add3A_118 : i32
      %dma_start3A_120 = arith.constant 0 : i32
      %dma_start3A_121 = tpu.memref_slice %arg7[%add3A_119, %dma_start3A_120] : memref<40x128xi32, #tpu.memory_space<vmem>> -> memref<1x128xi32, #tpu.memory_space<vmem>>
      %dma_start3A_122 = tpu.memref_squeeze %dma_start3A_121 : memref<1x128xi32, #tpu.memory_space<vmem>> -> memref<128xi32, #tpu.memory_space<vmem>>
      %dma_start3A_123 = arith.constant 0 : i32
      %dma_start3A_124 = arith.constant 0 : i32
      %dma_start3A_125 = tpu.memref_slice %arg10[%dma_start3A_123, %dma_start3A_124] : memref<10240x128xf32, #tpu.memory_space<vmem_shared>> -> memref<10240x128xf32, #tpu.memory_space<vmem_shared>>
      tpu.enqueue_indirect_dma source(%arg9 : memref<128x128xf32, #tpu.memory_space<vmem>>) target(%dma_start3A_125 : memref<10240x128xf32, #tpu.memory_space<vmem_shared>>) offsets(%dma_start3A_122 : memref<128xi32, #tpu.memory_space<vmem>>) semaphore(%arg14 : memref<!tpu.dma_semaphore, #tpu.memory_space<semaphore_mem>>) {add = true}
      %add3A_126 = arith.constant 0 : i32
      %add3A_127 = arith.addi %mul3A_93, %add3A_126 : i32
      %dma_wait3A_128 = arith.constant 0 : i32
      %dma_wait3A_129 = tpu.memref_slice %arg7[%add3A_127, %dma_wait3A_128] : memref<40x128xi32, #tpu.memory_space<vmem>> -> memref<1x128xi32, #tpu.memory_space<vmem>>
      %dma_wait3A_130 = tpu.memref_squeeze %dma_wait3A_129 : memref<1x128xi32, #tpu.memory_space<vmem>> -> memref<128xi32, #tpu.memory_space<vmem>>
      %dma_wait3A_131 = arith.constant 0 : i32
      %dma_wait3A_132 = arith.constant 0 : i32
      %dma_wait3A_133 = tpu.memref_slice %arg10[%dma_wait3A_131, %dma_wait3A_132] : memref<10240x128xf32, #tpu.memory_space<vmem_shared>> -> memref<10240x128xf32, #tpu.memory_space<vmem_shared>>
      tpu.wait_indirect_dma semaphore(%arg13 : memref<!tpu.dma_semaphore, #tpu.memory_space<semaphore_mem>>) src(%arg8 : memref<128x128xf32, #tpu.memory_space<vmem>>) dst(%dma_wait3A_133 : memref<10240x128xf32, #tpu.memory_space<vmem_shared>>)
      %add3A_134 = arith.constant 2 : i32
      %add3A_135 = arith.addi %mul3A_93, %add3A_134 : i32
      %add3A_136 = arith.constant 0 : i32
      %add3A_137 = arith.addi %add3A_135, %add3A_136 : i32
      %dma_start3A_138 = arith.constant 0 : i32
      %dma_start3A_139 = tpu.memref_slice %arg6[%add3A_137, %dma_start3A_138] : memref<40x128xi32, #tpu.memory_space<vmem>> -> memref<1x128xi32, #tpu.memory_space<vmem>>
      %dma_start3A_140 = tpu.memref_squeeze %dma_start3A_139 : memref<1x128xi32, #tpu.memory_space<vmem>> -> memref<128xi32, #tpu.memory_space<vmem>>
      %dma_start3A_141 = arith.constant 0 : i32
      %dma_start3A_142 = arith.constant 0 : i32
      %dma_start3A_143 = tpu.memref_slice %arg2[%dma_start3A_141, %dma_start3A_142] : memref<10240x128xf32, #tpu.memory_space<hbm>> -> memref<10240x128xf32, #tpu.memory_space<hbm>>
      tpu.enqueue_indirect_dma source(%dma_start3A_143 : memref<10240x128xf32, #tpu.memory_space<hbm>>) target(%arg8 : memref<128x128xf32, #tpu.memory_space<vmem>>) offsets(%dma_start3A_140 : memref<128xi32, #tpu.memory_space<vmem>>) semaphore(%arg11 : memref<!tpu.dma_semaphore, #tpu.memory_space<semaphore_mem>>)
      %add3A_144 = arith.constant 1 : i32
      %add3A_145 = arith.addi %mul3A_93, %add3A_144 : i32
      %dma_wait3A_146 = arith.constant 0 : i32
      %dma_wait3A_147 = tpu.memref_slice %arg7[%add3A_145, %dma_wait3A_146] : memref<40x128xi32, #tpu.memory_space<vmem>> -> memref<1x128xi32, #tpu.memory_space<vmem>>
      %dma_wait3A_148 = tpu.memref_squeeze %dma_wait3A_147 : memref<1x128xi32, #tpu.memory_space<vmem>> -> memref<128xi32, #tpu.memory_space<vmem>>
      %dma_wait3A_149 = arith.constant 0 : i32
      %dma_wait3A_150 = arith.constant 0 : i32
      %dma_wait3A_151 = tpu.memref_slice %arg10[%dma_wait3A_149, %dma_wait3A_150] : memref<10240x128xf32, #tpu.memory_space<vmem_shared>> -> memref<10240x128xf32, #tpu.memory_space<vmem_shared>>
      tpu.wait_indirect_dma semaphore(%arg14 : memref<!tpu.dma_semaphore, #tpu.memory_space<semaphore_mem>>) src(%arg9 : memref<128x128xf32, #tpu.memory_space<vmem>>) dst(%dma_wait3A_151 : memref<10240x128xf32, #tpu.memory_space<vmem_shared>>)
      %add3A_152 = arith.constant 2 : i32
      %add3A_153 = arith.addi %mul3A_93, %add3A_152 : i32
      %add3A_154 = arith.constant 1 : i32
      %add3A_155 = arith.addi %add3A_153, %add3A_154 : i32
      %dma_start3A_156 = arith.constant 0 : i32
      %dma_start3A_157 = tpu.memref_slice %arg6[%add3A_155, %dma_start3A_156] : memref<40x128xi32, #tpu.memory_space<vmem>> -> memref<1x128xi32, #tpu.memory_space<vmem>>
      %dma_start3A_158 = tpu.memref_squeeze %dma_start3A_157 : memref<1x128xi32, #tpu.memory_space<vmem>> -> memref<128xi32, #tpu.memory_space<vmem>>
      %dma_start3A_159 = arith.constant 0 : i32
      %dma_start3A_160 = arith.constant 0 : i32
      %dma_start3A_161 = tpu.memref_slice %arg2[%dma_start3A_159, %dma_start3A_160] : memref<10240x128xf32, #tpu.memory_space<hbm>> -> memref<10240x128xf32, #tpu.memory_space<hbm>>
      tpu.enqueue_indirect_dma source(%dma_start3A_161 : memref<10240x128xf32, #tpu.memory_space<hbm>>) target(%arg9 : memref<128x128xf32, #tpu.memory_space<vmem>>) offsets(%dma_start3A_158 : memref<128xi32, #tpu.memory_space<vmem>>) semaphore(%arg12 : memref<!tpu.dma_semaphore, #tpu.memory_space<semaphore_mem>>)
    }
    %scan3A_44 = arith.constant 19 : i32
    %dma_wait3A = arith.constant 38 : i32
    %dma_wait3A_45 = arith.constant 0 : i32
    %dma_wait3A_46 = tpu.memref_slice %arg6[%dma_wait3A, %dma_wait3A_45] : memref<40x128xi32, #tpu.memory_space<vmem>> -> memref<1x128xi32, #tpu.memory_space<vmem>>
    %dma_wait3A_47 = tpu.memref_squeeze %dma_wait3A_46 : memref<1x128xi32, #tpu.memory_space<vmem>> -> memref<128xi32, #tpu.memory_space<vmem>>
    %dma_wait3A_48 = arith.constant 0 : i32
    %dma_wait3A_49 = arith.constant 0 : i32
    %dma_wait3A_50 = tpu.memref_slice %arg2[%dma_wait3A_48, %dma_wait3A_49] : memref<10240x128xf32, #tpu.memory_space<hbm>> -> memref<10240x128xf32, #tpu.memory_space<hbm>>
    tpu.wait_indirect_dma semaphore(%arg11 : memref<!tpu.dma_semaphore, #tpu.memory_space<semaphore_mem>>) src(%dma_wait3A_50 : memref<10240x128xf32, #tpu.memory_space<hbm>>) dst(%arg8 : memref<128x128xf32, #tpu.memory_space<vmem>>)
    %dma_start3A_51 = arith.constant 38 : i32
    %dma_start3A_52 = arith.constant 0 : i32
    %dma_start3A_53 = tpu.memref_slice %arg7[%dma_start3A_51, %dma_start3A_52] : memref<40x128xi32, #tpu.memory_space<vmem>> -> memref<1x128xi32, #tpu.memory_space<vmem>>
    %dma_start3A_54 = tpu.memref_squeeze %dma_start3A_53 : memref<1x128xi32, #tpu.memory_space<vmem>> -> memref<128xi32, #tpu.memory_space<vmem>>
    %dma_start3A_55 = arith.constant 0 : i32
    %dma_start3A_56 = arith.constant 0 : i32
    %dma_start3A_57 = tpu.memref_slice %arg10[%dma_start3A_55, %dma_start3A_56] : memref<10240x128xf32, #tpu.memory_space<vmem_shared>> -> memref<10240x128xf32, #tpu.memory_space<vmem_shared>>
    tpu.enqueue_indirect_dma source(%arg8 : memref<128x128xf32, #tpu.memory_space<vmem>>) target(%dma_start3A_57 : memref<10240x128xf32, #tpu.memory_space<vmem_shared>>) offsets(%dma_start3A_54 : memref<128xi32, #tpu.memory_space<vmem>>) semaphore(%arg13 : memref<!tpu.dma_semaphore, #tpu.memory_space<semaphore_mem>>) {add = true}
    %dma_wait3A_58 = arith.constant 39 : i32
    %dma_wait3A_59 = arith.constant 0 : i32
    %dma_wait3A_60 = tpu.memref_slice %arg6[%dma_wait3A_58, %dma_wait3A_59] : memref<40x128xi32, #tpu.memory_space<vmem>> -> memref<1x128xi32, #tpu.memory_space<vmem>>
    %dma_wait3A_61 = tpu.memref_squeeze %dma_wait3A_60 : memref<1x128xi32, #tpu.memory_space<vmem>> -> memref<128xi32, #tpu.memory_space<vmem>>
    %dma_wait3A_62 = arith.constant 0 : i32
    %dma_wait3A_63 = arith.constant 0 : i32
    %dma_wait3A_64 = tpu.memref_slice %arg2[%dma_wait3A_62, %dma_wait3A_63] : memref<10240x128xf32, #tpu.memory_space<hbm>> -> memref<10240x128xf32, #tpu.memory_space<hbm>>
    tpu.wait_indirect_dma semaphore(%arg12 : memref<!tpu.dma_semaphore, #tpu.memory_space<semaphore_mem>>) src(%dma_wait3A_64 : memref<10240x128xf32, #tpu.memory_space<hbm>>) dst(%arg9 : memref<128x128xf32, #tpu.memory_space<vmem>>)
    %dma_start3A_65 = arith.constant 39 : i32
    %dma_start3A_66 = arith.constant 0 : i32
    %dma_start3A_67 = tpu.memref_slice %arg7[%dma_start3A_65, %dma_start3A_66] : memref<40x128xi32, #tpu.memory_space<vmem>> -> memref<1x128xi32, #tpu.memory_space<vmem>>
    %dma_start3A_68 = tpu.memref_squeeze %dma_start3A_67 : memref<1x128xi32, #tpu.memory_space<vmem>> -> memref<128xi32, #tpu.memory_space<vmem>>
    %dma_start3A_69 = arith.constant 0 : i32
    %dma_start3A_70 = arith.constant 0 : i32
    %dma_start3A_71 = tpu.memref_slice %arg10[%dma_start3A_69, %dma_start3A_70] : memref<10240x128xf32, #tpu.memory_space<vmem_shared>> -> memref<10240x128xf32, #tpu.memory_space<vmem_shared>>
    tpu.enqueue_indirect_dma source(%arg9 : memref<128x128xf32, #tpu.memory_space<vmem>>) target(%dma_start3A_71 : memref<10240x128xf32, #tpu.memory_space<vmem_shared>>) offsets(%dma_start3A_68 : memref<128xi32, #tpu.memory_space<vmem>>) semaphore(%arg14 : memref<!tpu.dma_semaphore, #tpu.memory_space<semaphore_mem>>) {add = true}
    %dma_wait3A_72 = arith.constant 38 : i32
    %dma_wait3A_73 = arith.constant 0 : i32
    %dma_wait3A_74 = tpu.memref_slice %arg7[%dma_wait3A_72, %dma_wait3A_73] : memref<40x128xi32, #tpu.memory_space<vmem>> -> memref<1x128xi32, #tpu.memory_space<vmem>>
    %dma_wait3A_75 = tpu.memref_squeeze %dma_wait3A_74 : memref<1x128xi32, #tpu.memory_space<vmem>> -> memref<128xi32, #tpu.memory_space<vmem>>
    %dma_wait3A_76 = arith.constant 0 : i32
    %dma_wait3A_77 = arith.constant 0 : i32
    %dma_wait3A_78 = tpu.memref_slice %arg10[%dma_wait3A_76, %dma_wait3A_77] : memref<10240x128xf32, #tpu.memory_space<vmem_shared>> -> memref<10240x128xf32, #tpu.memory_space<vmem_shared>>
    tpu.wait_indirect_dma semaphore(%arg13 : memref<!tpu.dma_semaphore, #tpu.memory_space<semaphore_mem>>) src(%arg8 : memref<128x128xf32, #tpu.memory_space<vmem>>) dst(%dma_wait3A_78 : memref<10240x128xf32, #tpu.memory_space<vmem_shared>>)
    %dma_wait3A_79 = arith.constant 39 : i32
    %dma_wait3A_80 = arith.constant 0 : i32
    %dma_wait3A_81 = tpu.memref_slice %arg7[%dma_wait3A_79, %dma_wait3A_80] : memref<40x128xi32, #tpu.memory_space<vmem>> -> memref<1x128xi32, #tpu.memory_space<vmem>>
    %dma_wait3A_82 = tpu.memref_squeeze %dma_wait3A_81 : memref<1x128xi32, #tpu.memory_space<vmem>> -> memref<128xi32, #tpu.memory_space<vmem>>
    %dma_wait3A_83 = arith.constant 0 : i32
    %dma_wait3A_84 = arith.constant 0 : i32
    %dma_wait3A_85 = tpu.memref_slice %arg10[%dma_wait3A_83, %dma_wait3A_84] : memref<10240x128xf32, #tpu.memory_space<vmem_shared>> -> memref<10240x128xf32, #tpu.memory_space<vmem_shared>>
    tpu.wait_indirect_dma semaphore(%arg14 : memref<!tpu.dma_semaphore, #tpu.memory_space<semaphore_mem>>) src(%arg9 : memref<128x128xf32, #tpu.memory_space<vmem>>) dst(%dma_wait3A_85 : memref<10240x128xf32, #tpu.memory_space<vmem_shared>>)
    %barrier3A_86 = arith.constant 0 : index
    tpu.barrier barrier_id(%barrier3A_86)
    %mul3A_87 = arith.constant 640 : i32
    %mul3A_88 = arith.muli %arg1, %mul3A_87 : i32
    %mul3A_89 = arith.constant 640 : i32
    %mul3A_90 = arith.muli %arg1, %mul3A_89 : i32
    "tpu.region"() ({
      %run_scoped3A = tpu.sem_alloc : memref<!tpu.dma_semaphore, #tpu.memory_space<semaphore_mem>>
      %dma_start3A_91 = arith.constant 0 : i32
      %dma_start3A_92 = tpu.memref_slice %arg5[%arg0, %mul3A_90, %dma_start3A_91] : memref<2x10240x128xf32, #tpu.memory_space<hbm>> -> memref<1x640x128xf32, #tpu.memory_space<hbm>>
      %dma_start3A_93 = tpu.memref_squeeze %dma_start3A_92 : memref<1x640x128xf32, #tpu.memory_space<hbm>> -> memref<640x128xf32, #tpu.memory_space<hbm>>
      %dma_start3A_94 = arith.constant 0 : i32
      %dma_start3A_95 = tpu.memref_slice %arg10[%mul3A_88, %dma_start3A_94] : memref<10240x128xf32, #tpu.memory_space<vmem_shared>> -> memref<640x128xf32, #tpu.memory_space<vmem_shared>>
      tpu.enqueue_dma source(%dma_start3A_95 : memref<640x128xf32, #tpu.memory_space<vmem_shared>>) target(%dma_start3A_93 : memref<640x128xf32, #tpu.memory_space<hbm>>) target_semaphore(%run_scoped3A : memref<!tpu.dma_semaphore, #tpu.memory_space<semaphore_mem>>)
      %dma_wait3A_96 = arith.constant 0 : i32
      %dma_wait3A_97 = tpu.memref_slice %arg5[%arg0, %mul3A_90, %dma_wait3A_96] : memref<2x10240x128xf32, #tpu.memory_space<hbm>> -> memref<1x640x128xf32, #tpu.memory_space<hbm>>
      %dma_wait3A_98 = tpu.memref_squeeze %dma_wait3A_97 : memref<1x640x128xf32, #tpu.memory_space<hbm>> -> memref<640x128xf32, #tpu.memory_space<hbm>>
      %dma_wait3A_99 = arith.constant 0 : i32
      %dma_wait3A_100 = tpu.memref_slice %arg10[%mul3A_88, %dma_wait3A_99] : memref<10240x128xf32, #tpu.memory_space<vmem_shared>> -> memref<640x128xf32, #tpu.memory_space<vmem_shared>>
      tpu.wait_dma2 semaphore(%run_scoped3A : memref<!tpu.dma_semaphore, #tpu.memory_space<semaphore_mem>>) src(%dma_wait3A_100 : memref<640x128xf32, #tpu.memory_space<vmem_shared>>) dst(%dma_wait3A_98 : memref<640x128xf32, #tpu.memory_space<hbm>>)
      tpu.yield
    }) : () -> ()
    return
  }
}

#map = affine_map<(d0, d1) -> (0, 0)>
#map1 = affine_map<(d0, d1) -> (0, 0, 0)>
module attributes {stable_mosaic.version = 14 : i64} {
  func.func @seg_kernel(%arg0: i32, %arg1: i32, %arg2: memref<10240x128xf32, #tpu.memory_space<hbm>>, %arg3: memref<32x40x128xi32, #tpu.memory_space<hbm>>, %arg4: memref<32x40x128xi32, #tpu.memory_space<hbm>>, %arg5: memref<2x10240x128xf32, #tpu.memory_space<hbm>>, %arg6: memref<40x128xi32, #tpu.memory_space<vmem>>, %arg7: memref<40x128xi32, #tpu.memory_space<vmem>>, %arg8: memref<128x128xf32, #tpu.memory_space<vmem>>, %arg9: memref<128x128xf32, #tpu.memory_space<vmem>>, %arg10: memref<10240x128xf32, #tpu.memory_space<vmem_shared>>, %arg11: memref<!tpu.dma_semaphore, #tpu.memory_space<semaphore_mem>>, %arg12: memref<!tpu.dma_semaphore, #tpu.memory_space<semaphore_mem>>, %arg13: memref<!tpu.dma_semaphore, #tpu.memory_space<semaphore_mem>>, %arg14: memref<!tpu.dma_semaphore, #tpu.memory_space<semaphore_mem>>) attributes {dimension_semantics = [#tpu.dimension_semantics<core_parallel>, #tpu.dimension_semantics<subcore_parallel>], iteration_bounds = array<i64: 2, 16>, scalar_prefetch = 0 : i64, scratch_operands = 9 : i64, tpu.core_type = #tpu.core_type<sc_vector_subcore>, window_params = [{transform_indices = #map}, {transform_indices = #map1}, {transform_indices = #map1}, {transform_indices = #map1}]} {
    %mul3A = arith.constant 16 : i32
    %mul3A_0 = arith.muli %arg0, %mul3A : i32
    %add3A = arith.addi %mul3A_0, %arg1 : i32
    "tpu.region"() ({
      %run_scoped3A = tpu.sem_alloc : memref<!tpu.dma_semaphore, #tpu.memory_space<semaphore_mem>>
      %dma_start3A_91 = arith.constant 0 : i32
      %dma_start3A_92 = arith.constant 0 : i32
      %dma_start3A_93 = tpu.memref_slice %arg3[%add3A, %dma_start3A_91, %dma_start3A_92] : memref<32x40x128xi32, #tpu.memory_space<hbm>> -> memref<1x40x128xi32, #tpu.memory_space<hbm>>
      %dma_start3A_94 = tpu.memref_squeeze %dma_start3A_93 : memref<1x40x128xi32, #tpu.memory_space<hbm>> -> memref<40x128xi32, #tpu.memory_space<hbm>>
      %dma_start3A_95 = arith.constant 0 : i32
      %dma_start3A_96 = arith.constant 0 : i32
      %dma_start3A_97 = tpu.memref_slice %arg3[%add3A, %dma_start3A_95, %dma_start3A_96] : memref<32x40x128xi32, #tpu.memory_space<hbm>> -> memref<1x40x128xi32, #tpu.memory_space<hbm>>
      %dma_start3A_98 = tpu.memref_squeeze %dma_start3A_97 : memref<1x40x128xi32, #tpu.memory_space<hbm>> -> memref<40x128xi32, #tpu.memory_space<hbm>>
      tpu.enqueue_dma source(%dma_start3A_98 : memref<40x128xi32, #tpu.memory_space<hbm>>) target(%arg6 : memref<40x128xi32, #tpu.memory_space<vmem>>) target_semaphore(%run_scoped3A : memref<!tpu.dma_semaphore, #tpu.memory_space<semaphore_mem>>)
      %dma_wait3A_99 = arith.constant 0 : i32
      %dma_wait3A_100 = arith.constant 0 : i32
      %dma_wait3A_101 = tpu.memref_slice %arg3[%add3A, %dma_wait3A_99, %dma_wait3A_100] : memref<32x40x128xi32, #tpu.memory_space<hbm>> -> memref<1x40x128xi32, #tpu.memory_space<hbm>>
      %dma_wait3A_102 = tpu.memref_squeeze %dma_wait3A_101 : memref<1x40x128xi32, #tpu.memory_space<hbm>> -> memref<40x128xi32, #tpu.memory_space<hbm>>
      %dma_wait3A_103 = arith.constant 0 : i32
      %dma_wait3A_104 = arith.constant 0 : i32
      %dma_wait3A_105 = tpu.memref_slice %arg3[%add3A, %dma_wait3A_103, %dma_wait3A_104] : memref<32x40x128xi32, #tpu.memory_space<hbm>> -> memref<1x40x128xi32, #tpu.memory_space<hbm>>
      %dma_wait3A_106 = tpu.memref_squeeze %dma_wait3A_105 : memref<1x40x128xi32, #tpu.memory_space<hbm>> -> memref<40x128xi32, #tpu.memory_space<hbm>>
      tpu.wait_dma2 semaphore(%run_scoped3A : memref<!tpu.dma_semaphore, #tpu.memory_space<semaphore_mem>>) src(%dma_wait3A_106 : memref<40x128xi32, #tpu.memory_space<hbm>>) dst(%arg6 : memref<40x128xi32, #tpu.memory_space<vmem>>)
      tpu.yield
    }) : () -> ()
    "tpu.region"() ({
      %run_scoped3A = tpu.sem_alloc : memref<!tpu.dma_semaphore, #tpu.memory_space<semaphore_mem>>
      %dma_start3A_91 = arith.constant 0 : i32
      %dma_start3A_92 = arith.constant 0 : i32
      %dma_start3A_93 = tpu.memref_slice %arg4[%add3A, %dma_start3A_91, %dma_start3A_92] : memref<32x40x128xi32, #tpu.memory_space<hbm>> -> memref<1x40x128xi32, #tpu.memory_space<hbm>>
      %dma_start3A_94 = tpu.memref_squeeze %dma_start3A_93 : memref<1x40x128xi32, #tpu.memory_space<hbm>> -> memref<40x128xi32, #tpu.memory_space<hbm>>
      %dma_start3A_95 = arith.constant 0 : i32
      %dma_start3A_96 = arith.constant 0 : i32
      %dma_start3A_97 = tpu.memref_slice %arg4[%add3A, %dma_start3A_95, %dma_start3A_96] : memref<32x40x128xi32, #tpu.memory_space<hbm>> -> memref<1x40x128xi32, #tpu.memory_space<hbm>>
      %dma_start3A_98 = tpu.memref_squeeze %dma_start3A_97 : memref<1x40x128xi32, #tpu.memory_space<hbm>> -> memref<40x128xi32, #tpu.memory_space<hbm>>
      tpu.enqueue_dma source(%dma_start3A_98 : memref<40x128xi32, #tpu.memory_space<hbm>>) target(%arg7 : memref<40x128xi32, #tpu.memory_space<vmem>>) target_semaphore(%run_scoped3A : memref<!tpu.dma_semaphore, #tpu.memory_space<semaphore_mem>>)
      %dma_wait3A_99 = arith.constant 0 : i32
      %dma_wait3A_100 = arith.constant 0 : i32
      %dma_wait3A_101 = tpu.memref_slice %arg4[%add3A, %dma_wait3A_99, %dma_wait3A_100] : memref<32x40x128xi32, #tpu.memory_space<hbm>> -> memref<1x40x128xi32, #tpu.memory_space<hbm>>
      %dma_wait3A_102 = tpu.memref_squeeze %dma_wait3A_101 : memref<1x40x128xi32, #tpu.memory_space<hbm>> -> memref<40x128xi32, #tpu.memory_space<hbm>>
      %dma_wait3A_103 = arith.constant 0 : i32
      %dma_wait3A_104 = arith.constant 0 : i32
      %dma_wait3A_105 = tpu.memref_slice %arg4[%add3A, %dma_wait3A_103, %dma_wait3A_104] : memref<32x40x128xi32, #tpu.memory_space<hbm>> -> memref<1x40x128xi32, #tpu.memory_space<hbm>>
      %dma_wait3A_106 = tpu.memref_squeeze %dma_wait3A_105 : memref<1x40x128xi32, #tpu.memory_space<hbm>> -> memref<40x128xi32, #tpu.memory_space<hbm>>
      tpu.wait_dma2 semaphore(%run_scoped3A : memref<!tpu.dma_semaphore, #tpu.memory_space<semaphore_mem>>) src(%dma_wait3A_106 : memref<40x128xi32, #tpu.memory_space<hbm>>) dst(%arg7 : memref<40x128xi32, #tpu.memory_space<vmem>>)
      tpu.yield
    }) : () -> ()
    %scan3A = arith.constant 0 : i32
    %scan3A_1 = arith.constant 0 : i32
    %scan3A_2 = arith.constant 128 : i32
    %scan3A_3 = arith.addi %scan3A_1, %scan3A_2 : i32
    %scan3A_4 = arith.constant 1 : i32
    scf.for %scan3A_91 = %scan3A_1 to %scan3A_3 step %scan3A_4  : i32 {
      %broadcast_in_dim3A = arith.constant 0.000000e+00 : f32
      %broadcast_in_dim3A_92 = vector.broadcast %broadcast_in_dim3A : f32 to vector<16xf32>
      %swap3A = arith.index_cast %scan3A_91 : i32 to index
      %swap3A_93 = arith.constant 0 : index
      %swap3A_94 = tpu.vector_load %arg8[%swap3A, %swap3A_93] {strides = array<i32>} : memref<128x128xf32, #tpu.memory_space<vmem>>, vector<1x16xf32>,
      %swap3A_95 = vector.shape_cast %swap3A_94 : vector<1x16xf32> to vector<16xf32>
      %swap3A_96 = vector.shape_cast %broadcast_in_dim3A_92 : vector<16xf32> to vector<1x16xf32>
      tpu.vector_store %arg8[%swap3A, %swap3A_93], %swap3A_96 {strides = array<i32>} : memref<128x128xf32, #tpu.memory_space<vmem>>, vector<1x16xf32>,
      %broadcast_in_dim3A_97 = arith.constant 0.000000e+00 : f32
      %broadcast_in_dim3A_98 = vector.broadcast %broadcast_in_dim3A_97 : f32 to vector<16xf32>
      %swap3A_99 = arith.index_cast %scan3A_91 : i32 to index
      %swap3A_100 = arith.constant 16 : index
      %swap3A_101 = tpu.vector_load %arg8[%swap3A_99, %swap3A_100] {strides = array<i32>} : memref<128x128xf32, #tpu.memory_space<vmem>>, vector<1x16xf32>,
      %swap3A_102 = vector.shape_cast %swap3A_101 : vector<1x16xf32> to vector<16xf32>
      %swap3A_103 = vector.shape_cast %broadcast_in_dim3A_98 : vector<16xf32> to vector<1x16xf32>
      tpu.vector_store %arg8[%swap3A_99, %swap3A_100], %swap3A_103 {strides = array<i32>} : memref<128x128xf32, #tpu.memory_space<vmem>>, vector<1x16xf32>,
      %broadcast_in_dim3A_104 = arith.constant 0.000000e+00 : f32
      %broadcast_in_dim3A_105 = vector.broadcast %broadcast_in_dim3A_104 : f32 to vector<16xf32>
      %swap3A_106 = arith.index_cast %scan3A_91 : i32 to index
      %swap3A_107 = arith.constant 32 : index
      %swap3A_108 = tpu.vector_load %arg8[%swap3A_106, %swap3A_107] {strides = array<i32>} : memref<128x128xf32, #tpu.memory_space<vmem>>, vector<1x16xf32>,
      %swap3A_109 = vector.shape_cast %swap3A_108 : vector<1x16xf32> to vector<16xf32>
      %swap3A_110 = vector.shape_cast %broadcast_in_dim3A_105 : vector<16xf32> to vector<1x16xf32>
      tpu.vector_store %arg8[%swap3A_106, %swap3A_107], %swap3A_110 {strides = array<i32>} : memref<128x128xf32, #tpu.memory_space<vmem>>, vector<1x16xf32>,
      %broadcast_in_dim3A_111 = arith.constant 0.000000e+00 : f32
      %broadcast_in_dim3A_112 = vector.broadcast %broadcast_in_dim3A_111 : f32 to vector<16xf32>
      %swap3A_113 = arith.index_cast %scan3A_91 : i32 to index
      %swap3A_114 = arith.constant 48 : index
      %swap3A_115 = tpu.vector_load %arg8[%swap3A_113, %swap3A_114] {strides = array<i32>} : memref<128x128xf32, #tpu.memory_space<vmem>>, vector<1x16xf32>,
      %swap3A_116 = vector.shape_cast %swap3A_115 : vector<1x16xf32> to vector<16xf32>
      %swap3A_117 = vector.shape_cast %broadcast_in_dim3A_112 : vector<16xf32> to vector<1x16xf32>
      tpu.vector_store %arg8[%swap3A_113, %swap3A_114], %swap3A_117 {strides = array<i32>} : memref<128x128xf32, #tpu.memory_space<vmem>>, vector<1x16xf32>,
      %broadcast_in_dim3A_118 = arith.constant 0.000000e+00 : f32
      %broadcast_in_dim3A_119 = vector.broadcast %broadcast_in_dim3A_118 : f32 to vector<16xf32>
      %swap3A_120 = arith.index_cast %scan3A_91 : i32 to index
      %swap3A_121 = arith.constant 64 : index
      %swap3A_122 = tpu.vector_load %arg8[%swap3A_120, %swap3A_121] {strides = array<i32>} : memref<128x128xf32, #tpu.memory_space<vmem>>, vector<1x16xf32>,
      %swap3A_123 = vector.shape_cast %swap3A_122 : vector<1x16xf32> to vector<16xf32>
      %swap3A_124 = vector.shape_cast %broadcast_in_dim3A_119 : vector<16xf32> to vector<1x16xf32>
      tpu.vector_store %arg8[%swap3A_120, %swap3A_121], %swap3A_124 {strides = array<i32>} : memref<128x128xf32, #tpu.memory_space<vmem>>, vector<1x16xf32>,
      %broadcast_in_dim3A_125 = arith.constant 0.000000e+00 : f32
      %broadcast_in_dim3A_126 = vector.broadcast %broadcast_in_dim3A_125 : f32 to vector<16xf32>
      %swap3A_127 = arith.index_cast %scan3A_91 : i32 to index
      %swap3A_128 = arith.constant 80 : index
      %swap3A_129 = tpu.vector_load %arg8[%swap3A_127, %swap3A_128] {strides = array<i32>} : memref<128x128xf32, #tpu.memory_space<vmem>>, vector<1x16xf32>,
      %swap3A_130 = vector.shape_cast %swap3A_129 : vector<1x16xf32> to vector<16xf32>
      %swap3A_131 = vector.shape_cast %broadcast_in_dim3A_126 : vector<16xf32> to vector<1x16xf32>
      tpu.vector_store %arg8[%swap3A_127, %swap3A_128], %swap3A_131 {strides = array<i32>} : memref<128x128xf32, #tpu.memory_space<vmem>>, vector<1x16xf32>,
      %broadcast_in_dim3A_132 = arith.constant 0.000000e+00 : f32
      %broadcast_in_dim3A_133 = vector.broadcast %broadcast_in_dim3A_132 : f32 to vector<16xf32>
      %swap3A_134 = arith.index_cast %scan3A_91 : i32 to index
      %swap3A_135 = arith.constant 96 : index
      %swap3A_136 = tpu.vector_load %arg8[%swap3A_134, %swap3A_135] {strides = array<i32>} : memref<128x128xf32, #tpu.memory_space<vmem>>, vector<1x16xf32>,
      %swap3A_137 = vector.shape_cast %swap3A_136 : vector<1x16xf32> to vector<16xf32>
      %swap3A_138 = vector.shape_cast %broadcast_in_dim3A_133 : vector<16xf32> to vector<1x16xf32>
      tpu.vector_store %arg8[%swap3A_134, %swap3A_135], %swap3A_138 {strides = array<i32>} : memref<128x128xf32, #tpu.memory_space<vmem>>, vector<1x16xf32>,
      %broadcast_in_dim3A_139 = arith.constant 0.000000e+00 : f32
      %broadcast_in_dim3A_140 = vector.broadcast %broadcast_in_dim3A_139 : f32 to vector<16xf32>
      %swap3A_141 = arith.index_cast %scan3A_91 : i32 to index
      %swap3A_142 = arith.constant 112 : index
      %swap3A_143 = tpu.vector_load %arg8[%swap3A_141, %swap3A_142] {strides = array<i32>} : memref<128x128xf32, #tpu.memory_space<vmem>>, vector<1x16xf32>,
      %swap3A_144 = vector.shape_cast %swap3A_143 : vector<1x16xf32> to vector<16xf32>
      %swap3A_145 = vector.shape_cast %broadcast_in_dim3A_140 : vector<16xf32> to vector<1x16xf32>
      tpu.vector_store %arg8[%swap3A_141, %swap3A_142], %swap3A_145 {strides = array<i32>} : memref<128x128xf32, #tpu.memory_space<vmem>>, vector<1x16xf32>,
    }
    %scan3A_5 = arith.constant 128 : i32
    %mul3A_6 = arith.constant 640 : i32
    %mul3A_7 = arith.muli %arg1, %mul3A_6 : i32
    %add3A_8 = arith.constant 0 : i32
    %add3A_9 = arith.addi %mul3A_7, %add3A_8 : i32
    "tpu.region"() ({
      %run_scoped3A = tpu.sem_alloc : memref<!tpu.dma_semaphore, #tpu.memory_space<semaphore_mem>>
      %dma_start3A_91 = arith.constant 0 : i32
      %dma_start3A_92 = tpu.memref_slice %arg10[%add3A_9, %dma_start3A_91] : memref<10240x128xf32, #tpu.memory_space<vmem_shared>> -> memref<128x128xf32, #tpu.memory_space<vmem_shared>>
      %dma_start3A_93 = arith.constant 0 : i32
      %dma_start3A_94 = tpu.memref_slice %arg10[%add3A_9, %dma_start3A_93] : memref<10240x128xf32, #tpu.memory_space<vmem_shared>> -> memref<128x128xf32, #tpu.memory_space<vmem_shared>>
      tpu.enqueue_dma source(%arg8 : memref<128x128xf32, #tpu.memory_space<vmem>>) target(%dma_start3A_94 : memref<128x128xf32, #tpu.memory_space<vmem_shared>>) target_semaphore(%run_scoped3A : memref<!tpu.dma_semaphore, #tpu.memory_space<semaphore_mem>>)
      %dma_wait3A_95 = arith.constant 0 : i32
      %dma_wait3A_96 = tpu.memref_slice %arg10[%add3A_9, %dma_wait3A_95] : memref<10240x128xf32, #tpu.memory_space<vmem_shared>> -> memref<128x128xf32, #tpu.memory_space<vmem_shared>>
      %dma_wait3A_97 = arith.constant 0 : i32
      %dma_wait3A_98 = tpu.memref_slice %arg10[%add3A_9, %dma_wait3A_97] : memref<10240x128xf32, #tpu.memory_space<vmem_shared>> -> memref<128x128xf32, #tpu.memory_space<vmem_shared>>
      tpu.wait_dma2 semaphore(%run_scoped3A : memref<!tpu.dma_semaphore, #tpu.memory_space<semaphore_mem>>) src(%arg8 : memref<128x128xf32, #tpu.memory_space<vmem>>) dst(%dma_wait3A_98 : memref<128x128xf32, #tpu.memory_space<vmem_shared>>)
      tpu.yield
    }) : () -> ()
    %mul3A_10 = arith.constant 640 : i32
    %mul3A_11 = arith.muli %arg1, %mul3A_10 : i32
    %add3A_12 = arith.constant 128 : i32
    %add3A_13 = arith.addi %mul3A_11, %add3A_12 : i32
    "tpu.region"() ({
      %run_scoped3A = tpu.sem_alloc : memref<!tpu.dma_semaphore, #tpu.memory_space<semaphore_mem>>
      %dma_start3A_91 = arith.constant 0 : i32
      %dma_start3A_92 = tpu.memref_slice %arg10[%add3A_13, %dma_start3A_91] : memref<10240x128xf32, #tpu.memory_space<vmem_shared>> -> memref<128x128xf32, #tpu.memory_space<vmem_shared>>
      %dma_start3A_93 = arith.constant 0 : i32
      %dma_start3A_94 = tpu.memref_slice %arg10[%add3A_13, %dma_start3A_93] : memref<10240x128xf32, #tpu.memory_space<vmem_shared>> -> memref<128x128xf32, #tpu.memory_space<vmem_shared>>
      tpu.enqueue_dma source(%arg8 : memref<128x128xf32, #tpu.memory_space<vmem>>) target(%dma_start3A_94 : memref<128x128xf32, #tpu.memory_space<vmem_shared>>) target_semaphore(%run_scoped3A : memref<!tpu.dma_semaphore, #tpu.memory_space<semaphore_mem>>)
      %dma_wait3A_95 = arith.constant 0 : i32
      %dma_wait3A_96 = tpu.memref_slice %arg10[%add3A_13, %dma_wait3A_95] : memref<10240x128xf32, #tpu.memory_space<vmem_shared>> -> memref<128x128xf32, #tpu.memory_space<vmem_shared>>
      %dma_wait3A_97 = arith.constant 0 : i32
      %dma_wait3A_98 = tpu.memref_slice %arg10[%add3A_13, %dma_wait3A_97] : memref<10240x128xf32, #tpu.memory_space<vmem_shared>> -> memref<128x128xf32, #tpu.memory_space<vmem_shared>>
      tpu.wait_dma2 semaphore(%run_scoped3A : memref<!tpu.dma_semaphore, #tpu.memory_space<semaphore_mem>>) src(%arg8 : memref<128x128xf32, #tpu.memory_space<vmem>>) dst(%dma_wait3A_98 : memref<128x128xf32, #tpu.memory_space<vmem_shared>>)
      tpu.yield
    }) : () -> ()
    %mul3A_14 = arith.constant 640 : i32
    %mul3A_15 = arith.muli %arg1, %mul3A_14 : i32
    %add3A_16 = arith.constant 256 : i32
    %add3A_17 = arith.addi %mul3A_15, %add3A_16 : i32
    "tpu.region"() ({
      %run_scoped3A = tpu.sem_alloc : memref<!tpu.dma_semaphore, #tpu.memory_space<semaphore_mem>>
      %dma_start3A_91 = arith.constant 0 : i32
      %dma_start3A_92 = tpu.memref_slice %arg10[%add3A_17, %dma_start3A_91] : memref<10240x128xf32, #tpu.memory_space<vmem_shared>> -> memref<128x128xf32, #tpu.memory_space<vmem_shared>>
      %dma_start3A_93 = arith.constant 0 : i32
      %dma_start3A_94 = tpu.memref_slice %arg10[%add3A_17, %dma_start3A_93] : memref<10240x128xf32, #tpu.memory_space<vmem_shared>> -> memref<128x128xf32, #tpu.memory_space<vmem_shared>>
      tpu.enqueue_dma source(%arg8 : memref<128x128xf32, #tpu.memory_space<vmem>>) target(%dma_start3A_94 : memref<128x128xf32, #tpu.memory_space<vmem_shared>>) target_semaphore(%run_scoped3A : memref<!tpu.dma_semaphore, #tpu.memory_space<semaphore_mem>>)
      %dma_wait3A_95 = arith.constant 0 : i32
      %dma_wait3A_96 = tpu.memref_slice %arg10[%add3A_17, %dma_wait3A_95] : memref<10240x128xf32, #tpu.memory_space<vmem_shared>> -> memref<128x128xf32, #tpu.memory_space<vmem_shared>>
      %dma_wait3A_97 = arith.constant 0 : i32
      %dma_wait3A_98 = tpu.memref_slice %arg10[%add3A_17, %dma_wait3A_97] : memref<10240x128xf32, #tpu.memory_space<vmem_shared>> -> memref<128x128xf32, #tpu.memory_space<vmem_shared>>
      tpu.wait_dma2 semaphore(%run_scoped3A : memref<!tpu.dma_semaphore, #tpu.memory_space<semaphore_mem>>) src(%arg8 : memref<128x128xf32, #tpu.memory_space<vmem>>) dst(%dma_wait3A_98 : memref<128x128xf32, #tpu.memory_space<vmem_shared>>)
      tpu.yield
    }) : () -> ()
    %mul3A_18 = arith.constant 640 : i32
    %mul3A_19 = arith.muli %arg1, %mul3A_18 : i32
    %add3A_20 = arith.constant 384 : i32
    %add3A_21 = arith.addi %mul3A_19, %add3A_20 : i32
    "tpu.region"() ({
      %run_scoped3A = tpu.sem_alloc : memref<!tpu.dma_semaphore, #tpu.memory_space<semaphore_mem>>
      %dma_start3A_91 = arith.constant 0 : i32
      %dma_start3A_92 = tpu.memref_slice %arg10[%add3A_21, %dma_start3A_91] : memref<10240x128xf32, #tpu.memory_space<vmem_shared>> -> memref<128x128xf32, #tpu.memory_space<vmem_shared>>
      %dma_start3A_93 = arith.constant 0 : i32
      %dma_start3A_94 = tpu.memref_slice %arg10[%add3A_21, %dma_start3A_93] : memref<10240x128xf32, #tpu.memory_space<vmem_shared>> -> memref<128x128xf32, #tpu.memory_space<vmem_shared>>
      tpu.enqueue_dma source(%arg8 : memref<128x128xf32, #tpu.memory_space<vmem>>) target(%dma_start3A_94 : memref<128x128xf32, #tpu.memory_space<vmem_shared>>) target_semaphore(%run_scoped3A : memref<!tpu.dma_semaphore, #tpu.memory_space<semaphore_mem>>)
      %dma_wait3A_95 = arith.constant 0 : i32
      %dma_wait3A_96 = tpu.memref_slice %arg10[%add3A_21, %dma_wait3A_95] : memref<10240x128xf32, #tpu.memory_space<vmem_shared>> -> memref<128x128xf32, #tpu.memory_space<vmem_shared>>
      %dma_wait3A_97 = arith.constant 0 : i32
      %dma_wait3A_98 = tpu.memref_slice %arg10[%add3A_21, %dma_wait3A_97] : memref<10240x128xf32, #tpu.memory_space<vmem_shared>> -> memref<128x128xf32, #tpu.memory_space<vmem_shared>>
      tpu.wait_dma2 semaphore(%run_scoped3A : memref<!tpu.dma_semaphore, #tpu.memory_space<semaphore_mem>>) src(%arg8 : memref<128x128xf32, #tpu.memory_space<vmem>>) dst(%dma_wait3A_98 : memref<128x128xf32, #tpu.memory_space<vmem_shared>>)
      tpu.yield
    }) : () -> ()
    %mul3A_22 = arith.constant 640 : i32
    %mul3A_23 = arith.muli %arg1, %mul3A_22 : i32
    %add3A_24 = arith.constant 512 : i32
    %add3A_25 = arith.addi %mul3A_23, %add3A_24 : i32
    "tpu.region"() ({
      %run_scoped3A = tpu.sem_alloc : memref<!tpu.dma_semaphore, #tpu.memory_space<semaphore_mem>>
      %dma_start3A_91 = arith.constant 0 : i32
      %dma_start3A_92 = tpu.memref_slice %arg10[%add3A_25, %dma_start3A_91] : memref<10240x128xf32, #tpu.memory_space<vmem_shared>> -> memref<128x128xf32, #tpu.memory_space<vmem_shared>>
      %dma_start3A_93 = arith.constant 0 : i32
      %dma_start3A_94 = tpu.memref_slice %arg10[%add3A_25, %dma_start3A_93] : memref<10240x128xf32, #tpu.memory_space<vmem_shared>> -> memref<128x128xf32, #tpu.memory_space<vmem_shared>>
      tpu.enqueue_dma source(%arg8 : memref<128x128xf32, #tpu.memory_space<vmem>>) target(%dma_start3A_94 : memref<128x128xf32, #tpu.memory_space<vmem_shared>>) target_semaphore(%run_scoped3A : memref<!tpu.dma_semaphore, #tpu.memory_space<semaphore_mem>>)
      %dma_wait3A_95 = arith.constant 0 : i32
      %dma_wait3A_96 = tpu.memref_slice %arg10[%add3A_25, %dma_wait3A_95] : memref<10240x128xf32, #tpu.memory_space<vmem_shared>> -> memref<128x128xf32, #tpu.memory_space<vmem_shared>>
      %dma_wait3A_97 = arith.constant 0 : i32
      %dma_wait3A_98 = tpu.memref_slice %arg10[%add3A_25, %dma_wait3A_97] : memref<10240x128xf32, #tpu.memory_space<vmem_shared>> -> memref<128x128xf32, #tpu.memory_space<vmem_shared>>
      tpu.wait_dma2 semaphore(%run_scoped3A : memref<!tpu.dma_semaphore, #tpu.memory_space<semaphore_mem>>) src(%arg8 : memref<128x128xf32, #tpu.memory_space<vmem>>) dst(%dma_wait3A_98 : memref<128x128xf32, #tpu.memory_space<vmem_shared>>)
      tpu.yield
    }) : () -> ()
    %barrier3A = arith.constant 0 : index
    tpu.barrier barrier_id(%barrier3A)
    %dma_start3A = arith.constant 0 : i32
    %dma_start3A_26 = arith.constant 0 : i32
    %dma_start3A_27 = tpu.memref_slice %arg6[%dma_start3A, %dma_start3A_26] : memref<40x128xi32, #tpu.memory_space<vmem>> -> memref<1x128xi32, #tpu.memory_space<vmem>>
    %dma_start3A_28 = tpu.memref_squeeze %dma_start3A_27 : memref<1x128xi32, #tpu.memory_space<vmem>> -> memref<128xi32, #tpu.memory_space<vmem>>
    %dma_start3A_29 = arith.constant 0 : i32
    %dma_start3A_30 = arith.constant 0 : i32
    %dma_start3A_31 = tpu.memref_slice %arg2[%dma_start3A_29, %dma_start3A_30] : memref<10240x128xf32, #tpu.memory_space<hbm>> -> memref<10240x128xf32, #tpu.memory_space<hbm>>
    tpu.enqueue_indirect_dma source(%dma_start3A_31 : memref<10240x128xf32, #tpu.memory_space<hbm>>) target(%arg8 : memref<128x128xf32, #tpu.memory_space<vmem>>) offsets(%dma_start3A_28 : memref<128xi32, #tpu.memory_space<vmem>>) semaphore(%arg11 : memref<!tpu.dma_semaphore, #tpu.memory_space<semaphore_mem>>)
    %dma_start3A_32 = arith.constant 1 : i32
    %dma_start3A_33 = arith.constant 0 : i32
    %dma_start3A_34 = tpu.memref_slice %arg6[%dma_start3A_32, %dma_start3A_33] : memref<40x128xi32, #tpu.memory_space<vmem>> -> memref<1x128xi32, #tpu.memory_space<vmem>>
    %dma_start3A_35 = tpu.memref_squeeze %dma_start3A_34 : memref<1x128xi32, #tpu.memory_space<vmem>> -> memref<128xi32, #tpu.memory_space<vmem>>
    %dma_start3A_36 = arith.constant 0 : i32
    %dma_start3A_37 = arith.constant 0 : i32
    %dma_start3A_38 = tpu.memref_slice %arg2[%dma_start3A_36, %dma_start3A_37] : memref<10240x128xf32, #tpu.memory_space<hbm>> -> memref<10240x128xf32, #tpu.memory_space<hbm>>
    tpu.enqueue_indirect_dma source(%dma_start3A_38 : memref<10240x128xf32, #tpu.memory_space<hbm>>) target(%arg9 : memref<128x128xf32, #tpu.memory_space<vmem>>) offsets(%dma_start3A_35 : memref<128xi32, #tpu.memory_space<vmem>>) semaphore(%arg12 : memref<!tpu.dma_semaphore, #tpu.memory_space<semaphore_mem>>)
    %scan3A_39 = arith.constant 0 : i32
    %scan3A_40 = arith.constant 0 : i32
    %scan3A_41 = arith.constant 19 : i32
    %scan3A_42 = arith.addi %scan3A_40, %scan3A_41 : i32
    %scan3A_43 = arith.constant 1 : i32
    scf.for %scan3A_91 = %scan3A_40 to %scan3A_42 step %scan3A_43  : i32 {
      %mul3A_92 = arith.constant 2 : i32
      %mul3A_93 = arith.muli %scan3A_91, %mul3A_92 : i32
      %add3A_94 = arith.constant 0 : i32
      %add3A_95 = arith.addi %mul3A_93, %add3A_94 : i32
      %dma_wait3A_96 = arith.constant 0 : i32
      %dma_wait3A_97 = tpu.memref_slice %arg6[%add3A_95, %dma_wait3A_96] : memref<40x128xi32, #tpu.memory_space<vmem>> -> memref<1x128xi32, #tpu.memory_space<vmem>>
      %dma_wait3A_98 = tpu.memref_squeeze %dma_wait3A_97 : memref<1x128xi32, #tpu.memory_space<vmem>> -> memref<128xi32, #tpu.memory_space<vmem>>
      %dma_wait3A_99 = arith.constant 0 : i32
      %dma_wait3A_100 = arith.constant 0 : i32
      %dma_wait3A_101 = tpu.memref_slice %arg2[%dma_wait3A_99, %dma_wait3A_100] : memref<10240x128xf32, #tpu.memory_space<hbm>> -> memref<10240x128xf32, #tpu.memory_space<hbm>>
      tpu.wait_indirect_dma semaphore(%arg11 : memref<!tpu.dma_semaphore, #tpu.memory_space<semaphore_mem>>) src(%dma_wait3A_101 : memref<10240x128xf32, #tpu.memory_space<hbm>>) dst(%arg8 : memref<128x128xf32, #tpu.memory_space<vmem>>)
      %add3A_102 = arith.constant 0 : i32
      %add3A_103 = arith.addi %mul3A_93, %add3A_102 : i32
      %dma_start3A_104 = arith.constant 0 : i32
      %dma_start3A_105 = tpu.memref_slice %arg7[%add3A_103, %dma_start3A_104] : memref<40x128xi32, #tpu.memory_space<vmem>> -> memref<1x128xi32, #tpu.memory_space<vmem>>
      %dma_start3A_106 = tpu.memref_squeeze %dma_start3A_105 : memref<1x128xi32, #tpu.memory_space<vmem>> -> memref<128xi32, #tpu.memory_space<vmem>>
      %dma_start3A_107 = arith.constant 0 : i32
      %dma_start3A_108 = arith.constant 0 : i32
      %dma_start3A_109 = tpu.memref_slice %arg10[%dma_start3A_107, %dma_start3A_108] : memref<10240x128xf32, #tpu.memory_space<vmem_shared>> -> memref<10240x128xf32, #tpu.memory_space<vmem_shared>>
      tpu.enqueue_indirect_dma source(%arg8 : memref<128x128xf32, #tpu.memory_space<vmem>>) target(%dma_start3A_109 : memref<10240x128xf32, #tpu.memory_space<vmem_shared>>) offsets(%dma_start3A_106 : memref<128xi32, #tpu.memory_space<vmem>>) semaphore(%arg13 : memref<!tpu.dma_semaphore, #tpu.memory_space<semaphore_mem>>) {add = true}
      %add3A_110 = arith.constant 1 : i32
      %add3A_111 = arith.addi %mul3A_93, %add3A_110 : i32
      %dma_wait3A_112 = arith.constant 0 : i32
      %dma_wait3A_113 = tpu.memref_slice %arg6[%add3A_111, %dma_wait3A_112] : memref<40x128xi32, #tpu.memory_space<vmem>> -> memref<1x128xi32, #tpu.memory_space<vmem>>
      %dma_wait3A_114 = tpu.memref_squeeze %dma_wait3A_113 : memref<1x128xi32, #tpu.memory_space<vmem>> -> memref<128xi32, #tpu.memory_space<vmem>>
      %dma_wait3A_115 = arith.constant 0 : i32
      %dma_wait3A_116 = arith.constant 0 : i32
      %dma_wait3A_117 = tpu.memref_slice %arg2[%dma_wait3A_115, %dma_wait3A_116] : memref<10240x128xf32, #tpu.memory_space<hbm>> -> memref<10240x128xf32, #tpu.memory_space<hbm>>
      tpu.wait_indirect_dma semaphore(%arg12 : memref<!tpu.dma_semaphore, #tpu.memory_space<semaphore_mem>>) src(%dma_wait3A_117 : memref<10240x128xf32, #tpu.memory_space<hbm>>) dst(%arg9 : memref<128x128xf32, #tpu.memory_space<vmem>>)
      %add3A_118 = arith.constant 1 : i32
      %add3A_119 = arith.addi %mul3A_93, %add3A_118 : i32
      %dma_start3A_120 = arith.constant 0 : i32
      %dma_start3A_121 = tpu.memref_slice %arg7[%add3A_119, %dma_start3A_120] : memref<40x128xi32, #tpu.memory_space<vmem>> -> memref<1x128xi32, #tpu.memory_space<vmem>>
      %dma_start3A_122 = tpu.memref_squeeze %dma_start3A_121 : memref<1x128xi32, #tpu.memory_space<vmem>> -> memref<128xi32, #tpu.memory_space<vmem>>
      %dma_start3A_123 = arith.constant 0 : i32
      %dma_start3A_124 = arith.constant 0 : i32
      %dma_start3A_125 = tpu.memref_slice %arg10[%dma_start3A_123, %dma_start3A_124] : memref<10240x128xf32, #tpu.memory_space<vmem_shared>> -> memref<10240x128xf32, #tpu.memory_space<vmem_shared>>
      tpu.enqueue_indirect_dma source(%arg9 : memref<128x128xf32, #tpu.memory_space<vmem>>) target(%dma_start3A_125 : memref<10240x128xf32, #tpu.memory_space<vmem_shared>>) offsets(%dma_start3A_122 : memref<128xi32, #tpu.memory_space<vmem>>) semaphore(%arg14 : memref<!tpu.dma_semaphore, #tpu.memory_space<semaphore_mem>>) {add = true}
      %add3A_126 = arith.constant 0 : i32
      %add3A_127 = arith.addi %mul3A_93, %add3A_126 : i32
      %dma_wait3A_128 = arith.constant 0 : i32
      %dma_wait3A_129 = tpu.memref_slice %arg7[%add3A_127, %dma_wait3A_128] : memref<40x128xi32, #tpu.memory_space<vmem>> -> memref<1x128xi32, #tpu.memory_space<vmem>>
      %dma_wait3A_130 = tpu.memref_squeeze %dma_wait3A_129 : memref<1x128xi32, #tpu.memory_space<vmem>> -> memref<128xi32, #tpu.memory_space<vmem>>
      %dma_wait3A_131 = arith.constant 0 : i32
      %dma_wait3A_132 = arith.constant 0 : i32
      %dma_wait3A_133 = tpu.memref_slice %arg10[%dma_wait3A_131, %dma_wait3A_132] : memref<10240x128xf32, #tpu.memory_space<vmem_shared>> -> memref<10240x128xf32, #tpu.memory_space<vmem_shared>>
      tpu.wait_indirect_dma semaphore(%arg13 : memref<!tpu.dma_semaphore, #tpu.memory_space<semaphore_mem>>) src(%arg8 : memref<128x128xf32, #tpu.memory_space<vmem>>) dst(%dma_wait3A_133 : memref<10240x128xf32, #tpu.memory_space<vmem_shared>>)
      %add3A_134 = arith.constant 2 : i32
      %add3A_135 = arith.addi %mul3A_93, %add3A_134 : i32
      %add3A_136 = arith.constant 0 : i32
      %add3A_137 = arith.addi %add3A_135, %add3A_136 : i32
      %dma_start3A_138 = arith.constant 0 : i32
      %dma_start3A_139 = tpu.memref_slice %arg6[%add3A_137, %dma_start3A_138] : memref<40x128xi32, #tpu.memory_space<vmem>> -> memref<1x128xi32, #tpu.memory_space<vmem>>
      %dma_start3A_140 = tpu.memref_squeeze %dma_start3A_139 : memref<1x128xi32, #tpu.memory_space<vmem>> -> memref<128xi32, #tpu.memory_space<vmem>>
      %dma_start3A_141 = arith.constant 0 : i32
      %dma_start3A_142 = arith.constant 0 : i32
      %dma_start3A_143 = tpu.memref_slice %arg2[%dma_start3A_141, %dma_start3A_142] : memref<10240x128xf32, #tpu.memory_space<hbm>> -> memref<10240x128xf32, #tpu.memory_space<hbm>>
      tpu.enqueue_indirect_dma source(%dma_start3A_143 : memref<10240x128xf32, #tpu.memory_space<hbm>>) target(%arg8 : memref<128x128xf32, #tpu.memory_space<vmem>>) offsets(%dma_start3A_140 : memref<128xi32, #tpu.memory_space<vmem>>) semaphore(%arg11 : memref<!tpu.dma_semaphore, #tpu.memory_space<semaphore_mem>>)
      %add3A_144 = arith.constant 1 : i32
      %add3A_145 = arith.addi %mul3A_93, %add3A_144 : i32
      %dma_wait3A_146 = arith.constant 0 : i32
      %dma_wait3A_147 = tpu.memref_slice %arg7[%add3A_145, %dma_wait3A_146] : memref<40x128xi32, #tpu.memory_space<vmem>> -> memref<1x128xi32, #tpu.memory_space<vmem>>
      %dma_wait3A_148 = tpu.memref_squeeze %dma_wait3A_147 : memref<1x128xi32, #tpu.memory_space<vmem>> -> memref<128xi32, #tpu.memory_space<vmem>>
      %dma_wait3A_149 = arith.constant 0 : i32
      %dma_wait3A_150 = arith.constant 0 : i32
      %dma_wait3A_151 = tpu.memref_slice %arg10[%dma_wait3A_149, %dma_wait3A_150] : memref<10240x128xf32, #tpu.memory_space<vmem_shared>> -> memref<10240x128xf32, #tpu.memory_space<vmem_shared>>
      tpu.wait_indirect_dma semaphore(%arg14 : memref<!tpu.dma_semaphore, #tpu.memory_space<semaphore_mem>>) src(%arg9 : memref<128x128xf32, #tpu.memory_space<vmem>>) dst(%dma_wait3A_151 : memref<10240x128xf32, #tpu.memory_space<vmem_shared>>)
      %add3A_152 = arith.constant 2 : i32
      %add3A_153 = arith.addi %mul3A_93, %add3A_152 : i32
      %add3A_154 = arith.constant 1 : i32
      %add3A_155 = arith.addi %add3A_153, %add3A_154 : i32
      %dma_start3A_156 = arith.constant 0 : i32
      %dma_start3A_157 = tpu.memref_slice %arg6[%add3A_155, %dma_start3A_156] : memref<40x128xi32, #tpu.memory_space<vmem>> -> memref<1x128xi32, #tpu.memory_space<vmem>>
      %dma_start3A_158 = tpu.memref_squeeze %dma_start3A_157 : memref<1x128xi32, #tpu.memory_space<vmem>> -> memref<128xi32, #tpu.memory_space<vmem>>
      %dma_start3A_159 = arith.constant 0 : i32
      %dma_start3A_160 = arith.constant 0 : i32
      %dma_start3A_161 = tpu.memref_slice %arg2[%dma_start3A_159, %dma_start3A_160] : memref<10240x128xf32, #tpu.memory_space<hbm>> -> memref<10240x128xf32, #tpu.memory_space<hbm>>
      tpu.enqueue_indirect_dma source(%dma_start3A_161 : memref<10240x128xf32, #tpu.memory_space<hbm>>) target(%arg9 : memref<128x128xf32, #tpu.memory_space<vmem>>) offsets(%dma_start3A_158 : memref<128xi32, #tpu.memory_space<vmem>>) semaphore(%arg12 : memref<!tpu.dma_semaphore, #tpu.memory_space<semaphore_mem>>)
    }
    %scan3A_44 = arith.constant 19 : i32
    %dma_wait3A = arith.constant 38 : i32
    %dma_wait3A_45 = arith.constant 0 : i32
    %dma_wait3A_46 = tpu.memref_slice %arg6[%dma_wait3A, %dma_wait3A_45] : memref<40x128xi32, #tpu.memory_space<vmem>> -> memref<1x128xi32, #tpu.memory_space<vmem>>
    %dma_wait3A_47 = tpu.memref_squeeze %dma_wait3A_46 : memref<1x128xi32, #tpu.memory_space<vmem>> -> memref<128xi32, #tpu.memory_space<vmem>>
    %dma_wait3A_48 = arith.constant 0 : i32
    %dma_wait3A_49 = arith.constant 0 : i32
    %dma_wait3A_50 = tpu.memref_slice %arg2[%dma_wait3A_48, %dma_wait3A_49] : memref<10240x128xf32, #tpu.memory_space<hbm>> -> memref<10240x128xf32, #tpu.memory_space<hbm>>
    tpu.wait_indirect_dma semaphore(%arg11 : memref<!tpu.dma_semaphore, #tpu.memory_space<semaphore_mem>>) src(%dma_wait3A_50 : memref<10240x128xf32, #tpu.memory_space<hbm>>) dst(%arg8 : memref<128x128xf32, #tpu.memory_space<vmem>>)
    %dma_start3A_51 = arith.constant 38 : i32
    %dma_start3A_52 = arith.constant 0 : i32
    %dma_start3A_53 = tpu.memref_slice %arg7[%dma_start3A_51, %dma_start3A_52] : memref<40x128xi32, #tpu.memory_space<vmem>> -> memref<1x128xi32, #tpu.memory_space<vmem>>
    %dma_start3A_54 = tpu.memref_squeeze %dma_start3A_53 : memref<1x128xi32, #tpu.memory_space<vmem>> -> memref<128xi32, #tpu.memory_space<vmem>>
    %dma_start3A_55 = arith.constant 0 : i32
    %dma_start3A_56 = arith.constant 0 : i32
    %dma_start3A_57 = tpu.memref_slice %arg10[%dma_start3A_55, %dma_start3A_56] : memref<10240x128xf32, #tpu.memory_space<vmem_shared>> -> memref<10240x128xf32, #tpu.memory_space<vmem_shared>>
    tpu.enqueue_indirect_dma source(%arg8 : memref<128x128xf32, #tpu.memory_space<vmem>>) target(%dma_start3A_57 : memref<10240x128xf32, #tpu.memory_space<vmem_shared>>) offsets(%dma_start3A_54 : memref<128xi32, #tpu.memory_space<vmem>>) semaphore(%arg13 : memref<!tpu.dma_semaphore, #tpu.memory_space<semaphore_mem>>) {add = true}
    %dma_wait3A_58 = arith.constant 39 : i32
    %dma_wait3A_59 = arith.constant 0 : i32
    %dma_wait3A_60 = tpu.memref_slice %arg6[%dma_wait3A_58, %dma_wait3A_59] : memref<40x128xi32, #tpu.memory_space<vmem>> -> memref<1x128xi32, #tpu.memory_space<vmem>>
    %dma_wait3A_61 = tpu.memref_squeeze %dma_wait3A_60 : memref<1x128xi32, #tpu.memory_space<vmem>> -> memref<128xi32, #tpu.memory_space<vmem>>
    %dma_wait3A_62 = arith.constant 0 : i32
    %dma_wait3A_63 = arith.constant 0 : i32
    %dma_wait3A_64 = tpu.memref_slice %arg2[%dma_wait3A_62, %dma_wait3A_63] : memref<10240x128xf32, #tpu.memory_space<hbm>> -> memref<10240x128xf32, #tpu.memory_space<hbm>>
    tpu.wait_indirect_dma semaphore(%arg12 : memref<!tpu.dma_semaphore, #tpu.memory_space<semaphore_mem>>) src(%dma_wait3A_64 : memref<10240x128xf32, #tpu.memory_space<hbm>>) dst(%arg9 : memref<128x128xf32, #tpu.memory_space<vmem>>)
    %dma_start3A_65 = arith.constant 39 : i32
    %dma_start3A_66 = arith.constant 0 : i32
    %dma_start3A_67 = tpu.memref_slice %arg7[%dma_start3A_65, %dma_start3A_66] : memref<40x128xi32, #tpu.memory_space<vmem>> -> memref<1x128xi32, #tpu.memory_space<vmem>>
    %dma_start3A_68 = tpu.memref_squeeze %dma_start3A_67 : memref<1x128xi32, #tpu.memory_space<vmem>> -> memref<128xi32, #tpu.memory_space<vmem>>
    %dma_start3A_69 = arith.constant 0 : i32
    %dma_start3A_70 = arith.constant 0 : i32
    %dma_start3A_71 = tpu.memref_slice %arg10[%dma_start3A_69, %dma_start3A_70] : memref<10240x128xf32, #tpu.memory_space<vmem_shared>> -> memref<10240x128xf32, #tpu.memory_space<vmem_shared>>
    tpu.enqueue_indirect_dma source(%arg9 : memref<128x128xf32, #tpu.memory_space<vmem>>) target(%dma_start3A_71 : memref<10240x128xf32, #tpu.memory_space<vmem_shared>>) offsets(%dma_start3A_68 : memref<128xi32, #tpu.memory_space<vmem>>) semaphore(%arg14 : memref<!tpu.dma_semaphore, #tpu.memory_space<semaphore_mem>>) {add = true}
    %dma_wait3A_72 = arith.constant 38 : i32
    %dma_wait3A_73 = arith.constant 0 : i32
    %dma_wait3A_74 = tpu.memref_slice %arg7[%dma_wait3A_72, %dma_wait3A_73] : memref<40x128xi32, #tpu.memory_space<vmem>> -> memref<1x128xi32, #tpu.memory_space<vmem>>
    %dma_wait3A_75 = tpu.memref_squeeze %dma_wait3A_74 : memref<1x128xi32, #tpu.memory_space<vmem>> -> memref<128xi32, #tpu.memory_space<vmem>>
    %dma_wait3A_76 = arith.constant 0 : i32
    %dma_wait3A_77 = arith.constant 0 : i32
    %dma_wait3A_78 = tpu.memref_slice %arg10[%dma_wait3A_76, %dma_wait3A_77] : memref<10240x128xf32, #tpu.memory_space<vmem_shared>> -> memref<10240x128xf32, #tpu.memory_space<vmem_shared>>
    tpu.wait_indirect_dma semaphore(%arg13 : memref<!tpu.dma_semaphore, #tpu.memory_space<semaphore_mem>>) src(%arg8 : memref<128x128xf32, #tpu.memory_space<vmem>>) dst(%dma_wait3A_78 : memref<10240x128xf32, #tpu.memory_space<vmem_shared>>)
    %dma_wait3A_79 = arith.constant 39 : i32
    %dma_wait3A_80 = arith.constant 0 : i32
    %dma_wait3A_81 = tpu.memref_slice %arg7[%dma_wait3A_79, %dma_wait3A_80] : memref<40x128xi32, #tpu.memory_space<vmem>> -> memref<1x128xi32, #tpu.memory_space<vmem>>
    %dma_wait3A_82 = tpu.memref_squeeze %dma_wait3A_81 : memref<1x128xi32, #tpu.memory_space<vmem>> -> memref<128xi32, #tpu.memory_space<vmem>>
    %dma_wait3A_83 = arith.constant 0 : i32
    %dma_wait3A_84 = arith.constant 0 : i32
    %dma_wait3A_85 = tpu.memref_slice %arg10[%dma_wait3A_83, %dma_wait3A_84] : memref<10240x128xf32, #tpu.memory_space<vmem_shared>> -> memref<10240x128xf32, #tpu.memory_space<vmem_shared>>
    tpu.wait_indirect_dma semaphore(%arg14 : memref<!tpu.dma_semaphore, #tpu.memory_space<semaphore_mem>>) src(%arg9 : memref<128x128xf32, #tpu.memory_space<vmem>>) dst(%dma_wait3A_85 : memref<10240x128xf32, #tpu.memory_space<vmem_shared>>)
    %barrier3A_86 = arith.constant 0 : index
    tpu.barrier barrier_id(%barrier3A_86)
    %mul3A_87 = arith.constant 640 : i32
    %mul3A_88 = arith.muli %arg1, %mul3A_87 : i32
    %mul3A_89 = arith.constant 640 : i32
    %mul3A_90 = arith.muli %arg1, %mul3A_89 : i32
    "tpu.region"() ({
      %run_scoped3A = tpu.sem_alloc : memref<!tpu.dma_semaphore, #tpu.memory_space<semaphore_mem>>
      %dma_start3A_91 = arith.constant 0 : i32
      %dma_start3A_92 = tpu.memref_slice %arg5[%arg0, %mul3A_90, %dma_start3A_91] : memref<2x10240x128xf32, #tpu.memory_space<hbm>> -> memref<1x640x128xf32, #tpu.memory_space<hbm>>
      %dma_start3A_93 = tpu.memref_squeeze %dma_start3A_92 : memref<1x640x128xf32, #tpu.memory_space<hbm>> -> memref<640x128xf32, #tpu.memory_space<hbm>>
      %dma_start3A_94 = arith.constant 0 : i32
      %dma_start3A_95 = tpu.memref_slice %arg10[%mul3A_88, %dma_start3A_94] : memref<10240x128xf32, #tpu.memory_space<vmem_shared>> -> memref<640x128xf32, #tpu.memory_space<vmem_shared>>
      tpu.enqueue_dma source(%dma_start3A_95 : memref<640x128xf32, #tpu.memory_space<vmem_shared>>) target(%dma_start3A_93 : memref<640x128xf32, #tpu.memory_space<hbm>>) target_semaphore(%run_scoped3A : memref<!tpu.dma_semaphore, #tpu.memory_space<semaphore_mem>>)
      %dma_wait3A_96 = arith.constant 0 : i32
      %dma_wait3A_97 = tpu.memref_slice %arg5[%arg0, %mul3A_90, %dma_wait3A_96] : memref<2x10240x128xf32, #tpu.memory_space<hbm>> -> memref<1x640x128xf32, #tpu.memory_space<hbm>>
      %dma_wait3A_98 = tpu.memref_squeeze %dma_wait3A_97 : memref<1x640x128xf32, #tpu.memory_space<hbm>> -> memref<640x128xf32, #tpu.memory_space<hbm>>
      %dma_wait3A_99 = arith.constant 0 : i32
      %dma_wait3A_100 = tpu.memref_slice %arg10[%mul3A_88, %dma_wait3A_99] : memref<10240x128xf32, #tpu.memory_space<vmem_shared>> -> memref<640x128xf32, #tpu.memory_space<vmem_shared>>
      tpu.wait_dma2 semaphore(%run_scoped3A : memref<!tpu.dma_semaphore, #tpu.memory_space<semaphore_mem>>) src(%dma_wait3A_100 : memref<640x128xf32, #tpu.memory_space<vmem_shared>>) dst(%dma_wait3A_98 : memref<640x128xf32, #tpu.memory_space<hbm>>)
      tpu.yield
    }) : () -> ()
    return
  }
}

#map = affine_map<(d0, d1) -> (0, 0)>
#map1 = affine_map<(d0, d1) -> (0, 0, 0)>
module attributes {stable_mosaic.version = 14 : i64} {
  func.func @seg_kernel(%arg0: i32, %arg1: i32, %arg2: memref<10240x128xf32, #tpu.memory_space<hbm>>, %arg3: memref<32x40x128xi32, #tpu.memory_space<hbm>>, %arg4: memref<32x40x128xi32, #tpu.memory_space<hbm>>, %arg5: memref<2x10240x128xf32, #tpu.memory_space<hbm>>, %arg6: memref<40x128xi32, #tpu.memory_space<vmem>>, %arg7: memref<40x128xi32, #tpu.memory_space<vmem>>, %arg8: memref<128x128xf32, #tpu.memory_space<vmem>>, %arg9: memref<128x128xf32, #tpu.memory_space<vmem>>, %arg10: memref<10240x128xf32, #tpu.memory_space<vmem_shared>>, %arg11: memref<!tpu.dma_semaphore, #tpu.memory_space<semaphore_mem>>, %arg12: memref<!tpu.dma_semaphore, #tpu.memory_space<semaphore_mem>>, %arg13: memref<!tpu.dma_semaphore, #tpu.memory_space<semaphore_mem>>, %arg14: memref<!tpu.dma_semaphore, #tpu.memory_space<semaphore_mem>>) attributes {dimension_semantics = [#tpu.dimension_semantics<core_parallel>, #tpu.dimension_semantics<subcore_parallel>], iteration_bounds = array<i64: 2, 16>, scalar_prefetch = 0 : i64, scratch_operands = 9 : i64, tpu.core_type = #tpu.core_type<sc_vector_subcore>, window_params = [{transform_indices = #map}, {transform_indices = #map1}, {transform_indices = #map1}, {transform_indices = #map1}]} {
    %mul3A = arith.constant 16 : i32
    %mul3A_0 = arith.muli %arg0, %mul3A : i32
    %add3A = arith.addi %mul3A_0, %arg1 : i32
    "tpu.region"() ({
      %run_scoped3A = tpu.sem_alloc : memref<!tpu.dma_semaphore, #tpu.memory_space<semaphore_mem>>
      %dma_start3A_91 = arith.constant 0 : i32
      %dma_start3A_92 = arith.constant 0 : i32
      %dma_start3A_93 = tpu.memref_slice %arg3[%add3A, %dma_start3A_91, %dma_start3A_92] : memref<32x40x128xi32, #tpu.memory_space<hbm>> -> memref<1x40x128xi32, #tpu.memory_space<hbm>>
      %dma_start3A_94 = tpu.memref_squeeze %dma_start3A_93 : memref<1x40x128xi32, #tpu.memory_space<hbm>> -> memref<40x128xi32, #tpu.memory_space<hbm>>
      %dma_start3A_95 = arith.constant 0 : i32
      %dma_start3A_96 = arith.constant 0 : i32
      %dma_start3A_97 = tpu.memref_slice %arg3[%add3A, %dma_start3A_95, %dma_start3A_96] : memref<32x40x128xi32, #tpu.memory_space<hbm>> -> memref<1x40x128xi32, #tpu.memory_space<hbm>>
      %dma_start3A_98 = tpu.memref_squeeze %dma_start3A_97 : memref<1x40x128xi32, #tpu.memory_space<hbm>> -> memref<40x128xi32, #tpu.memory_space<hbm>>
      tpu.enqueue_dma source(%dma_start3A_98 : memref<40x128xi32, #tpu.memory_space<hbm>>) target(%arg6 : memref<40x128xi32, #tpu.memory_space<vmem>>) target_semaphore(%run_scoped3A : memref<!tpu.dma_semaphore, #tpu.memory_space<semaphore_mem>>)
      %dma_wait3A_99 = arith.constant 0 : i32
      %dma_wait3A_100 = arith.constant 0 : i32
      %dma_wait3A_101 = tpu.memref_slice %arg3[%add3A, %dma_wait3A_99, %dma_wait3A_100] : memref<32x40x128xi32, #tpu.memory_space<hbm>> -> memref<1x40x128xi32, #tpu.memory_space<hbm>>
      %dma_wait3A_102 = tpu.memref_squeeze %dma_wait3A_101 : memref<1x40x128xi32, #tpu.memory_space<hbm>> -> memref<40x128xi32, #tpu.memory_space<hbm>>
      %dma_wait3A_103 = arith.constant 0 : i32
      %dma_wait3A_104 = arith.constant 0 : i32
      %dma_wait3A_105 = tpu.memref_slice %arg3[%add3A, %dma_wait3A_103, %dma_wait3A_104] : memref<32x40x128xi32, #tpu.memory_space<hbm>> -> memref<1x40x128xi32, #tpu.memory_space<hbm>>
      %dma_wait3A_106 = tpu.memref_squeeze %dma_wait3A_105 : memref<1x40x128xi32, #tpu.memory_space<hbm>> -> memref<40x128xi32, #tpu.memory_space<hbm>>
      tpu.wait_dma2 semaphore(%run_scoped3A : memref<!tpu.dma_semaphore, #tpu.memory_space<semaphore_mem>>) src(%dma_wait3A_106 : memref<40x128xi32, #tpu.memory_space<hbm>>) dst(%arg6 : memref<40x128xi32, #tpu.memory_space<vmem>>)
      tpu.yield
    }) : () -> ()
    "tpu.region"() ({
      %run_scoped3A = tpu.sem_alloc : memref<!tpu.dma_semaphore, #tpu.memory_space<semaphore_mem>>
      %dma_start3A_91 = arith.constant 0 : i32
      %dma_start3A_92 = arith.constant 0 : i32
      %dma_start3A_93 = tpu.memref_slice %arg4[%add3A, %dma_start3A_91, %dma_start3A_92] : memref<32x40x128xi32, #tpu.memory_space<hbm>> -> memref<1x40x128xi32, #tpu.memory_space<hbm>>
      %dma_start3A_94 = tpu.memref_squeeze %dma_start3A_93 : memref<1x40x128xi32, #tpu.memory_space<hbm>> -> memref<40x128xi32, #tpu.memory_space<hbm>>
      %dma_start3A_95 = arith.constant 0 : i32
      %dma_start3A_96 = arith.constant 0 : i32
      %dma_start3A_97 = tpu.memref_slice %arg4[%add3A, %dma_start3A_95, %dma_start3A_96] : memref<32x40x128xi32, #tpu.memory_space<hbm>> -> memref<1x40x128xi32, #tpu.memory_space<hbm>>
      %dma_start3A_98 = tpu.memref_squeeze %dma_start3A_97 : memref<1x40x128xi32, #tpu.memory_space<hbm>> -> memref<40x128xi32, #tpu.memory_space<hbm>>
      tpu.enqueue_dma source(%dma_start3A_98 : memref<40x128xi32, #tpu.memory_space<hbm>>) target(%arg7 : memref<40x128xi32, #tpu.memory_space<vmem>>) target_semaphore(%run_scoped3A : memref<!tpu.dma_semaphore, #tpu.memory_space<semaphore_mem>>)
      %dma_wait3A_99 = arith.constant 0 : i32
      %dma_wait3A_100 = arith.constant 0 : i32
      %dma_wait3A_101 = tpu.memref_slice %arg4[%add3A, %dma_wait3A_99, %dma_wait3A_100] : memref<32x40x128xi32, #tpu.memory_space<hbm>> -> memref<1x40x128xi32, #tpu.memory_space<hbm>>
      %dma_wait3A_102 = tpu.memref_squeeze %dma_wait3A_101 : memref<1x40x128xi32, #tpu.memory_space<hbm>> -> memref<40x128xi32, #tpu.memory_space<hbm>>
      %dma_wait3A_103 = arith.constant 0 : i32
      %dma_wait3A_104 = arith.constant 0 : i32
      %dma_wait3A_105 = tpu.memref_slice %arg4[%add3A, %dma_wait3A_103, %dma_wait3A_104] : memref<32x40x128xi32, #tpu.memory_space<hbm>> -> memref<1x40x128xi32, #tpu.memory_space<hbm>>
      %dma_wait3A_106 = tpu.memref_squeeze %dma_wait3A_105 : memref<1x40x128xi32, #tpu.memory_space<hbm>> -> memref<40x128xi32, #tpu.memory_space<hbm>>
      tpu.wait_dma2 semaphore(%run_scoped3A : memref<!tpu.dma_semaphore, #tpu.memory_space<semaphore_mem>>) src(%dma_wait3A_106 : memref<40x128xi32, #tpu.memory_space<hbm>>) dst(%arg7 : memref<40x128xi32, #tpu.memory_space<vmem>>)
      tpu.yield
    }) : () -> ()
    %scan3A = arith.constant 0 : i32
    %scan3A_1 = arith.constant 0 : i32
    %scan3A_2 = arith.constant 128 : i32
    %scan3A_3 = arith.addi %scan3A_1, %scan3A_2 : i32
    %scan3A_4 = arith.constant 1 : i32
    scf.for %scan3A_91 = %scan3A_1 to %scan3A_3 step %scan3A_4  : i32 {
      %broadcast_in_dim3A = arith.constant 0.000000e+00 : f32
      %broadcast_in_dim3A_92 = vector.broadcast %broadcast_in_dim3A : f32 to vector<16xf32>
      %swap3A = arith.index_cast %scan3A_91 : i32 to index
      %swap3A_93 = arith.constant 0 : index
      %swap3A_94 = tpu.vector_load %arg8[%swap3A, %swap3A_93] {strides = array<i32>} : memref<128x128xf32, #tpu.memory_space<vmem>>, vector<1x16xf32>,
      %swap3A_95 = vector.shape_cast %swap3A_94 : vector<1x16xf32> to vector<16xf32>
      %swap3A_96 = vector.shape_cast %broadcast_in_dim3A_92 : vector<16xf32> to vector<1x16xf32>
      tpu.vector_store %arg8[%swap3A, %swap3A_93], %swap3A_96 {strides = array<i32>} : memref<128x128xf32, #tpu.memory_space<vmem>>, vector<1x16xf32>,
      %broadcast_in_dim3A_97 = arith.constant 0.000000e+00 : f32
      %broadcast_in_dim3A_98 = vector.broadcast %broadcast_in_dim3A_97 : f32 to vector<16xf32>
      %swap3A_99 = arith.index_cast %scan3A_91 : i32 to index
      %swap3A_100 = arith.constant 16 : index
      %swap3A_101 = tpu.vector_load %arg8[%swap3A_99, %swap3A_100] {strides = array<i32>} : memref<128x128xf32, #tpu.memory_space<vmem>>, vector<1x16xf32>,
      %swap3A_102 = vector.shape_cast %swap3A_101 : vector<1x16xf32> to vector<16xf32>
      %swap3A_103 = vector.shape_cast %broadcast_in_dim3A_98 : vector<16xf32> to vector<1x16xf32>
      tpu.vector_store %arg8[%swap3A_99, %swap3A_100], %swap3A_103 {strides = array<i32>} : memref<128x128xf32, #tpu.memory_space<vmem>>, vector<1x16xf32>,
      %broadcast_in_dim3A_104 = arith.constant 0.000000e+00 : f32
      %broadcast_in_dim3A_105 = vector.broadcast %broadcast_in_dim3A_104 : f32 to vector<16xf32>
      %swap3A_106 = arith.index_cast %scan3A_91 : i32 to index
      %swap3A_107 = arith.constant 32 : index
      %swap3A_108 = tpu.vector_load %arg8[%swap3A_106, %swap3A_107] {strides = array<i32>} : memref<128x128xf32, #tpu.memory_space<vmem>>, vector<1x16xf32>,
      %swap3A_109 = vector.shape_cast %swap3A_108 : vector<1x16xf32> to vector<16xf32>
      %swap3A_110 = vector.shape_cast %broadcast_in_dim3A_105 : vector<16xf32> to vector<1x16xf32>
      tpu.vector_store %arg8[%swap3A_106, %swap3A_107], %swap3A_110 {strides = array<i32>} : memref<128x128xf32, #tpu.memory_space<vmem>>, vector<1x16xf32>,
      %broadcast_in_dim3A_111 = arith.constant 0.000000e+00 : f32
      %broadcast_in_dim3A_112 = vector.broadcast %broadcast_in_dim3A_111 : f32 to vector<16xf32>
      %swap3A_113 = arith.index_cast %scan3A_91 : i32 to index
      %swap3A_114 = arith.constant 48 : index
      %swap3A_115 = tpu.vector_load %arg8[%swap3A_113, %swap3A_114] {strides = array<i32>} : memref<128x128xf32, #tpu.memory_space<vmem>>, vector<1x16xf32>,
      %swap3A_116 = vector.shape_cast %swap3A_115 : vector<1x16xf32> to vector<16xf32>
      %swap3A_117 = vector.shape_cast %broadcast_in_dim3A_112 : vector<16xf32> to vector<1x16xf32>
      tpu.vector_store %arg8[%swap3A_113, %swap3A_114], %swap3A_117 {strides = array<i32>} : memref<128x128xf32, #tpu.memory_space<vmem>>, vector<1x16xf32>,
      %broadcast_in_dim3A_118 = arith.constant 0.000000e+00 : f32
      %broadcast_in_dim3A_119 = vector.broadcast %broadcast_in_dim3A_118 : f32 to vector<16xf32>
      %swap3A_120 = arith.index_cast %scan3A_91 : i32 to index
      %swap3A_121 = arith.constant 64 : index
      %swap3A_122 = tpu.vector_load %arg8[%swap3A_120, %swap3A_121] {strides = array<i32>} : memref<128x128xf32, #tpu.memory_space<vmem>>, vector<1x16xf32>,
      %swap3A_123 = vector.shape_cast %swap3A_122 : vector<1x16xf32> to vector<16xf32>
      %swap3A_124 = vector.shape_cast %broadcast_in_dim3A_119 : vector<16xf32> to vector<1x16xf32>
      tpu.vector_store %arg8[%swap3A_120, %swap3A_121], %swap3A_124 {strides = array<i32>} : memref<128x128xf32, #tpu.memory_space<vmem>>, vector<1x16xf32>,
      %broadcast_in_dim3A_125 = arith.constant 0.000000e+00 : f32
      %broadcast_in_dim3A_126 = vector.broadcast %broadcast_in_dim3A_125 : f32 to vector<16xf32>
      %swap3A_127 = arith.index_cast %scan3A_91 : i32 to index
      %swap3A_128 = arith.constant 80 : index
      %swap3A_129 = tpu.vector_load %arg8[%swap3A_127, %swap3A_128] {strides = array<i32>} : memref<128x128xf32, #tpu.memory_space<vmem>>, vector<1x16xf32>,
      %swap3A_130 = vector.shape_cast %swap3A_129 : vector<1x16xf32> to vector<16xf32>
      %swap3A_131 = vector.shape_cast %broadcast_in_dim3A_126 : vector<16xf32> to vector<1x16xf32>
      tpu.vector_store %arg8[%swap3A_127, %swap3A_128], %swap3A_131 {strides = array<i32>} : memref<128x128xf32, #tpu.memory_space<vmem>>, vector<1x16xf32>,
      %broadcast_in_dim3A_132 = arith.constant 0.000000e+00 : f32
      %broadcast_in_dim3A_133 = vector.broadcast %broadcast_in_dim3A_132 : f32 to vector<16xf32>
      %swap3A_134 = arith.index_cast %scan3A_91 : i32 to index
      %swap3A_135 = arith.constant 96 : index
      %swap3A_136 = tpu.vector_load %arg8[%swap3A_134, %swap3A_135] {strides = array<i32>} : memref<128x128xf32, #tpu.memory_space<vmem>>, vector<1x16xf32>,
      %swap3A_137 = vector.shape_cast %swap3A_136 : vector<1x16xf32> to vector<16xf32>
      %swap3A_138 = vector.shape_cast %broadcast_in_dim3A_133 : vector<16xf32> to vector<1x16xf32>
      tpu.vector_store %arg8[%swap3A_134, %swap3A_135], %swap3A_138 {strides = array<i32>} : memref<128x128xf32, #tpu.memory_space<vmem>>, vector<1x16xf32>,
      %broadcast_in_dim3A_139 = arith.constant 0.000000e+00 : f32
      %broadcast_in_dim3A_140 = vector.broadcast %broadcast_in_dim3A_139 : f32 to vector<16xf32>
      %swap3A_141 = arith.index_cast %scan3A_91 : i32 to index
      %swap3A_142 = arith.constant 112 : index
      %swap3A_143 = tpu.vector_load %arg8[%swap3A_141, %swap3A_142] {strides = array<i32>} : memref<128x128xf32, #tpu.memory_space<vmem>>, vector<1x16xf32>,
      %swap3A_144 = vector.shape_cast %swap3A_143 : vector<1x16xf32> to vector<16xf32>
      %swap3A_145 = vector.shape_cast %broadcast_in_dim3A_140 : vector<16xf32> to vector<1x16xf32>
      tpu.vector_store %arg8[%swap3A_141, %swap3A_142], %swap3A_145 {strides = array<i32>} : memref<128x128xf32, #tpu.memory_space<vmem>>, vector<1x16xf32>,
    }
    %scan3A_5 = arith.constant 128 : i32
    %mul3A_6 = arith.constant 640 : i32
    %mul3A_7 = arith.muli %arg1, %mul3A_6 : i32
    %add3A_8 = arith.constant 0 : i32
    %add3A_9 = arith.addi %mul3A_7, %add3A_8 : i32
    "tpu.region"() ({
      %run_scoped3A = tpu.sem_alloc : memref<!tpu.dma_semaphore, #tpu.memory_space<semaphore_mem>>
      %dma_start3A_91 = arith.constant 0 : i32
      %dma_start3A_92 = tpu.memref_slice %arg10[%add3A_9, %dma_start3A_91] : memref<10240x128xf32, #tpu.memory_space<vmem_shared>> -> memref<128x128xf32, #tpu.memory_space<vmem_shared>>
      %dma_start3A_93 = arith.constant 0 : i32
      %dma_start3A_94 = tpu.memref_slice %arg10[%add3A_9, %dma_start3A_93] : memref<10240x128xf32, #tpu.memory_space<vmem_shared>> -> memref<128x128xf32, #tpu.memory_space<vmem_shared>>
      tpu.enqueue_dma source(%arg8 : memref<128x128xf32, #tpu.memory_space<vmem>>) target(%dma_start3A_94 : memref<128x128xf32, #tpu.memory_space<vmem_shared>>) target_semaphore(%run_scoped3A : memref<!tpu.dma_semaphore, #tpu.memory_space<semaphore_mem>>)
      %dma_wait3A_95 = arith.constant 0 : i32
      %dma_wait3A_96 = tpu.memref_slice %arg10[%add3A_9, %dma_wait3A_95] : memref<10240x128xf32, #tpu.memory_space<vmem_shared>> -> memref<128x128xf32, #tpu.memory_space<vmem_shared>>
      %dma_wait3A_97 = arith.constant 0 : i32
      %dma_wait3A_98 = tpu.memref_slice %arg10[%add3A_9, %dma_wait3A_97] : memref<10240x128xf32, #tpu.memory_space<vmem_shared>> -> memref<128x128xf32, #tpu.memory_space<vmem_shared>>
      tpu.wait_dma2 semaphore(%run_scoped3A : memref<!tpu.dma_semaphore, #tpu.memory_space<semaphore_mem>>) src(%arg8 : memref<128x128xf32, #tpu.memory_space<vmem>>) dst(%dma_wait3A_98 : memref<128x128xf32, #tpu.memory_space<vmem_shared>>)
      tpu.yield
    }) : () -> ()
    %mul3A_10 = arith.constant 640 : i32
    %mul3A_11 = arith.muli %arg1, %mul3A_10 : i32
    %add3A_12 = arith.constant 128 : i32
    %add3A_13 = arith.addi %mul3A_11, %add3A_12 : i32
    "tpu.region"() ({
      %run_scoped3A = tpu.sem_alloc : memref<!tpu.dma_semaphore, #tpu.memory_space<semaphore_mem>>
      %dma_start3A_91 = arith.constant 0 : i32
      %dma_start3A_92 = tpu.memref_slice %arg10[%add3A_13, %dma_start3A_91] : memref<10240x128xf32, #tpu.memory_space<vmem_shared>> -> memref<128x128xf32, #tpu.memory_space<vmem_shared>>
      %dma_start3A_93 = arith.constant 0 : i32
      %dma_start3A_94 = tpu.memref_slice %arg10[%add3A_13, %dma_start3A_93] : memref<10240x128xf32, #tpu.memory_space<vmem_shared>> -> memref<128x128xf32, #tpu.memory_space<vmem_shared>>
      tpu.enqueue_dma source(%arg8 : memref<128x128xf32, #tpu.memory_space<vmem>>) target(%dma_start3A_94 : memref<128x128xf32, #tpu.memory_space<vmem_shared>>) target_semaphore(%run_scoped3A : memref<!tpu.dma_semaphore, #tpu.memory_space<semaphore_mem>>)
      %dma_wait3A_95 = arith.constant 0 : i32
      %dma_wait3A_96 = tpu.memref_slice %arg10[%add3A_13, %dma_wait3A_95] : memref<10240x128xf32, #tpu.memory_space<vmem_shared>> -> memref<128x128xf32, #tpu.memory_space<vmem_shared>>
      %dma_wait3A_97 = arith.constant 0 : i32
      %dma_wait3A_98 = tpu.memref_slice %arg10[%add3A_13, %dma_wait3A_97] : memref<10240x128xf32, #tpu.memory_space<vmem_shared>> -> memref<128x128xf32, #tpu.memory_space<vmem_shared>>
      tpu.wait_dma2 semaphore(%run_scoped3A : memref<!tpu.dma_semaphore, #tpu.memory_space<semaphore_mem>>) src(%arg8 : memref<128x128xf32, #tpu.memory_space<vmem>>) dst(%dma_wait3A_98 : memref<128x128xf32, #tpu.memory_space<vmem_shared>>)
      tpu.yield
    }) : () -> ()
    %mul3A_14 = arith.constant 640 : i32
    %mul3A_15 = arith.muli %arg1, %mul3A_14 : i32
    %add3A_16 = arith.constant 256 : i32
    %add3A_17 = arith.addi %mul3A_15, %add3A_16 : i32
    "tpu.region"() ({
      %run_scoped3A = tpu.sem_alloc : memref<!tpu.dma_semaphore, #tpu.memory_space<semaphore_mem>>
      %dma_start3A_91 = arith.constant 0 : i32
      %dma_start3A_92 = tpu.memref_slice %arg10[%add3A_17, %dma_start3A_91] : memref<10240x128xf32, #tpu.memory_space<vmem_shared>> -> memref<128x128xf32, #tpu.memory_space<vmem_shared>>
      %dma_start3A_93 = arith.constant 0 : i32
      %dma_start3A_94 = tpu.memref_slice %arg10[%add3A_17, %dma_start3A_93] : memref<10240x128xf32, #tpu.memory_space<vmem_shared>> -> memref<128x128xf32, #tpu.memory_space<vmem_shared>>
      tpu.enqueue_dma source(%arg8 : memref<128x128xf32, #tpu.memory_space<vmem>>) target(%dma_start3A_94 : memref<128x128xf32, #tpu.memory_space<vmem_shared>>) target_semaphore(%run_scoped3A : memref<!tpu.dma_semaphore, #tpu.memory_space<semaphore_mem>>)
      %dma_wait3A_95 = arith.constant 0 : i32
      %dma_wait3A_96 = tpu.memref_slice %arg10[%add3A_17, %dma_wait3A_95] : memref<10240x128xf32, #tpu.memory_space<vmem_shared>> -> memref<128x128xf32, #tpu.memory_space<vmem_shared>>
      %dma_wait3A_97 = arith.constant 0 : i32
      %dma_wait3A_98 = tpu.memref_slice %arg10[%add3A_17, %dma_wait3A_97] : memref<10240x128xf32, #tpu.memory_space<vmem_shared>> -> memref<128x128xf32, #tpu.memory_space<vmem_shared>>
      tpu.wait_dma2 semaphore(%run_scoped3A : memref<!tpu.dma_semaphore, #tpu.memory_space<semaphore_mem>>) src(%arg8 : memref<128x128xf32, #tpu.memory_space<vmem>>) dst(%dma_wait3A_98 : memref<128x128xf32, #tpu.memory_space<vmem_shared>>)
      tpu.yield
    }) : () -> ()
    %mul3A_18 = arith.constant 640 : i32
    %mul3A_19 = arith.muli %arg1, %mul3A_18 : i32
    %add3A_20 = arith.constant 384 : i32
    %add3A_21 = arith.addi %mul3A_19, %add3A_20 : i32
    "tpu.region"() ({
      %run_scoped3A = tpu.sem_alloc : memref<!tpu.dma_semaphore, #tpu.memory_space<semaphore_mem>>
      %dma_start3A_91 = arith.constant 0 : i32
      %dma_start3A_92 = tpu.memref_slice %arg10[%add3A_21, %dma_start3A_91] : memref<10240x128xf32, #tpu.memory_space<vmem_shared>> -> memref<128x128xf32, #tpu.memory_space<vmem_shared>>
      %dma_start3A_93 = arith.constant 0 : i32
      %dma_start3A_94 = tpu.memref_slice %arg10[%add3A_21, %dma_start3A_93] : memref<10240x128xf32, #tpu.memory_space<vmem_shared>> -> memref<128x128xf32, #tpu.memory_space<vmem_shared>>
      tpu.enqueue_dma source(%arg8 : memref<128x128xf32, #tpu.memory_space<vmem>>) target(%dma_start3A_94 : memref<128x128xf32, #tpu.memory_space<vmem_shared>>) target_semaphore(%run_scoped3A : memref<!tpu.dma_semaphore, #tpu.memory_space<semaphore_mem>>)
      %dma_wait3A_95 = arith.constant 0 : i32
      %dma_wait3A_96 = tpu.memref_slice %arg10[%add3A_21, %dma_wait3A_95] : memref<10240x128xf32, #tpu.memory_space<vmem_shared>> -> memref<128x128xf32, #tpu.memory_space<vmem_shared>>
      %dma_wait3A_97 = arith.constant 0 : i32
      %dma_wait3A_98 = tpu.memref_slice %arg10[%add3A_21, %dma_wait3A_97] : memref<10240x128xf32, #tpu.memory_space<vmem_shared>> -> memref<128x128xf32, #tpu.memory_space<vmem_shared>>
      tpu.wait_dma2 semaphore(%run_scoped3A : memref<!tpu.dma_semaphore, #tpu.memory_space<semaphore_mem>>) src(%arg8 : memref<128x128xf32, #tpu.memory_space<vmem>>) dst(%dma_wait3A_98 : memref<128x128xf32, #tpu.memory_space<vmem_shared>>)
      tpu.yield
    }) : () -> ()
    %mul3A_22 = arith.constant 640 : i32
    %mul3A_23 = arith.muli %arg1, %mul3A_22 : i32
    %add3A_24 = arith.constant 512 : i32
    %add3A_25 = arith.addi %mul3A_23, %add3A_24 : i32
    "tpu.region"() ({
      %run_scoped3A = tpu.sem_alloc : memref<!tpu.dma_semaphore, #tpu.memory_space<semaphore_mem>>
      %dma_start3A_91 = arith.constant 0 : i32
      %dma_start3A_92 = tpu.memref_slice %arg10[%add3A_25, %dma_start3A_91] : memref<10240x128xf32, #tpu.memory_space<vmem_shared>> -> memref<128x128xf32, #tpu.memory_space<vmem_shared>>
      %dma_start3A_93 = arith.constant 0 : i32
      %dma_start3A_94 = tpu.memref_slice %arg10[%add3A_25, %dma_start3A_93] : memref<10240x128xf32, #tpu.memory_space<vmem_shared>> -> memref<128x128xf32, #tpu.memory_space<vmem_shared>>
      tpu.enqueue_dma source(%arg8 : memref<128x128xf32, #tpu.memory_space<vmem>>) target(%dma_start3A_94 : memref<128x128xf32, #tpu.memory_space<vmem_shared>>) target_semaphore(%run_scoped3A : memref<!tpu.dma_semaphore, #tpu.memory_space<semaphore_mem>>)
      %dma_wait3A_95 = arith.constant 0 : i32
      %dma_wait3A_96 = tpu.memref_slice %arg10[%add3A_25, %dma_wait3A_95] : memref<10240x128xf32, #tpu.memory_space<vmem_shared>> -> memref<128x128xf32, #tpu.memory_space<vmem_shared>>
      %dma_wait3A_97 = arith.constant 0 : i32
      %dma_wait3A_98 = tpu.memref_slice %arg10[%add3A_25, %dma_wait3A_97] : memref<10240x128xf32, #tpu.memory_space<vmem_shared>> -> memref<128x128xf32, #tpu.memory_space<vmem_shared>>
      tpu.wait_dma2 semaphore(%run_scoped3A : memref<!tpu.dma_semaphore, #tpu.memory_space<semaphore_mem>>) src(%arg8 : memref<128x128xf32, #tpu.memory_space<vmem>>) dst(%dma_wait3A_98 : memref<128x128xf32, #tpu.memory_space<vmem_shared>>)
      tpu.yield
    }) : () -> ()
    %barrier3A = arith.constant 0 : index
    tpu.barrier barrier_id(%barrier3A)
    %dma_start3A = arith.constant 0 : i32
    %dma_start3A_26 = arith.constant 0 : i32
    %dma_start3A_27 = tpu.memref_slice %arg6[%dma_start3A, %dma_start3A_26] : memref<40x128xi32, #tpu.memory_space<vmem>> -> memref<1x128xi32, #tpu.memory_space<vmem>>
    %dma_start3A_28 = tpu.memref_squeeze %dma_start3A_27 : memref<1x128xi32, #tpu.memory_space<vmem>> -> memref<128xi32, #tpu.memory_space<vmem>>
    %dma_start3A_29 = arith.constant 0 : i32
    %dma_start3A_30 = arith.constant 0 : i32
    %dma_start3A_31 = tpu.memref_slice %arg2[%dma_start3A_29, %dma_start3A_30] : memref<10240x128xf32, #tpu.memory_space<hbm>> -> memref<10240x128xf32, #tpu.memory_space<hbm>>
    tpu.enqueue_indirect_dma source(%dma_start3A_31 : memref<10240x128xf32, #tpu.memory_space<hbm>>) target(%arg8 : memref<128x128xf32, #tpu.memory_space<vmem>>) offsets(%dma_start3A_28 : memref<128xi32, #tpu.memory_space<vmem>>) semaphore(%arg11 : memref<!tpu.dma_semaphore, #tpu.memory_space<semaphore_mem>>)
    %dma_start3A_32 = arith.constant 1 : i32
    %dma_start3A_33 = arith.constant 0 : i32
    %dma_start3A_34 = tpu.memref_slice %arg6[%dma_start3A_32, %dma_start3A_33] : memref<40x128xi32, #tpu.memory_space<vmem>> -> memref<1x128xi32, #tpu.memory_space<vmem>>
    %dma_start3A_35 = tpu.memref_squeeze %dma_start3A_34 : memref<1x128xi32, #tpu.memory_space<vmem>> -> memref<128xi32, #tpu.memory_space<vmem>>
    %dma_start3A_36 = arith.constant 0 : i32
    %dma_start3A_37 = arith.constant 0 : i32
    %dma_start3A_38 = tpu.memref_slice %arg2[%dma_start3A_36, %dma_start3A_37] : memref<10240x128xf32, #tpu.memory_space<hbm>> -> memref<10240x128xf32, #tpu.memory_space<hbm>>
    tpu.enqueue_indirect_dma source(%dma_start3A_38 : memref<10240x128xf32, #tpu.memory_space<hbm>>) target(%arg9 : memref<128x128xf32, #tpu.memory_space<vmem>>) offsets(%dma_start3A_35 : memref<128xi32, #tpu.memory_space<vmem>>) semaphore(%arg12 : memref<!tpu.dma_semaphore, #tpu.memory_space<semaphore_mem>>)
    %scan3A_39 = arith.constant 0 : i32
    %scan3A_40 = arith.constant 0 : i32
    %scan3A_41 = arith.constant 19 : i32
    %scan3A_42 = arith.addi %scan3A_40, %scan3A_41 : i32
    %scan3A_43 = arith.constant 1 : i32
    scf.for %scan3A_91 = %scan3A_40 to %scan3A_42 step %scan3A_43  : i32 {
      %mul3A_92 = arith.constant 2 : i32
      %mul3A_93 = arith.muli %scan3A_91, %mul3A_92 : i32
      %add3A_94 = arith.constant 0 : i32
      %add3A_95 = arith.addi %mul3A_93, %add3A_94 : i32
      %dma_wait3A_96 = arith.constant 0 : i32
      %dma_wait3A_97 = tpu.memref_slice %arg6[%add3A_95, %dma_wait3A_96] : memref<40x128xi32, #tpu.memory_space<vmem>> -> memref<1x128xi32, #tpu.memory_space<vmem>>
      %dma_wait3A_98 = tpu.memref_squeeze %dma_wait3A_97 : memref<1x128xi32, #tpu.memory_space<vmem>> -> memref<128xi32, #tpu.memory_space<vmem>>
      %dma_wait3A_99 = arith.constant 0 : i32
      %dma_wait3A_100 = arith.constant 0 : i32
      %dma_wait3A_101 = tpu.memref_slice %arg2[%dma_wait3A_99, %dma_wait3A_100] : memref<10240x128xf32, #tpu.memory_space<hbm>> -> memref<10240x128xf32, #tpu.memory_space<hbm>>
      tpu.wait_indirect_dma semaphore(%arg11 : memref<!tpu.dma_semaphore, #tpu.memory_space<semaphore_mem>>) src(%dma_wait3A_101 : memref<10240x128xf32, #tpu.memory_space<hbm>>) dst(%arg8 : memref<128x128xf32, #tpu.memory_space<vmem>>)
      %add3A_102 = arith.constant 0 : i32
      %add3A_103 = arith.addi %mul3A_93, %add3A_102 : i32
      %dma_start3A_104 = arith.constant 0 : i32
      %dma_start3A_105 = tpu.memref_slice %arg7[%add3A_103, %dma_start3A_104] : memref<40x128xi32, #tpu.memory_space<vmem>> -> memref<1x128xi32, #tpu.memory_space<vmem>>
      %dma_start3A_106 = tpu.memref_squeeze %dma_start3A_105 : memref<1x128xi32, #tpu.memory_space<vmem>> -> memref<128xi32, #tpu.memory_space<vmem>>
      %dma_start3A_107 = arith.constant 0 : i32
      %dma_start3A_108 = arith.constant 0 : i32
      %dma_start3A_109 = tpu.memref_slice %arg10[%dma_start3A_107, %dma_start3A_108] : memref<10240x128xf32, #tpu.memory_space<vmem_shared>> -> memref<10240x128xf32, #tpu.memory_space<vmem_shared>>
      tpu.enqueue_indirect_dma source(%arg8 : memref<128x128xf32, #tpu.memory_space<vmem>>) target(%dma_start3A_109 : memref<10240x128xf32, #tpu.memory_space<vmem_shared>>) offsets(%dma_start3A_106 : memref<128xi32, #tpu.memory_space<vmem>>) semaphore(%arg13 : memref<!tpu.dma_semaphore, #tpu.memory_space<semaphore_mem>>) {add = true}
      %add3A_110 = arith.constant 1 : i32
      %add3A_111 = arith.addi %mul3A_93, %add3A_110 : i32
      %dma_wait3A_112 = arith.constant 0 : i32
      %dma_wait3A_113 = tpu.memref_slice %arg6[%add3A_111, %dma_wait3A_112] : memref<40x128xi32, #tpu.memory_space<vmem>> -> memref<1x128xi32, #tpu.memory_space<vmem>>
      %dma_wait3A_114 = tpu.memref_squeeze %dma_wait3A_113 : memref<1x128xi32, #tpu.memory_space<vmem>> -> memref<128xi32, #tpu.memory_space<vmem>>
      %dma_wait3A_115 = arith.constant 0 : i32
      %dma_wait3A_116 = arith.constant 0 : i32
      %dma_wait3A_117 = tpu.memref_slice %arg2[%dma_wait3A_115, %dma_wait3A_116] : memref<10240x128xf32, #tpu.memory_space<hbm>> -> memref<10240x128xf32, #tpu.memory_space<hbm>>
      tpu.wait_indirect_dma semaphore(%arg12 : memref<!tpu.dma_semaphore, #tpu.memory_space<semaphore_mem>>) src(%dma_wait3A_117 : memref<10240x128xf32, #tpu.memory_space<hbm>>) dst(%arg9 : memref<128x128xf32, #tpu.memory_space<vmem>>)
      %add3A_118 = arith.constant 1 : i32
      %add3A_119 = arith.addi %mul3A_93, %add3A_118 : i32
      %dma_start3A_120 = arith.constant 0 : i32
      %dma_start3A_121 = tpu.memref_slice %arg7[%add3A_119, %dma_start3A_120] : memref<40x128xi32, #tpu.memory_space<vmem>> -> memref<1x128xi32, #tpu.memory_space<vmem>>
      %dma_start3A_122 = tpu.memref_squeeze %dma_start3A_121 : memref<1x128xi32, #tpu.memory_space<vmem>> -> memref<128xi32, #tpu.memory_space<vmem>>
      %dma_start3A_123 = arith.constant 0 : i32
      %dma_start3A_124 = arith.constant 0 : i32
      %dma_start3A_125 = tpu.memref_slice %arg10[%dma_start3A_123, %dma_start3A_124] : memref<10240x128xf32, #tpu.memory_space<vmem_shared>> -> memref<10240x128xf32, #tpu.memory_space<vmem_shared>>
      tpu.enqueue_indirect_dma source(%arg9 : memref<128x128xf32, #tpu.memory_space<vmem>>) target(%dma_start3A_125 : memref<10240x128xf32, #tpu.memory_space<vmem_shared>>) offsets(%dma_start3A_122 : memref<128xi32, #tpu.memory_space<vmem>>) semaphore(%arg14 : memref<!tpu.dma_semaphore, #tpu.memory_space<semaphore_mem>>) {add = true}
      %add3A_126 = arith.constant 0 : i32
      %add3A_127 = arith.addi %mul3A_93, %add3A_126 : i32
      %dma_wait3A_128 = arith.constant 0 : i32
      %dma_wait3A_129 = tpu.memref_slice %arg7[%add3A_127, %dma_wait3A_128] : memref<40x128xi32, #tpu.memory_space<vmem>> -> memref<1x128xi32, #tpu.memory_space<vmem>>
      %dma_wait3A_130 = tpu.memref_squeeze %dma_wait3A_129 : memref<1x128xi32, #tpu.memory_space<vmem>> -> memref<128xi32, #tpu.memory_space<vmem>>
      %dma_wait3A_131 = arith.constant 0 : i32
      %dma_wait3A_132 = arith.constant 0 : i32
      %dma_wait3A_133 = tpu.memref_slice %arg10[%dma_wait3A_131, %dma_wait3A_132] : memref<10240x128xf32, #tpu.memory_space<vmem_shared>> -> memref<10240x128xf32, #tpu.memory_space<vmem_shared>>
      tpu.wait_indirect_dma semaphore(%arg13 : memref<!tpu.dma_semaphore, #tpu.memory_space<semaphore_mem>>) src(%arg8 : memref<128x128xf32, #tpu.memory_space<vmem>>) dst(%dma_wait3A_133 : memref<10240x128xf32, #tpu.memory_space<vmem_shared>>)
      %add3A_134 = arith.constant 2 : i32
      %add3A_135 = arith.addi %mul3A_93, %add3A_134 : i32
      %add3A_136 = arith.constant 0 : i32
      %add3A_137 = arith.addi %add3A_135, %add3A_136 : i32
      %dma_start3A_138 = arith.constant 0 : i32
      %dma_start3A_139 = tpu.memref_slice %arg6[%add3A_137, %dma_start3A_138] : memref<40x128xi32, #tpu.memory_space<vmem>> -> memref<1x128xi32, #tpu.memory_space<vmem>>
      %dma_start3A_140 = tpu.memref_squeeze %dma_start3A_139 : memref<1x128xi32, #tpu.memory_space<vmem>> -> memref<128xi32, #tpu.memory_space<vmem>>
      %dma_start3A_141 = arith.constant 0 : i32
      %dma_start3A_142 = arith.constant 0 : i32
      %dma_start3A_143 = tpu.memref_slice %arg2[%dma_start3A_141, %dma_start3A_142] : memref<10240x128xf32, #tpu.memory_space<hbm>> -> memref<10240x128xf32, #tpu.memory_space<hbm>>
      tpu.enqueue_indirect_dma source(%dma_start3A_143 : memref<10240x128xf32, #tpu.memory_space<hbm>>) target(%arg8 : memref<128x128xf32, #tpu.memory_space<vmem>>) offsets(%dma_start3A_140 : memref<128xi32, #tpu.memory_space<vmem>>) semaphore(%arg11 : memref<!tpu.dma_semaphore, #tpu.memory_space<semaphore_mem>>)
      %add3A_144 = arith.constant 1 : i32
      %add3A_145 = arith.addi %mul3A_93, %add3A_144 : i32
      %dma_wait3A_146 = arith.constant 0 : i32
      %dma_wait3A_147 = tpu.memref_slice %arg7[%add3A_145, %dma_wait3A_146] : memref<40x128xi32, #tpu.memory_space<vmem>> -> memref<1x128xi32, #tpu.memory_space<vmem>>
      %dma_wait3A_148 = tpu.memref_squeeze %dma_wait3A_147 : memref<1x128xi32, #tpu.memory_space<vmem>> -> memref<128xi32, #tpu.memory_space<vmem>>
      %dma_wait3A_149 = arith.constant 0 : i32
      %dma_wait3A_150 = arith.constant 0 : i32
      %dma_wait3A_151 = tpu.memref_slice %arg10[%dma_wait3A_149, %dma_wait3A_150] : memref<10240x128xf32, #tpu.memory_space<vmem_shared>> -> memref<10240x128xf32, #tpu.memory_space<vmem_shared>>
      tpu.wait_indirect_dma semaphore(%arg14 : memref<!tpu.dma_semaphore, #tpu.memory_space<semaphore_mem>>) src(%arg9 : memref<128x128xf32, #tpu.memory_space<vmem>>) dst(%dma_wait3A_151 : memref<10240x128xf32, #tpu.memory_space<vmem_shared>>)
      %add3A_152 = arith.constant 2 : i32
      %add3A_153 = arith.addi %mul3A_93, %add3A_152 : i32
      %add3A_154 = arith.constant 1 : i32
      %add3A_155 = arith.addi %add3A_153, %add3A_154 : i32
      %dma_start3A_156 = arith.constant 0 : i32
      %dma_start3A_157 = tpu.memref_slice %arg6[%add3A_155, %dma_start3A_156] : memref<40x128xi32, #tpu.memory_space<vmem>> -> memref<1x128xi32, #tpu.memory_space<vmem>>
      %dma_start3A_158 = tpu.memref_squeeze %dma_start3A_157 : memref<1x128xi32, #tpu.memory_space<vmem>> -> memref<128xi32, #tpu.memory_space<vmem>>
      %dma_start3A_159 = arith.constant 0 : i32
      %dma_start3A_160 = arith.constant 0 : i32
      %dma_start3A_161 = tpu.memref_slice %arg2[%dma_start3A_159, %dma_start3A_160] : memref<10240x128xf32, #tpu.memory_space<hbm>> -> memref<10240x128xf32, #tpu.memory_space<hbm>>
      tpu.enqueue_indirect_dma source(%dma_start3A_161 : memref<10240x128xf32, #tpu.memory_space<hbm>>) target(%arg9 : memref<128x128xf32, #tpu.memory_space<vmem>>) offsets(%dma_start3A_158 : memref<128xi32, #tpu.memory_space<vmem>>) semaphore(%arg12 : memref<!tpu.dma_semaphore, #tpu.memory_space<semaphore_mem>>)
    }
    %scan3A_44 = arith.constant 19 : i32
    %dma_wait3A = arith.constant 38 : i32
    %dma_wait3A_45 = arith.constant 0 : i32
    %dma_wait3A_46 = tpu.memref_slice %arg6[%dma_wait3A, %dma_wait3A_45] : memref<40x128xi32, #tpu.memory_space<vmem>> -> memref<1x128xi32, #tpu.memory_space<vmem>>
    %dma_wait3A_47 = tpu.memref_squeeze %dma_wait3A_46 : memref<1x128xi32, #tpu.memory_space<vmem>> -> memref<128xi32, #tpu.memory_space<vmem>>
    %dma_wait3A_48 = arith.constant 0 : i32
    %dma_wait3A_49 = arith.constant 0 : i32
    %dma_wait3A_50 = tpu.memref_slice %arg2[%dma_wait3A_48, %dma_wait3A_49] : memref<10240x128xf32, #tpu.memory_space<hbm>> -> memref<10240x128xf32, #tpu.memory_space<hbm>>
    tpu.wait_indirect_dma semaphore(%arg11 : memref<!tpu.dma_semaphore, #tpu.memory_space<semaphore_mem>>) src(%dma_wait3A_50 : memref<10240x128xf32, #tpu.memory_space<hbm>>) dst(%arg8 : memref<128x128xf32, #tpu.memory_space<vmem>>)
    %dma_start3A_51 = arith.constant 38 : i32
    %dma_start3A_52 = arith.constant 0 : i32
    %dma_start3A_53 = tpu.memref_slice %arg7[%dma_start3A_51, %dma_start3A_52] : memref<40x128xi32, #tpu.memory_space<vmem>> -> memref<1x128xi32, #tpu.memory_space<vmem>>
    %dma_start3A_54 = tpu.memref_squeeze %dma_start3A_53 : memref<1x128xi32, #tpu.memory_space<vmem>> -> memref<128xi32, #tpu.memory_space<vmem>>
    %dma_start3A_55 = arith.constant 0 : i32
    %dma_start3A_56 = arith.constant 0 : i32
    %dma_start3A_57 = tpu.memref_slice %arg10[%dma_start3A_55, %dma_start3A_56] : memref<10240x128xf32, #tpu.memory_space<vmem_shared>> -> memref<10240x128xf32, #tpu.memory_space<vmem_shared>>
    tpu.enqueue_indirect_dma source(%arg8 : memref<128x128xf32, #tpu.memory_space<vmem>>) target(%dma_start3A_57 : memref<10240x128xf32, #tpu.memory_space<vmem_shared>>) offsets(%dma_start3A_54 : memref<128xi32, #tpu.memory_space<vmem>>) semaphore(%arg13 : memref<!tpu.dma_semaphore, #tpu.memory_space<semaphore_mem>>) {add = true}
    %dma_wait3A_58 = arith.constant 39 : i32
    %dma_wait3A_59 = arith.constant 0 : i32
    %dma_wait3A_60 = tpu.memref_slice %arg6[%dma_wait3A_58, %dma_wait3A_59] : memref<40x128xi32, #tpu.memory_space<vmem>> -> memref<1x128xi32, #tpu.memory_space<vmem>>
    %dma_wait3A_61 = tpu.memref_squeeze %dma_wait3A_60 : memref<1x128xi32, #tpu.memory_space<vmem>> -> memref<128xi32, #tpu.memory_space<vmem>>
    %dma_wait3A_62 = arith.constant 0 : i32
    %dma_wait3A_63 = arith.constant 0 : i32
    %dma_wait3A_64 = tpu.memref_slice %arg2[%dma_wait3A_62, %dma_wait3A_63] : memref<10240x128xf32, #tpu.memory_space<hbm>> -> memref<10240x128xf32, #tpu.memory_space<hbm>>
    tpu.wait_indirect_dma semaphore(%arg12 : memref<!tpu.dma_semaphore, #tpu.memory_space<semaphore_mem>>) src(%dma_wait3A_64 : memref<10240x128xf32, #tpu.memory_space<hbm>>) dst(%arg9 : memref<128x128xf32, #tpu.memory_space<vmem>>)
    %dma_start3A_65 = arith.constant 39 : i32
    %dma_start3A_66 = arith.constant 0 : i32
    %dma_start3A_67 = tpu.memref_slice %arg7[%dma_start3A_65, %dma_start3A_66] : memref<40x128xi32, #tpu.memory_space<vmem>> -> memref<1x128xi32, #tpu.memory_space<vmem>>
    %dma_start3A_68 = tpu.memref_squeeze %dma_start3A_67 : memref<1x128xi32, #tpu.memory_space<vmem>> -> memref<128xi32, #tpu.memory_space<vmem>>
    %dma_start3A_69 = arith.constant 0 : i32
    %dma_start3A_70 = arith.constant 0 : i32
    %dma_start3A_71 = tpu.memref_slice %arg10[%dma_start3A_69, %dma_start3A_70] : memref<10240x128xf32, #tpu.memory_space<vmem_shared>> -> memref<10240x128xf32, #tpu.memory_space<vmem_shared>>
    tpu.enqueue_indirect_dma source(%arg9 : memref<128x128xf32, #tpu.memory_space<vmem>>) target(%dma_start3A_71 : memref<10240x128xf32, #tpu.memory_space<vmem_shared>>) offsets(%dma_start3A_68 : memref<128xi32, #tpu.memory_space<vmem>>) semaphore(%arg14 : memref<!tpu.dma_semaphore, #tpu.memory_space<semaphore_mem>>) {add = true}
    %dma_wait3A_72 = arith.constant 38 : i32
    %dma_wait3A_73 = arith.constant 0 : i32
    %dma_wait3A_74 = tpu.memref_slice %arg7[%dma_wait3A_72, %dma_wait3A_73] : memref<40x128xi32, #tpu.memory_space<vmem>> -> memref<1x128xi32, #tpu.memory_space<vmem>>
    %dma_wait3A_75 = tpu.memref_squeeze %dma_wait3A_74 : memref<1x128xi32, #tpu.memory_space<vmem>> -> memref<128xi32, #tpu.memory_space<vmem>>
    %dma_wait3A_76 = arith.constant 0 : i32
    %dma_wait3A_77 = arith.constant 0 : i32
    %dma_wait3A_78 = tpu.memref_slice %arg10[%dma_wait3A_76, %dma_wait3A_77] : memref<10240x128xf32, #tpu.memory_space<vmem_shared>> -> memref<10240x128xf32, #tpu.memory_space<vmem_shared>>
    tpu.wait_indirect_dma semaphore(%arg13 : memref<!tpu.dma_semaphore, #tpu.memory_space<semaphore_mem>>) src(%arg8 : memref<128x128xf32, #tpu.memory_space<vmem>>) dst(%dma_wait3A_78 : memref<10240x128xf32, #tpu.memory_space<vmem_shared>>)
    %dma_wait3A_79 = arith.constant 39 : i32
    %dma_wait3A_80 = arith.constant 0 : i32
    %dma_wait3A_81 = tpu.memref_slice %arg7[%dma_wait3A_79, %dma_wait3A_80] : memref<40x128xi32, #tpu.memory_space<vmem>> -> memref<1x128xi32, #tpu.memory_space<vmem>>
    %dma_wait3A_82 = tpu.memref_squeeze %dma_wait3A_81 : memref<1x128xi32, #tpu.memory_space<vmem>> -> memref<128xi32, #tpu.memory_space<vmem>>
    %dma_wait3A_83 = arith.constant 0 : i32
    %dma_wait3A_84 = arith.constant 0 : i32
    %dma_wait3A_85 = tpu.memref_slice %arg10[%dma_wait3A_83, %dma_wait3A_84] : memref<10240x128xf32, #tpu.memory_space<vmem_shared>> -> memref<10240x128xf32, #tpu.memory_space<vmem_shared>>
    tpu.wait_indirect_dma semaphore(%arg14 : memref<!tpu.dma_semaphore, #tpu.memory_space<semaphore_mem>>) src(%arg9 : memref<128x128xf32, #tpu.memory_space<vmem>>) dst(%dma_wait3A_85 : memref<10240x128xf32, #tpu.memory_space<vmem_shared>>)
    %barrier3A_86 = arith.constant 0 : index
    tpu.barrier barrier_id(%barrier3A_86)
    %mul3A_87 = arith.constant 640 : i32
    %mul3A_88 = arith.muli %arg1, %mul3A_87 : i32
    %mul3A_89 = arith.constant 640 : i32
    %mul3A_90 = arith.muli %arg1, %mul3A_89 : i32
    "tpu.region"() ({
      %run_scoped3A = tpu.sem_alloc : memref<!tpu.dma_semaphore, #tpu.memory_space<semaphore_mem>>
      %dma_start3A_91 = arith.constant 0 : i32
      %dma_start3A_92 = tpu.memref_slice %arg5[%arg0, %mul3A_90, %dma_start3A_91] : memref<2x10240x128xf32, #tpu.memory_space<hbm>> -> memref<1x640x128xf32, #tpu.memory_space<hbm>>
      %dma_start3A_93 = tpu.memref_squeeze %dma_start3A_92 : memref<1x640x128xf32, #tpu.memory_space<hbm>> -> memref<640x128xf32, #tpu.memory_space<hbm>>
      %dma_start3A_94 = arith.constant 0 : i32
      %dma_start3A_95 = tpu.memref_slice %arg10[%mul3A_88, %dma_start3A_94] : memref<10240x128xf32, #tpu.memory_space<vmem_shared>> -> memref<640x128xf32, #tpu.memory_space<vmem_shared>>
      tpu.enqueue_dma source(%dma_start3A_95 : memref<640x128xf32, #tpu.memory_space<vmem_shared>>) target(%dma_start3A_93 : memref<640x128xf32, #tpu.memory_space<hbm>>) target_semaphore(%run_scoped3A : memref<!tpu.dma_semaphore, #tpu.memory_space<semaphore_mem>>)
      %dma_wait3A_96 = arith.constant 0 : i32
      %dma_wait3A_97 = tpu.memref_slice %arg5[%arg0, %mul3A_90, %dma_wait3A_96] : memref<2x10240x128xf32, #tpu.memory_space<hbm>> -> memref<1x640x128xf32, #tpu.memory_space<hbm>>
      %dma_wait3A_98 = tpu.memref_squeeze %dma_wait3A_97 : memref<1x640x128xf32, #tpu.memory_space<hbm>> -> memref<640x128xf32, #tpu.memory_space<hbm>>
      %dma_wait3A_99 = arith.constant 0 : i32
      %dma_wait3A_100 = tpu.memref_slice %arg10[%mul3A_88, %dma_wait3A_99] : memref<10240x128xf32, #tpu.memory_space<vmem_shared>> -> memref<640x128xf32, #tpu.memory_space<vmem_shared>>
      tpu.wait_dma2 semaphore(%run_scoped3A : memref<!tpu.dma_semaphore, #tpu.memory_space<semaphore_mem>>) src(%dma_wait3A_100 : memref<640x128xf32, #tpu.memory_space<vmem_shared>>) dst(%dma_wait3A_98 : memref<640x128xf32, #tpu.memory_space<hbm>>)
      tpu.yield
    }) : () -> ()
    return
  }
}

#map = affine_map<(d0, d1) -> (0, 0)>
#map1 = affine_map<(d0, d1) -> (0, 0, 0)>
module attributes {stable_mosaic.version = 14 : i64} {
  func.func @seg_kernel(%arg0: i32, %arg1: i32, %arg2: memref<10240x128xf32, #tpu.memory_space<hbm>>, %arg3: memref<32x40x128xi32, #tpu.memory_space<hbm>>, %arg4: memref<32x40x128xi32, #tpu.memory_space<hbm>>, %arg5: memref<2x10240x128xf32, #tpu.memory_space<hbm>>, %arg6: memref<40x128xi32, #tpu.memory_space<vmem>>, %arg7: memref<40x128xi32, #tpu.memory_space<vmem>>, %arg8: memref<128x128xf32, #tpu.memory_space<vmem>>, %arg9: memref<128x128xf32, #tpu.memory_space<vmem>>, %arg10: memref<10240x128xf32, #tpu.memory_space<vmem_shared>>, %arg11: memref<!tpu.dma_semaphore, #tpu.memory_space<semaphore_mem>>, %arg12: memref<!tpu.dma_semaphore, #tpu.memory_space<semaphore_mem>>, %arg13: memref<!tpu.dma_semaphore, #tpu.memory_space<semaphore_mem>>, %arg14: memref<!tpu.dma_semaphore, #tpu.memory_space<semaphore_mem>>) attributes {dimension_semantics = [#tpu.dimension_semantics<core_parallel>, #tpu.dimension_semantics<subcore_parallel>], iteration_bounds = array<i64: 2, 16>, scalar_prefetch = 0 : i64, scratch_operands = 9 : i64, tpu.core_type = #tpu.core_type<sc_vector_subcore>, window_params = [{transform_indices = #map}, {transform_indices = #map1}, {transform_indices = #map1}, {transform_indices = #map1}]} {
    %mul3A = arith.constant 16 : i32
    %mul3A_0 = arith.muli %arg0, %mul3A : i32
    %add3A = arith.addi %mul3A_0, %arg1 : i32
    "tpu.region"() ({
      %run_scoped3A = tpu.sem_alloc : memref<!tpu.dma_semaphore, #tpu.memory_space<semaphore_mem>>
      %dma_start3A_91 = arith.constant 0 : i32
      %dma_start3A_92 = arith.constant 0 : i32
      %dma_start3A_93 = tpu.memref_slice %arg3[%add3A, %dma_start3A_91, %dma_start3A_92] : memref<32x40x128xi32, #tpu.memory_space<hbm>> -> memref<1x40x128xi32, #tpu.memory_space<hbm>>
      %dma_start3A_94 = tpu.memref_squeeze %dma_start3A_93 : memref<1x40x128xi32, #tpu.memory_space<hbm>> -> memref<40x128xi32, #tpu.memory_space<hbm>>
      %dma_start3A_95 = arith.constant 0 : i32
      %dma_start3A_96 = arith.constant 0 : i32
      %dma_start3A_97 = tpu.memref_slice %arg3[%add3A, %dma_start3A_95, %dma_start3A_96] : memref<32x40x128xi32, #tpu.memory_space<hbm>> -> memref<1x40x128xi32, #tpu.memory_space<hbm>>
      %dma_start3A_98 = tpu.memref_squeeze %dma_start3A_97 : memref<1x40x128xi32, #tpu.memory_space<hbm>> -> memref<40x128xi32, #tpu.memory_space<hbm>>
      tpu.enqueue_dma source(%dma_start3A_98 : memref<40x128xi32, #tpu.memory_space<hbm>>) target(%arg6 : memref<40x128xi32, #tpu.memory_space<vmem>>) target_semaphore(%run_scoped3A : memref<!tpu.dma_semaphore, #tpu.memory_space<semaphore_mem>>)
      %dma_wait3A_99 = arith.constant 0 : i32
      %dma_wait3A_100 = arith.constant 0 : i32
      %dma_wait3A_101 = tpu.memref_slice %arg3[%add3A, %dma_wait3A_99, %dma_wait3A_100] : memref<32x40x128xi32, #tpu.memory_space<hbm>> -> memref<1x40x128xi32, #tpu.memory_space<hbm>>
      %dma_wait3A_102 = tpu.memref_squeeze %dma_wait3A_101 : memref<1x40x128xi32, #tpu.memory_space<hbm>> -> memref<40x128xi32, #tpu.memory_space<hbm>>
      %dma_wait3A_103 = arith.constant 0 : i32
      %dma_wait3A_104 = arith.constant 0 : i32
      %dma_wait3A_105 = tpu.memref_slice %arg3[%add3A, %dma_wait3A_103, %dma_wait3A_104] : memref<32x40x128xi32, #tpu.memory_space<hbm>> -> memref<1x40x128xi32, #tpu.memory_space<hbm>>
      %dma_wait3A_106 = tpu.memref_squeeze %dma_wait3A_105 : memref<1x40x128xi32, #tpu.memory_space<hbm>> -> memref<40x128xi32, #tpu.memory_space<hbm>>
      tpu.wait_dma2 semaphore(%run_scoped3A : memref<!tpu.dma_semaphore, #tpu.memory_space<semaphore_mem>>) src(%dma_wait3A_106 : memref<40x128xi32, #tpu.memory_space<hbm>>) dst(%arg6 : memref<40x128xi32, #tpu.memory_space<vmem>>)
      tpu.yield
    }) : () -> ()
    "tpu.region"() ({
      %run_scoped3A = tpu.sem_alloc : memref<!tpu.dma_semaphore, #tpu.memory_space<semaphore_mem>>
      %dma_start3A_91 = arith.constant 0 : i32
      %dma_start3A_92 = arith.constant 0 : i32
      %dma_start3A_93 = tpu.memref_slice %arg4[%add3A, %dma_start3A_91, %dma_start3A_92] : memref<32x40x128xi32, #tpu.memory_space<hbm>> -> memref<1x40x128xi32, #tpu.memory_space<hbm>>
      %dma_start3A_94 = tpu.memref_squeeze %dma_start3A_93 : memref<1x40x128xi32, #tpu.memory_space<hbm>> -> memref<40x128xi32, #tpu.memory_space<hbm>>
      %dma_start3A_95 = arith.constant 0 : i32
      %dma_start3A_96 = arith.constant 0 : i32
      %dma_start3A_97 = tpu.memref_slice %arg4[%add3A, %dma_start3A_95, %dma_start3A_96] : memref<32x40x128xi32, #tpu.memory_space<hbm>> -> memref<1x40x128xi32, #tpu.memory_space<hbm>>
      %dma_start3A_98 = tpu.memref_squeeze %dma_start3A_97 : memref<1x40x128xi32, #tpu.memory_space<hbm>> -> memref<40x128xi32, #tpu.memory_space<hbm>>
      tpu.enqueue_dma source(%dma_start3A_98 : memref<40x128xi32, #tpu.memory_space<hbm>>) target(%arg7 : memref<40x128xi32, #tpu.memory_space<vmem>>) target_semaphore(%run_scoped3A : memref<!tpu.dma_semaphore, #tpu.memory_space<semaphore_mem>>)
      %dma_wait3A_99 = arith.constant 0 : i32
      %dma_wait3A_100 = arith.constant 0 : i32
      %dma_wait3A_101 = tpu.memref_slice %arg4[%add3A, %dma_wait3A_99, %dma_wait3A_100] : memref<32x40x128xi32, #tpu.memory_space<hbm>> -> memref<1x40x128xi32, #tpu.memory_space<hbm>>
      %dma_wait3A_102 = tpu.memref_squeeze %dma_wait3A_101 : memref<1x40x128xi32, #tpu.memory_space<hbm>> -> memref<40x128xi32, #tpu.memory_space<hbm>>
      %dma_wait3A_103 = arith.constant 0 : i32
      %dma_wait3A_104 = arith.constant 0 : i32
      %dma_wait3A_105 = tpu.memref_slice %arg4[%add3A, %dma_wait3A_103, %dma_wait3A_104] : memref<32x40x128xi32, #tpu.memory_space<hbm>> -> memref<1x40x128xi32, #tpu.memory_space<hbm>>
      %dma_wait3A_106 = tpu.memref_squeeze %dma_wait3A_105 : memref<1x40x128xi32, #tpu.memory_space<hbm>> -> memref<40x128xi32, #tpu.memory_space<hbm>>
      tpu.wait_dma2 semaphore(%run_scoped3A : memref<!tpu.dma_semaphore, #tpu.memory_space<semaphore_mem>>) src(%dma_wait3A_106 : memref<40x128xi32, #tpu.memory_space<hbm>>) dst(%arg7 : memref<40x128xi32, #tpu.memory_space<vmem>>)
      tpu.yield
    }) : () -> ()
    %scan3A = arith.constant 0 : i32
    %scan3A_1 = arith.constant 0 : i32
    %scan3A_2 = arith.constant 128 : i32
    %scan3A_3 = arith.addi %scan3A_1, %scan3A_2 : i32
    %scan3A_4 = arith.constant 1 : i32
    scf.for %scan3A_91 = %scan3A_1 to %scan3A_3 step %scan3A_4  : i32 {
      %broadcast_in_dim3A = arith.constant 0.000000e+00 : f32
      %broadcast_in_dim3A_92 = vector.broadcast %broadcast_in_dim3A : f32 to vector<16xf32>
      %swap3A = arith.index_cast %scan3A_91 : i32 to index
      %swap3A_93 = arith.constant 0 : index
      %swap3A_94 = tpu.vector_load %arg8[%swap3A, %swap3A_93] {strides = array<i32>} : memref<128x128xf32, #tpu.memory_space<vmem>>, vector<1x16xf32>,
      %swap3A_95 = vector.shape_cast %swap3A_94 : vector<1x16xf32> to vector<16xf32>
      %swap3A_96 = vector.shape_cast %broadcast_in_dim3A_92 : vector<16xf32> to vector<1x16xf32>
      tpu.vector_store %arg8[%swap3A, %swap3A_93], %swap3A_96 {strides = array<i32>} : memref<128x128xf32, #tpu.memory_space<vmem>>, vector<1x16xf32>,
      %broadcast_in_dim3A_97 = arith.constant 0.000000e+00 : f32
      %broadcast_in_dim3A_98 = vector.broadcast %broadcast_in_dim3A_97 : f32 to vector<16xf32>
      %swap3A_99 = arith.index_cast %scan3A_91 : i32 to index
      %swap3A_100 = arith.constant 16 : index
      %swap3A_101 = tpu.vector_load %arg8[%swap3A_99, %swap3A_100] {strides = array<i32>} : memref<128x128xf32, #tpu.memory_space<vmem>>, vector<1x16xf32>,
      %swap3A_102 = vector.shape_cast %swap3A_101 : vector<1x16xf32> to vector<16xf32>
      %swap3A_103 = vector.shape_cast %broadcast_in_dim3A_98 : vector<16xf32> to vector<1x16xf32>
      tpu.vector_store %arg8[%swap3A_99, %swap3A_100], %swap3A_103 {strides = array<i32>} : memref<128x128xf32, #tpu.memory_space<vmem>>, vector<1x16xf32>,
      %broadcast_in_dim3A_104 = arith.constant 0.000000e+00 : f32
      %broadcast_in_dim3A_105 = vector.broadcast %broadcast_in_dim3A_104 : f32 to vector<16xf32>
      %swap3A_106 = arith.index_cast %scan3A_91 : i32 to index
      %swap3A_107 = arith.constant 32 : index
      %swap3A_108 = tpu.vector_load %arg8[%swap3A_106, %swap3A_107] {strides = array<i32>} : memref<128x128xf32, #tpu.memory_space<vmem>>, vector<1x16xf32>,
      %swap3A_109 = vector.shape_cast %swap3A_108 : vector<1x16xf32> to vector<16xf32>
      %swap3A_110 = vector.shape_cast %broadcast_in_dim3A_105 : vector<16xf32> to vector<1x16xf32>
      tpu.vector_store %arg8[%swap3A_106, %swap3A_107], %swap3A_110 {strides = array<i32>} : memref<128x128xf32, #tpu.memory_space<vmem>>, vector<1x16xf32>,
      %broadcast_in_dim3A_111 = arith.constant 0.000000e+00 : f32
      %broadcast_in_dim3A_112 = vector.broadcast %broadcast_in_dim3A_111 : f32 to vector<16xf32>
      %swap3A_113 = arith.index_cast %scan3A_91 : i32 to index
      %swap3A_114 = arith.constant 48 : index
      %swap3A_115 = tpu.vector_load %arg8[%swap3A_113, %swap3A_114] {strides = array<i32>} : memref<128x128xf32, #tpu.memory_space<vmem>>, vector<1x16xf32>,
      %swap3A_116 = vector.shape_cast %swap3A_115 : vector<1x16xf32> to vector<16xf32>
      %swap3A_117 = vector.shape_cast %broadcast_in_dim3A_112 : vector<16xf32> to vector<1x16xf32>
      tpu.vector_store %arg8[%swap3A_113, %swap3A_114], %swap3A_117 {strides = array<i32>} : memref<128x128xf32, #tpu.memory_space<vmem>>, vector<1x16xf32>,
      %broadcast_in_dim3A_118 = arith.constant 0.000000e+00 : f32
      %broadcast_in_dim3A_119 = vector.broadcast %broadcast_in_dim3A_118 : f32 to vector<16xf32>
      %swap3A_120 = arith.index_cast %scan3A_91 : i32 to index
      %swap3A_121 = arith.constant 64 : index
      %swap3A_122 = tpu.vector_load %arg8[%swap3A_120, %swap3A_121] {strides = array<i32>} : memref<128x128xf32, #tpu.memory_space<vmem>>, vector<1x16xf32>,
      %swap3A_123 = vector.shape_cast %swap3A_122 : vector<1x16xf32> to vector<16xf32>
      %swap3A_124 = vector.shape_cast %broadcast_in_dim3A_119 : vector<16xf32> to vector<1x16xf32>
      tpu.vector_store %arg8[%swap3A_120, %swap3A_121], %swap3A_124 {strides = array<i32>} : memref<128x128xf32, #tpu.memory_space<vmem>>, vector<1x16xf32>,
      %broadcast_in_dim3A_125 = arith.constant 0.000000e+00 : f32
      %broadcast_in_dim3A_126 = vector.broadcast %broadcast_in_dim3A_125 : f32 to vector<16xf32>
      %swap3A_127 = arith.index_cast %scan3A_91 : i32 to index
      %swap3A_128 = arith.constant 80 : index
      %swap3A_129 = tpu.vector_load %arg8[%swap3A_127, %swap3A_128] {strides = array<i32>} : memref<128x128xf32, #tpu.memory_space<vmem>>, vector<1x16xf32>,
      %swap3A_130 = vector.shape_cast %swap3A_129 : vector<1x16xf32> to vector<16xf32>
      %swap3A_131 = vector.shape_cast %broadcast_in_dim3A_126 : vector<16xf32> to vector<1x16xf32>
      tpu.vector_store %arg8[%swap3A_127, %swap3A_128], %swap3A_131 {strides = array<i32>} : memref<128x128xf32, #tpu.memory_space<vmem>>, vector<1x16xf32>,
      %broadcast_in_dim3A_132 = arith.constant 0.000000e+00 : f32
      %broadcast_in_dim3A_133 = vector.broadcast %broadcast_in_dim3A_132 : f32 to vector<16xf32>
      %swap3A_134 = arith.index_cast %scan3A_91 : i32 to index
      %swap3A_135 = arith.constant 96 : index
      %swap3A_136 = tpu.vector_load %arg8[%swap3A_134, %swap3A_135] {strides = array<i32>} : memref<128x128xf32, #tpu.memory_space<vmem>>, vector<1x16xf32>,
      %swap3A_137 = vector.shape_cast %swap3A_136 : vector<1x16xf32> to vector<16xf32>
      %swap3A_138 = vector.shape_cast %broadcast_in_dim3A_133 : vector<16xf32> to vector<1x16xf32>
      tpu.vector_store %arg8[%swap3A_134, %swap3A_135], %swap3A_138 {strides = array<i32>} : memref<128x128xf32, #tpu.memory_space<vmem>>, vector<1x16xf32>,
      %broadcast_in_dim3A_139 = arith.constant 0.000000e+00 : f32
      %broadcast_in_dim3A_140 = vector.broadcast %broadcast_in_dim3A_139 : f32 to vector<16xf32>
      %swap3A_141 = arith.index_cast %scan3A_91 : i32 to index
      %swap3A_142 = arith.constant 112 : index
      %swap3A_143 = tpu.vector_load %arg8[%swap3A_141, %swap3A_142] {strides = array<i32>} : memref<128x128xf32, #tpu.memory_space<vmem>>, vector<1x16xf32>,
      %swap3A_144 = vector.shape_cast %swap3A_143 : vector<1x16xf32> to vector<16xf32>
      %swap3A_145 = vector.shape_cast %broadcast_in_dim3A_140 : vector<16xf32> to vector<1x16xf32>
      tpu.vector_store %arg8[%swap3A_141, %swap3A_142], %swap3A_145 {strides = array<i32>} : memref<128x128xf32, #tpu.memory_space<vmem>>, vector<1x16xf32>,
    }
    %scan3A_5 = arith.constant 128 : i32
    %mul3A_6 = arith.constant 640 : i32
    %mul3A_7 = arith.muli %arg1, %mul3A_6 : i32
    %add3A_8 = arith.constant 0 : i32
    %add3A_9 = arith.addi %mul3A_7, %add3A_8 : i32
    "tpu.region"() ({
      %run_scoped3A = tpu.sem_alloc : memref<!tpu.dma_semaphore, #tpu.memory_space<semaphore_mem>>
      %dma_start3A_91 = arith.constant 0 : i32
      %dma_start3A_92 = tpu.memref_slice %arg10[%add3A_9, %dma_start3A_91] : memref<10240x128xf32, #tpu.memory_space<vmem_shared>> -> memref<128x128xf32, #tpu.memory_space<vmem_shared>>
      %dma_start3A_93 = arith.constant 0 : i32
      %dma_start3A_94 = tpu.memref_slice %arg10[%add3A_9, %dma_start3A_93] : memref<10240x128xf32, #tpu.memory_space<vmem_shared>> -> memref<128x128xf32, #tpu.memory_space<vmem_shared>>
      tpu.enqueue_dma source(%arg8 : memref<128x128xf32, #tpu.memory_space<vmem>>) target(%dma_start3A_94 : memref<128x128xf32, #tpu.memory_space<vmem_shared>>) target_semaphore(%run_scoped3A : memref<!tpu.dma_semaphore, #tpu.memory_space<semaphore_mem>>)
      %dma_wait3A_95 = arith.constant 0 : i32
      %dma_wait3A_96 = tpu.memref_slice %arg10[%add3A_9, %dma_wait3A_95] : memref<10240x128xf32, #tpu.memory_space<vmem_shared>> -> memref<128x128xf32, #tpu.memory_space<vmem_shared>>
      %dma_wait3A_97 = arith.constant 0 : i32
      %dma_wait3A_98 = tpu.memref_slice %arg10[%add3A_9, %dma_wait3A_97] : memref<10240x128xf32, #tpu.memory_space<vmem_shared>> -> memref<128x128xf32, #tpu.memory_space<vmem_shared>>
      tpu.wait_dma2 semaphore(%run_scoped3A : memref<!tpu.dma_semaphore, #tpu.memory_space<semaphore_mem>>) src(%arg8 : memref<128x128xf32, #tpu.memory_space<vmem>>) dst(%dma_wait3A_98 : memref<128x128xf32, #tpu.memory_space<vmem_shared>>)
      tpu.yield
    }) : () -> ()
    %mul3A_10 = arith.constant 640 : i32
    %mul3A_11 = arith.muli %arg1, %mul3A_10 : i32
    %add3A_12 = arith.constant 128 : i32
    %add3A_13 = arith.addi %mul3A_11, %add3A_12 : i32
    "tpu.region"() ({
      %run_scoped3A = tpu.sem_alloc : memref<!tpu.dma_semaphore, #tpu.memory_space<semaphore_mem>>
      %dma_start3A_91 = arith.constant 0 : i32
      %dma_start3A_92 = tpu.memref_slice %arg10[%add3A_13, %dma_start3A_91] : memref<10240x128xf32, #tpu.memory_space<vmem_shared>> -> memref<128x128xf32, #tpu.memory_space<vmem_shared>>
      %dma_start3A_93 = arith.constant 0 : i32
      %dma_start3A_94 = tpu.memref_slice %arg10[%add3A_13, %dma_start3A_93] : memref<10240x128xf32, #tpu.memory_space<vmem_shared>> -> memref<128x128xf32, #tpu.memory_space<vmem_shared>>
      tpu.enqueue_dma source(%arg8 : memref<128x128xf32, #tpu.memory_space<vmem>>) target(%dma_start3A_94 : memref<128x128xf32, #tpu.memory_space<vmem_shared>>) target_semaphore(%run_scoped3A : memref<!tpu.dma_semaphore, #tpu.memory_space<semaphore_mem>>)
      %dma_wait3A_95 = arith.constant 0 : i32
      %dma_wait3A_96 = tpu.memref_slice %arg10[%add3A_13, %dma_wait3A_95] : memref<10240x128xf32, #tpu.memory_space<vmem_shared>> -> memref<128x128xf32, #tpu.memory_space<vmem_shared>>
      %dma_wait3A_97 = arith.constant 0 : i32
      %dma_wait3A_98 = tpu.memref_slice %arg10[%add3A_13, %dma_wait3A_97] : memref<10240x128xf32, #tpu.memory_space<vmem_shared>> -> memref<128x128xf32, #tpu.memory_space<vmem_shared>>
      tpu.wait_dma2 semaphore(%run_scoped3A : memref<!tpu.dma_semaphore, #tpu.memory_space<semaphore_mem>>) src(%arg8 : memref<128x128xf32, #tpu.memory_space<vmem>>) dst(%dma_wait3A_98 : memref<128x128xf32, #tpu.memory_space<vmem_shared>>)
      tpu.yield
    }) : () -> ()
    %mul3A_14 = arith.constant 640 : i32
    %mul3A_15 = arith.muli %arg1, %mul3A_14 : i32
    %add3A_16 = arith.constant 256 : i32
    %add3A_17 = arith.addi %mul3A_15, %add3A_16 : i32
    "tpu.region"() ({
      %run_scoped3A = tpu.sem_alloc : memref<!tpu.dma_semaphore, #tpu.memory_space<semaphore_mem>>
      %dma_start3A_91 = arith.constant 0 : i32
      %dma_start3A_92 = tpu.memref_slice %arg10[%add3A_17, %dma_start3A_91] : memref<10240x128xf32, #tpu.memory_space<vmem_shared>> -> memref<128x128xf32, #tpu.memory_space<vmem_shared>>
      %dma_start3A_93 = arith.constant 0 : i32
      %dma_start3A_94 = tpu.memref_slice %arg10[%add3A_17, %dma_start3A_93] : memref<10240x128xf32, #tpu.memory_space<vmem_shared>> -> memref<128x128xf32, #tpu.memory_space<vmem_shared>>
      tpu.enqueue_dma source(%arg8 : memref<128x128xf32, #tpu.memory_space<vmem>>) target(%dma_start3A_94 : memref<128x128xf32, #tpu.memory_space<vmem_shared>>) target_semaphore(%run_scoped3A : memref<!tpu.dma_semaphore, #tpu.memory_space<semaphore_mem>>)
      %dma_wait3A_95 = arith.constant 0 : i32
      %dma_wait3A_96 = tpu.memref_slice %arg10[%add3A_17, %dma_wait3A_95] : memref<10240x128xf32, #tpu.memory_space<vmem_shared>> -> memref<128x128xf32, #tpu.memory_space<vmem_shared>>
      %dma_wait3A_97 = arith.constant 0 : i32
      %dma_wait3A_98 = tpu.memref_slice %arg10[%add3A_17, %dma_wait3A_97] : memref<10240x128xf32, #tpu.memory_space<vmem_shared>> -> memref<128x128xf32, #tpu.memory_space<vmem_shared>>
      tpu.wait_dma2 semaphore(%run_scoped3A : memref<!tpu.dma_semaphore, #tpu.memory_space<semaphore_mem>>) src(%arg8 : memref<128x128xf32, #tpu.memory_space<vmem>>) dst(%dma_wait3A_98 : memref<128x128xf32, #tpu.memory_space<vmem_shared>>)
      tpu.yield
    }) : () -> ()
    %mul3A_18 = arith.constant 640 : i32
    %mul3A_19 = arith.muli %arg1, %mul3A_18 : i32
    %add3A_20 = arith.constant 384 : i32
    %add3A_21 = arith.addi %mul3A_19, %add3A_20 : i32
    "tpu.region"() ({
      %run_scoped3A = tpu.sem_alloc : memref<!tpu.dma_semaphore, #tpu.memory_space<semaphore_mem>>
      %dma_start3A_91 = arith.constant 0 : i32
      %dma_start3A_92 = tpu.memref_slice %arg10[%add3A_21, %dma_start3A_91] : memref<10240x128xf32, #tpu.memory_space<vmem_shared>> -> memref<128x128xf32, #tpu.memory_space<vmem_shared>>
      %dma_start3A_93 = arith.constant 0 : i32
      %dma_start3A_94 = tpu.memref_slice %arg10[%add3A_21, %dma_start3A_93] : memref<10240x128xf32, #tpu.memory_space<vmem_shared>> -> memref<128x128xf32, #tpu.memory_space<vmem_shared>>
      tpu.enqueue_dma source(%arg8 : memref<128x128xf32, #tpu.memory_space<vmem>>) target(%dma_start3A_94 : memref<128x128xf32, #tpu.memory_space<vmem_shared>>) target_semaphore(%run_scoped3A : memref<!tpu.dma_semaphore, #tpu.memory_space<semaphore_mem>>)
      %dma_wait3A_95 = arith.constant 0 : i32
      %dma_wait3A_96 = tpu.memref_slice %arg10[%add3A_21, %dma_wait3A_95] : memref<10240x128xf32, #tpu.memory_space<vmem_shared>> -> memref<128x128xf32, #tpu.memory_space<vmem_shared>>
      %dma_wait3A_97 = arith.constant 0 : i32
      %dma_wait3A_98 = tpu.memref_slice %arg10[%add3A_21, %dma_wait3A_97] : memref<10240x128xf32, #tpu.memory_space<vmem_shared>> -> memref<128x128xf32, #tpu.memory_space<vmem_shared>>
      tpu.wait_dma2 semaphore(%run_scoped3A : memref<!tpu.dma_semaphore, #tpu.memory_space<semaphore_mem>>) src(%arg8 : memref<128x128xf32, #tpu.memory_space<vmem>>) dst(%dma_wait3A_98 : memref<128x128xf32, #tpu.memory_space<vmem_shared>>)
      tpu.yield
    }) : () -> ()
    %mul3A_22 = arith.constant 640 : i32
    %mul3A_23 = arith.muli %arg1, %mul3A_22 : i32
    %add3A_24 = arith.constant 512 : i32
    %add3A_25 = arith.addi %mul3A_23, %add3A_24 : i32
    "tpu.region"() ({
      %run_scoped3A = tpu.sem_alloc : memref<!tpu.dma_semaphore, #tpu.memory_space<semaphore_mem>>
      %dma_start3A_91 = arith.constant 0 : i32
      %dma_start3A_92 = tpu.memref_slice %arg10[%add3A_25, %dma_start3A_91] : memref<10240x128xf32, #tpu.memory_space<vmem_shared>> -> memref<128x128xf32, #tpu.memory_space<vmem_shared>>
      %dma_start3A_93 = arith.constant 0 : i32
      %dma_start3A_94 = tpu.memref_slice %arg10[%add3A_25, %dma_start3A_93] : memref<10240x128xf32, #tpu.memory_space<vmem_shared>> -> memref<128x128xf32, #tpu.memory_space<vmem_shared>>
      tpu.enqueue_dma source(%arg8 : memref<128x128xf32, #tpu.memory_space<vmem>>) target(%dma_start3A_94 : memref<128x128xf32, #tpu.memory_space<vmem_shared>>) target_semaphore(%run_scoped3A : memref<!tpu.dma_semaphore, #tpu.memory_space<semaphore_mem>>)
      %dma_wait3A_95 = arith.constant 0 : i32
      %dma_wait3A_96 = tpu.memref_slice %arg10[%add3A_25, %dma_wait3A_95] : memref<10240x128xf32, #tpu.memory_space<vmem_shared>> -> memref<128x128xf32, #tpu.memory_space<vmem_shared>>
      %dma_wait3A_97 = arith.constant 0 : i32
      %dma_wait3A_98 = tpu.memref_slice %arg10[%add3A_25, %dma_wait3A_97] : memref<10240x128xf32, #tpu.memory_space<vmem_shared>> -> memref<128x128xf32, #tpu.memory_space<vmem_shared>>
      tpu.wait_dma2 semaphore(%run_scoped3A : memref<!tpu.dma_semaphore, #tpu.memory_space<semaphore_mem>>) src(%arg8 : memref<128x128xf32, #tpu.memory_space<vmem>>) dst(%dma_wait3A_98 : memref<128x128xf32, #tpu.memory_space<vmem_shared>>)
      tpu.yield
    }) : () -> ()
    %barrier3A = arith.constant 0 : index
    tpu.barrier barrier_id(%barrier3A)
    %dma_start3A = arith.constant 0 : i32
    %dma_start3A_26 = arith.constant 0 : i32
    %dma_start3A_27 = tpu.memref_slice %arg6[%dma_start3A, %dma_start3A_26] : memref<40x128xi32, #tpu.memory_space<vmem>> -> memref<1x128xi32, #tpu.memory_space<vmem>>
    %dma_start3A_28 = tpu.memref_squeeze %dma_start3A_27 : memref<1x128xi32, #tpu.memory_space<vmem>> -> memref<128xi32, #tpu.memory_space<vmem>>
    %dma_start3A_29 = arith.constant 0 : i32
    %dma_start3A_30 = arith.constant 0 : i32
    %dma_start3A_31 = tpu.memref_slice %arg2[%dma_start3A_29, %dma_start3A_30] : memref<10240x128xf32, #tpu.memory_space<hbm>> -> memref<10240x128xf32, #tpu.memory_space<hbm>>
    tpu.enqueue_indirect_dma source(%dma_start3A_31 : memref<10240x128xf32, #tpu.memory_space<hbm>>) target(%arg8 : memref<128x128xf32, #tpu.memory_space<vmem>>) offsets(%dma_start3A_28 : memref<128xi32, #tpu.memory_space<vmem>>) semaphore(%arg11 : memref<!tpu.dma_semaphore, #tpu.memory_space<semaphore_mem>>)
    %dma_start3A_32 = arith.constant 1 : i32
    %dma_start3A_33 = arith.constant 0 : i32
    %dma_start3A_34 = tpu.memref_slice %arg6[%dma_start3A_32, %dma_start3A_33] : memref<40x128xi32, #tpu.memory_space<vmem>> -> memref<1x128xi32, #tpu.memory_space<vmem>>
    %dma_start3A_35 = tpu.memref_squeeze %dma_start3A_34 : memref<1x128xi32, #tpu.memory_space<vmem>> -> memref<128xi32, #tpu.memory_space<vmem>>
    %dma_start3A_36 = arith.constant 0 : i32
    %dma_start3A_37 = arith.constant 0 : i32
    %dma_start3A_38 = tpu.memref_slice %arg2[%dma_start3A_36, %dma_start3A_37] : memref<10240x128xf32, #tpu.memory_space<hbm>> -> memref<10240x128xf32, #tpu.memory_space<hbm>>
    tpu.enqueue_indirect_dma source(%dma_start3A_38 : memref<10240x128xf32, #tpu.memory_space<hbm>>) target(%arg9 : memref<128x128xf32, #tpu.memory_space<vmem>>) offsets(%dma_start3A_35 : memref<128xi32, #tpu.memory_space<vmem>>) semaphore(%arg12 : memref<!tpu.dma_semaphore, #tpu.memory_space<semaphore_mem>>)
    %scan3A_39 = arith.constant 0 : i32
    %scan3A_40 = arith.constant 0 : i32
    %scan3A_41 = arith.constant 19 : i32
    %scan3A_42 = arith.addi %scan3A_40, %scan3A_41 : i32
    %scan3A_43 = arith.constant 1 : i32
    scf.for %scan3A_91 = %scan3A_40 to %scan3A_42 step %scan3A_43  : i32 {
      %mul3A_92 = arith.constant 2 : i32
      %mul3A_93 = arith.muli %scan3A_91, %mul3A_92 : i32
      %add3A_94 = arith.constant 0 : i32
      %add3A_95 = arith.addi %mul3A_93, %add3A_94 : i32
      %dma_wait3A_96 = arith.constant 0 : i32
      %dma_wait3A_97 = tpu.memref_slice %arg6[%add3A_95, %dma_wait3A_96] : memref<40x128xi32, #tpu.memory_space<vmem>> -> memref<1x128xi32, #tpu.memory_space<vmem>>
      %dma_wait3A_98 = tpu.memref_squeeze %dma_wait3A_97 : memref<1x128xi32, #tpu.memory_space<vmem>> -> memref<128xi32, #tpu.memory_space<vmem>>
      %dma_wait3A_99 = arith.constant 0 : i32
      %dma_wait3A_100 = arith.constant 0 : i32
      %dma_wait3A_101 = tpu.memref_slice %arg2[%dma_wait3A_99, %dma_wait3A_100] : memref<10240x128xf32, #tpu.memory_space<hbm>> -> memref<10240x128xf32, #tpu.memory_space<hbm>>
      tpu.wait_indirect_dma semaphore(%arg11 : memref<!tpu.dma_semaphore, #tpu.memory_space<semaphore_mem>>) src(%dma_wait3A_101 : memref<10240x128xf32, #tpu.memory_space<hbm>>) dst(%arg8 : memref<128x128xf32, #tpu.memory_space<vmem>>)
      %add3A_102 = arith.constant 0 : i32
      %add3A_103 = arith.addi %mul3A_93, %add3A_102 : i32
      %dma_start3A_104 = arith.constant 0 : i32
      %dma_start3A_105 = tpu.memref_slice %arg7[%add3A_103, %dma_start3A_104] : memref<40x128xi32, #tpu.memory_space<vmem>> -> memref<1x128xi32, #tpu.memory_space<vmem>>
      %dma_start3A_106 = tpu.memref_squeeze %dma_start3A_105 : memref<1x128xi32, #tpu.memory_space<vmem>> -> memref<128xi32, #tpu.memory_space<vmem>>
      %dma_start3A_107 = arith.constant 0 : i32
      %dma_start3A_108 = arith.constant 0 : i32
      %dma_start3A_109 = tpu.memref_slice %arg10[%dma_start3A_107, %dma_start3A_108] : memref<10240x128xf32, #tpu.memory_space<vmem_shared>> -> memref<10240x128xf32, #tpu.memory_space<vmem_shared>>
      tpu.enqueue_indirect_dma source(%arg8 : memref<128x128xf32, #tpu.memory_space<vmem>>) target(%dma_start3A_109 : memref<10240x128xf32, #tpu.memory_space<vmem_shared>>) offsets(%dma_start3A_106 : memref<128xi32, #tpu.memory_space<vmem>>) semaphore(%arg13 : memref<!tpu.dma_semaphore, #tpu.memory_space<semaphore_mem>>) {add = true}
      %add3A_110 = arith.constant 1 : i32
      %add3A_111 = arith.addi %mul3A_93, %add3A_110 : i32
      %dma_wait3A_112 = arith.constant 0 : i32
      %dma_wait3A_113 = tpu.memref_slice %arg6[%add3A_111, %dma_wait3A_112] : memref<40x128xi32, #tpu.memory_space<vmem>> -> memref<1x128xi32, #tpu.memory_space<vmem>>
      %dma_wait3A_114 = tpu.memref_squeeze %dma_wait3A_113 : memref<1x128xi32, #tpu.memory_space<vmem>> -> memref<128xi32, #tpu.memory_space<vmem>>
      %dma_wait3A_115 = arith.constant 0 : i32
      %dma_wait3A_116 = arith.constant 0 : i32
      %dma_wait3A_117 = tpu.memref_slice %arg2[%dma_wait3A_115, %dma_wait3A_116] : memref<10240x128xf32, #tpu.memory_space<hbm>> -> memref<10240x128xf32, #tpu.memory_space<hbm>>
      tpu.wait_indirect_dma semaphore(%arg12 : memref<!tpu.dma_semaphore, #tpu.memory_space<semaphore_mem>>) src(%dma_wait3A_117 : memref<10240x128xf32, #tpu.memory_space<hbm>>) dst(%arg9 : memref<128x128xf32, #tpu.memory_space<vmem>>)
      %add3A_118 = arith.constant 1 : i32
      %add3A_119 = arith.addi %mul3A_93, %add3A_118 : i32
      %dma_start3A_120 = arith.constant 0 : i32
      %dma_start3A_121 = tpu.memref_slice %arg7[%add3A_119, %dma_start3A_120] : memref<40x128xi32, #tpu.memory_space<vmem>> -> memref<1x128xi32, #tpu.memory_space<vmem>>
      %dma_start3A_122 = tpu.memref_squeeze %dma_start3A_121 : memref<1x128xi32, #tpu.memory_space<vmem>> -> memref<128xi32, #tpu.memory_space<vmem>>
      %dma_start3A_123 = arith.constant 0 : i32
      %dma_start3A_124 = arith.constant 0 : i32
      %dma_start3A_125 = tpu.memref_slice %arg10[%dma_start3A_123, %dma_start3A_124] : memref<10240x128xf32, #tpu.memory_space<vmem_shared>> -> memref<10240x128xf32, #tpu.memory_space<vmem_shared>>
      tpu.enqueue_indirect_dma source(%arg9 : memref<128x128xf32, #tpu.memory_space<vmem>>) target(%dma_start3A_125 : memref<10240x128xf32, #tpu.memory_space<vmem_shared>>) offsets(%dma_start3A_122 : memref<128xi32, #tpu.memory_space<vmem>>) semaphore(%arg14 : memref<!tpu.dma_semaphore, #tpu.memory_space<semaphore_mem>>) {add = true}
      %add3A_126 = arith.constant 0 : i32
      %add3A_127 = arith.addi %mul3A_93, %add3A_126 : i32
      %dma_wait3A_128 = arith.constant 0 : i32
      %dma_wait3A_129 = tpu.memref_slice %arg7[%add3A_127, %dma_wait3A_128] : memref<40x128xi32, #tpu.memory_space<vmem>> -> memref<1x128xi32, #tpu.memory_space<vmem>>
      %dma_wait3A_130 = tpu.memref_squeeze %dma_wait3A_129 : memref<1x128xi32, #tpu.memory_space<vmem>> -> memref<128xi32, #tpu.memory_space<vmem>>
      %dma_wait3A_131 = arith.constant 0 : i32
      %dma_wait3A_132 = arith.constant 0 : i32
      %dma_wait3A_133 = tpu.memref_slice %arg10[%dma_wait3A_131, %dma_wait3A_132] : memref<10240x128xf32, #tpu.memory_space<vmem_shared>> -> memref<10240x128xf32, #tpu.memory_space<vmem_shared>>
      tpu.wait_indirect_dma semaphore(%arg13 : memref<!tpu.dma_semaphore, #tpu.memory_space<semaphore_mem>>) src(%arg8 : memref<128x128xf32, #tpu.memory_space<vmem>>) dst(%dma_wait3A_133 : memref<10240x128xf32, #tpu.memory_space<vmem_shared>>)
      %add3A_134 = arith.constant 2 : i32
      %add3A_135 = arith.addi %mul3A_93, %add3A_134 : i32
      %add3A_136 = arith.constant 0 : i32
      %add3A_137 = arith.addi %add3A_135, %add3A_136 : i32
      %dma_start3A_138 = arith.constant 0 : i32
      %dma_start3A_139 = tpu.memref_slice %arg6[%add3A_137, %dma_start3A_138] : memref<40x128xi32, #tpu.memory_space<vmem>> -> memref<1x128xi32, #tpu.memory_space<vmem>>
      %dma_start3A_140 = tpu.memref_squeeze %dma_start3A_139 : memref<1x128xi32, #tpu.memory_space<vmem>> -> memref<128xi32, #tpu.memory_space<vmem>>
      %dma_start3A_141 = arith.constant 0 : i32
      %dma_start3A_142 = arith.constant 0 : i32
      %dma_start3A_143 = tpu.memref_slice %arg2[%dma_start3A_141, %dma_start3A_142] : memref<10240x128xf32, #tpu.memory_space<hbm>> -> memref<10240x128xf32, #tpu.memory_space<hbm>>
      tpu.enqueue_indirect_dma source(%dma_start3A_143 : memref<10240x128xf32, #tpu.memory_space<hbm>>) target(%arg8 : memref<128x128xf32, #tpu.memory_space<vmem>>) offsets(%dma_start3A_140 : memref<128xi32, #tpu.memory_space<vmem>>) semaphore(%arg11 : memref<!tpu.dma_semaphore, #tpu.memory_space<semaphore_mem>>)
      %add3A_144 = arith.constant 1 : i32
      %add3A_145 = arith.addi %mul3A_93, %add3A_144 : i32
      %dma_wait3A_146 = arith.constant 0 : i32
      %dma_wait3A_147 = tpu.memref_slice %arg7[%add3A_145, %dma_wait3A_146] : memref<40x128xi32, #tpu.memory_space<vmem>> -> memref<1x128xi32, #tpu.memory_space<vmem>>
      %dma_wait3A_148 = tpu.memref_squeeze %dma_wait3A_147 : memref<1x128xi32, #tpu.memory_space<vmem>> -> memref<128xi32, #tpu.memory_space<vmem>>
      %dma_wait3A_149 = arith.constant 0 : i32
      %dma_wait3A_150 = arith.constant 0 : i32
      %dma_wait3A_151 = tpu.memref_slice %arg10[%dma_wait3A_149, %dma_wait3A_150] : memref<10240x128xf32, #tpu.memory_space<vmem_shared>> -> memref<10240x128xf32, #tpu.memory_space<vmem_shared>>
      tpu.wait_indirect_dma semaphore(%arg14 : memref<!tpu.dma_semaphore, #tpu.memory_space<semaphore_mem>>) src(%arg9 : memref<128x128xf32, #tpu.memory_space<vmem>>) dst(%dma_wait3A_151 : memref<10240x128xf32, #tpu.memory_space<vmem_shared>>)
      %add3A_152 = arith.constant 2 : i32
      %add3A_153 = arith.addi %mul3A_93, %add3A_152 : i32
      %add3A_154 = arith.constant 1 : i32
      %add3A_155 = arith.addi %add3A_153, %add3A_154 : i32
      %dma_start3A_156 = arith.constant 0 : i32
      %dma_start3A_157 = tpu.memref_slice %arg6[%add3A_155, %dma_start3A_156] : memref<40x128xi32, #tpu.memory_space<vmem>> -> memref<1x128xi32, #tpu.memory_space<vmem>>
      %dma_start3A_158 = tpu.memref_squeeze %dma_start3A_157 : memref<1x128xi32, #tpu.memory_space<vmem>> -> memref<128xi32, #tpu.memory_space<vmem>>
      %dma_start3A_159 = arith.constant 0 : i32
      %dma_start3A_160 = arith.constant 0 : i32
      %dma_start3A_161 = tpu.memref_slice %arg2[%dma_start3A_159, %dma_start3A_160] : memref<10240x128xf32, #tpu.memory_space<hbm>> -> memref<10240x128xf32, #tpu.memory_space<hbm>>
      tpu.enqueue_indirect_dma source(%dma_start3A_161 : memref<10240x128xf32, #tpu.memory_space<hbm>>) target(%arg9 : memref<128x128xf32, #tpu.memory_space<vmem>>) offsets(%dma_start3A_158 : memref<128xi32, #tpu.memory_space<vmem>>) semaphore(%arg12 : memref<!tpu.dma_semaphore, #tpu.memory_space<semaphore_mem>>)
    }
    %scan3A_44 = arith.constant 19 : i32
    %dma_wait3A = arith.constant 38 : i32
    %dma_wait3A_45 = arith.constant 0 : i32
    %dma_wait3A_46 = tpu.memref_slice %arg6[%dma_wait3A, %dma_wait3A_45] : memref<40x128xi32, #tpu.memory_space<vmem>> -> memref<1x128xi32, #tpu.memory_space<vmem>>
    %dma_wait3A_47 = tpu.memref_squeeze %dma_wait3A_46 : memref<1x128xi32, #tpu.memory_space<vmem>> -> memref<128xi32, #tpu.memory_space<vmem>>
    %dma_wait3A_48 = arith.constant 0 : i32
    %dma_wait3A_49 = arith.constant 0 : i32
    %dma_wait3A_50 = tpu.memref_slice %arg2[%dma_wait3A_48, %dma_wait3A_49] : memref<10240x128xf32, #tpu.memory_space<hbm>> -> memref<10240x128xf32, #tpu.memory_space<hbm>>
    tpu.wait_indirect_dma semaphore(%arg11 : memref<!tpu.dma_semaphore, #tpu.memory_space<semaphore_mem>>) src(%dma_wait3A_50 : memref<10240x128xf32, #tpu.memory_space<hbm>>) dst(%arg8 : memref<128x128xf32, #tpu.memory_space<vmem>>)
    %dma_start3A_51 = arith.constant 38 : i32
    %dma_start3A_52 = arith.constant 0 : i32
    %dma_start3A_53 = tpu.memref_slice %arg7[%dma_start3A_51, %dma_start3A_52] : memref<40x128xi32, #tpu.memory_space<vmem>> -> memref<1x128xi32, #tpu.memory_space<vmem>>
    %dma_start3A_54 = tpu.memref_squeeze %dma_start3A_53 : memref<1x128xi32, #tpu.memory_space<vmem>> -> memref<128xi32, #tpu.memory_space<vmem>>
    %dma_start3A_55 = arith.constant 0 : i32
    %dma_start3A_56 = arith.constant 0 : i32
    %dma_start3A_57 = tpu.memref_slice %arg10[%dma_start3A_55, %dma_start3A_56] : memref<10240x128xf32, #tpu.memory_space<vmem_shared>> -> memref<10240x128xf32, #tpu.memory_space<vmem_shared>>
    tpu.enqueue_indirect_dma source(%arg8 : memref<128x128xf32, #tpu.memory_space<vmem>>) target(%dma_start3A_57 : memref<10240x128xf32, #tpu.memory_space<vmem_shared>>) offsets(%dma_start3A_54 : memref<128xi32, #tpu.memory_space<vmem>>) semaphore(%arg13 : memref<!tpu.dma_semaphore, #tpu.memory_space<semaphore_mem>>) {add = true}
    %dma_wait3A_58 = arith.constant 39 : i32
    %dma_wait3A_59 = arith.constant 0 : i32
    %dma_wait3A_60 = tpu.memref_slice %arg6[%dma_wait3A_58, %dma_wait3A_59] : memref<40x128xi32, #tpu.memory_space<vmem>> -> memref<1x128xi32, #tpu.memory_space<vmem>>
    %dma_wait3A_61 = tpu.memref_squeeze %dma_wait3A_60 : memref<1x128xi32, #tpu.memory_space<vmem>> -> memref<128xi32, #tpu.memory_space<vmem>>
    %dma_wait3A_62 = arith.constant 0 : i32
    %dma_wait3A_63 = arith.constant 0 : i32
    %dma_wait3A_64 = tpu.memref_slice %arg2[%dma_wait3A_62, %dma_wait3A_63] : memref<10240x128xf32, #tpu.memory_space<hbm>> -> memref<10240x128xf32, #tpu.memory_space<hbm>>
    tpu.wait_indirect_dma semaphore(%arg12 : memref<!tpu.dma_semaphore, #tpu.memory_space<semaphore_mem>>) src(%dma_wait3A_64 : memref<10240x128xf32, #tpu.memory_space<hbm>>) dst(%arg9 : memref<128x128xf32, #tpu.memory_space<vmem>>)
    %dma_start3A_65 = arith.constant 39 : i32
    %dma_start3A_66 = arith.constant 0 : i32
    %dma_start3A_67 = tpu.memref_slice %arg7[%dma_start3A_65, %dma_start3A_66] : memref<40x128xi32, #tpu.memory_space<vmem>> -> memref<1x128xi32, #tpu.memory_space<vmem>>
    %dma_start3A_68 = tpu.memref_squeeze %dma_start3A_67 : memref<1x128xi32, #tpu.memory_space<vmem>> -> memref<128xi32, #tpu.memory_space<vmem>>
    %dma_start3A_69 = arith.constant 0 : i32
    %dma_start3A_70 = arith.constant 0 : i32
    %dma_start3A_71 = tpu.memref_slice %arg10[%dma_start3A_69, %dma_start3A_70] : memref<10240x128xf32, #tpu.memory_space<vmem_shared>> -> memref<10240x128xf32, #tpu.memory_space<vmem_shared>>
    tpu.enqueue_indirect_dma source(%arg9 : memref<128x128xf32, #tpu.memory_space<vmem>>) target(%dma_start3A_71 : memref<10240x128xf32, #tpu.memory_space<vmem_shared>>) offsets(%dma_start3A_68 : memref<128xi32, #tpu.memory_space<vmem>>) semaphore(%arg14 : memref<!tpu.dma_semaphore, #tpu.memory_space<semaphore_mem>>) {add = true}
    %dma_wait3A_72 = arith.constant 38 : i32
    %dma_wait3A_73 = arith.constant 0 : i32
    %dma_wait3A_74 = tpu.memref_slice %arg7[%dma_wait3A_72, %dma_wait3A_73] : memref<40x128xi32, #tpu.memory_space<vmem>> -> memref<1x128xi32, #tpu.memory_space<vmem>>
    %dma_wait3A_75 = tpu.memref_squeeze %dma_wait3A_74 : memref<1x128xi32, #tpu.memory_space<vmem>> -> memref<128xi32, #tpu.memory_space<vmem>>
    %dma_wait3A_76 = arith.constant 0 : i32
    %dma_wait3A_77 = arith.constant 0 : i32
    %dma_wait3A_78 = tpu.memref_slice %arg10[%dma_wait3A_76, %dma_wait3A_77] : memref<10240x128xf32, #tpu.memory_space<vmem_shared>> -> memref<10240x128xf32, #tpu.memory_space<vmem_shared>>
    tpu.wait_indirect_dma semaphore(%arg13 : memref<!tpu.dma_semaphore, #tpu.memory_space<semaphore_mem>>) src(%arg8 : memref<128x128xf32, #tpu.memory_space<vmem>>) dst(%dma_wait3A_78 : memref<10240x128xf32, #tpu.memory_space<vmem_shared>>)
    %dma_wait3A_79 = arith.constant 39 : i32
    %dma_wait3A_80 = arith.constant 0 : i32
    %dma_wait3A_81 = tpu.memref_slice %arg7[%dma_wait3A_79, %dma_wait3A_80] : memref<40x128xi32, #tpu.memory_space<vmem>> -> memref<1x128xi32, #tpu.memory_space<vmem>>
    %dma_wait3A_82 = tpu.memref_squeeze %dma_wait3A_81 : memref<1x128xi32, #tpu.memory_space<vmem>> -> memref<128xi32, #tpu.memory_space<vmem>>
    %dma_wait3A_83 = arith.constant 0 : i32
    %dma_wait3A_84 = arith.constant 0 : i32
    %dma_wait3A_85 = tpu.memref_slice %arg10[%dma_wait3A_83, %dma_wait3A_84] : memref<10240x128xf32, #tpu.memory_space<vmem_shared>> -> memref<10240x128xf32, #tpu.memory_space<vmem_shared>>
    tpu.wait_indirect_dma semaphore(%arg14 : memref<!tpu.dma_semaphore, #tpu.memory_space<semaphore_mem>>) src(%arg9 : memref<128x128xf32, #tpu.memory_space<vmem>>) dst(%dma_wait3A_85 : memref<10240x128xf32, #tpu.memory_space<vmem_shared>>)
    %barrier3A_86 = arith.constant 0 : index
    tpu.barrier barrier_id(%barrier3A_86)
    %mul3A_87 = arith.constant 640 : i32
    %mul3A_88 = arith.muli %arg1, %mul3A_87 : i32
    %mul3A_89 = arith.constant 640 : i32
    %mul3A_90 = arith.muli %arg1, %mul3A_89 : i32
    "tpu.region"() ({
      %run_scoped3A = tpu.sem_alloc : memref<!tpu.dma_semaphore, #tpu.memory_space<semaphore_mem>>
      %dma_start3A_91 = arith.constant 0 : i32
      %dma_start3A_92 = tpu.memref_slice %arg5[%arg0, %mul3A_90, %dma_start3A_91] : memref<2x10240x128xf32, #tpu.memory_space<hbm>> -> memref<1x640x128xf32, #tpu.memory_space<hbm>>
      %dma_start3A_93 = tpu.memref_squeeze %dma_start3A_92 : memref<1x640x128xf32, #tpu.memory_space<hbm>> -> memref<640x128xf32, #tpu.memory_space<hbm>>
      %dma_start3A_94 = arith.constant 0 : i32
      %dma_start3A_95 = tpu.memref_slice %arg10[%mul3A_88, %dma_start3A_94] : memref<10240x128xf32, #tpu.memory_space<vmem_shared>> -> memref<640x128xf32, #tpu.memory_space<vmem_shared>>
      tpu.enqueue_dma source(%dma_start3A_95 : memref<640x128xf32, #tpu.memory_space<vmem_shared>>) target(%dma_start3A_93 : memref<640x128xf32, #tpu.memory_space<hbm>>) target_semaphore(%run_scoped3A : memref<!tpu.dma_semaphore, #tpu.memory_space<semaphore_mem>>)
      %dma_wait3A_96 = arith.constant 0 : i32
      %dma_wait3A_97 = tpu.memref_slice %arg5[%arg0, %mul3A_90, %dma_wait3A_96] : memref<2x10240x128xf32, #tpu.memory_space<hbm>> -> memref<1x640x128xf32, #tpu.memory_space<hbm>>
      %dma_wait3A_98 = tpu.memref_squeeze %dma_wait3A_97 : memref<1x640x128xf32, #tpu.memory_space<hbm>> -> memref<640x128xf32, #tpu.memory_space<hbm>>
      %dma_wait3A_99 = arith.constant 0 : i32
      %dma_wait3A_100 = tpu.memref_slice %arg10[%mul3A_88, %dma_wait3A_99] : memref<10240x128xf32, #tpu.memory_space<vmem_shared>> -> memref<640x128xf32, #tpu.memory_space<vmem_shared>>
      tpu.wait_dma2 semaphore(%run_scoped3A : memref<!tpu.dma_semaphore, #tpu.memory_space<semaphore_mem>>) src(%dma_wait3A_100 : memref<640x128xf32, #tpu.memory_space<vmem_shared>>) dst(%dma_wait3A_98 : memref<640x128xf32, #tpu.memory_space<hbm>>)
      tpu.yield
    }) : () -> ()
    return
  }
}

module attributes {stable_mosaic.version = 14 : i64} {
  func.func @body(%arg0: i32, %arg1: memref<1024x128xf32, #tpu.memory_space<vmem>>, %arg2: memref<1x1024x128xf32, #tpu.memory_space<vmem>>, %arg3: memref<1x1024x128xf32, #tpu.memory_space<vmem>>, %arg4: memref<128x128xf32, #tpu.memory_space<vmem>>, %arg5: memref<1x128xf32, #tpu.memory_space<vmem>>, %arg6: memref<128x128xf32, #tpu.memory_space<vmem>>, %arg7: memref<1024x128xf32, #tpu.memory_space<vmem>>) attributes {dimension_semantics = [#tpu.dimension_semantics<arbitrary>], iteration_bounds = array<i64: 10>, scalar_prefetch = 0 : i64, scratch_operands = 0 : i64, tpu.core_type = #tpu.core_type<tc>, window_params = [{transform_indices = @transform_0, window_bounds = array<i64: 1024, 128>}, {transform_indices = @transform_1, window_bounds = array<i64: 1, 1024, 128>}, {transform_indices = @transform_2, window_bounds = array<i64: 1, 1024, 128>}, {pipeline_mode = #tpu.pipeline_mode<synchronous>, transform_indices = @transform_3, window_bounds = array<i64: 128, 128>}, {pipeline_mode = #tpu.pipeline_mode<synchronous>, transform_indices = @transform_4, window_bounds = array<i64: 1, 128>}, {pipeline_mode = #tpu.pipeline_mode<synchronous>, transform_indices = @transform_5, window_bounds = array<i64: 128, 128>}, {transform_indices = @transform_6, window_bounds = array<i64: 1024, 128>}]} {
    %get3A = arith.constant 0 : index
    %get3A_0 = arith.constant 0 : index
    %get3A_1 = arith.constant 0 : index
    %get3A_2 = vector.load %arg2[%get3A, %get3A_0, %get3A_1] : memref<1x1024x128xf32, #tpu.memory_space<vmem>>, vector<1x1024x128xf32>
    %get3A_3 = vector.shape_cast %get3A_2 : vector<1x1024x128xf32> to vector<1024x128xf32>
    %get3A_4 = arith.constant 0 : index
    %get3A_5 = arith.constant 0 : index
    %get3A_6 = arith.constant 0 : index
    %get3A_7 = vector.load %arg3[%get3A_4, %get3A_5, %get3A_6] : memref<1x1024x128xf32, #tpu.memory_space<vmem>>, vector<1x1024x128xf32>
    %get3A_8 = vector.shape_cast %get3A_7 : vector<1x1024x128xf32> to vector<1024x128xf32>
    %add3A = arith.addf %get3A_3, %get3A_8 : vector<1024x128xf32>
    %get3A_9 = arith.constant 0 : index
    %get3A_10 = arith.constant 0 : index
    %get3A_11 = vector.load %arg4[%get3A_9, %get3A_10] : memref<128x128xf32, #tpu.memory_space<vmem>>, vector<128x128xf32>
    %dot_general3A = arith.constant dense<0.000000e+00> : vector<1024x128xf32>
    %dot_general3A_12 = tpu.matmul %add3A, %get3A_11, %dot_general3A {dimension_numbers = #tpu.dot_dimension_numbers<[1], [0], [0], [1], [0, 0, 1, 1], [], []>, transpose_lhs_hint = false} : vector<1024x128xf32>, vector<128x128xf32>, vector<1024x128xf32> -> vector<1024x128xf32>
    %get3A_13 = arith.constant 0 : index
    %get3A_14 = arith.constant 0 : index
    %get3A_15 = vector.load %arg5[%get3A_13, %get3A_14] : memref<1x128xf32, #tpu.memory_space<vmem>>, vector<1x128xf32>
    %add3A_16 = vector.broadcast %get3A_15 : vector<1x128xf32> to vector<1024x128xf32>
    %add3A_17 = arith.addf %dot_general3A_12, %add3A_16 : vector<1024x128xf32>
    %get3A_18 = arith.constant 0 : index
    %get3A_19 = arith.constant 0 : index
    %get3A_20 = vector.load %arg1[%get3A_18, %get3A_19] : memref<1024x128xf32, #tpu.memory_space<vmem>>, vector<1024x128xf32>
    %get3A_21 = arith.constant 0 : index
    %get3A_22 = arith.constant 0 : index
    %get3A_23 = vector.load %arg6[%get3A_21, %get3A_22] : memref<128x128xf32, #tpu.memory_space<vmem>>, vector<128x128xf32>
    %dot_general3A_24 = arith.constant dense<0.000000e+00> : vector<1024x128xf32>
    %dot_general3A_25 = tpu.matmul %get3A_20, %get3A_23, %dot_general3A_24 {dimension_numbers = #tpu.dot_dimension_numbers<[1], [0], [0], [1], [0, 0, 1, 1], [], []>, transpose_lhs_hint = false} : vector<1024x128xf32>, vector<128x128xf32>, vector<1024x128xf32> -> vector<1024x128xf32>
    %add3A_26 = arith.addf %add3A_17, %dot_general3A_25 : vector<1024x128xf32>
    %max3A = arith.constant 0.000000e+00 : f32
    %max3A_27 = vector.broadcast %max3A : f32 to vector<1024x128xf32>
    %max3A_28 = arith.maximumf %add3A_26, %max3A_27 : vector<1024x128xf32>
    %mul3A = arith.constant 1024 : i32
    %mul3A_29 = arith.muli %arg0, %mul3A : i32
    %iota3A = tpu.iota {dimensions = array<i32: 0>} : vector<1024x1xi32>
    %add3A_30 = vector.broadcast %mul3A_29 : i32 to vector<1024x1xi32>
    %add3A_31 = arith.addi %add3A_30, %iota3A : vector<1024x1xi32>
    %lt3A = arith.constant 10000 : i32
    %lt3A_32 = vector.broadcast %lt3A : i32 to vector<1024x1xi32>
    %lt3A_33 = arith.cmpi slt, %add3A_31, %lt3A_32 : vector<1024x1xi32>
    %jit3A = arith.constant 0.000000e+00 : f32
    %broadcast_in_dim3A = vector.shape_cast %lt3A_33 : vector<1024x1xi1> to vector<1024x1xi1>
    %broadcast_in_dim3A_34 = vector.broadcast %broadcast_in_dim3A : vector<1024x1xi1> to vector<1024x128xi1>
    %broadcast_in_dim3A_35 = vector.broadcast %jit3A : f32 to vector<1024x128xf32>
    %select_n3A = arith.select %broadcast_in_dim3A_34, %max3A_28, %broadcast_in_dim3A_35 : vector<1024x128xi1>, vector<1024x128xf32>
    %swap3A = arith.constant 0 : index
    %swap3A_36 = arith.constant 0 : index
    %swap3A_37 = vector.load %arg7[%swap3A, %swap3A_36] : memref<1024x128xf32, #tpu.memory_space<vmem>>, vector<1024x128xf32>
    tpu.vector_store %arg7[%swap3A, %swap3A_36], %select_n3A {strides = array<i32>} : memref<1024x128xf32, #tpu.memory_space<vmem>>, vector<1024x128xf32>,
    return
  }
  func.func @transform_0(%arg0: i32) -> (i32, i32) {
    %c0_i32 = arith.constant 0 : i32
    %c0_i32_0 = arith.constant 0 : i32
    return %arg0, %c0_i32 : i32, i32
  }
  func.func @transform_1(%arg0: i32) -> (i32, i32, i32) {
    %c0_i32 = arith.constant 0 : i32
    %c0_i32_0 = arith.constant 0 : i32
    %c0_i32_1 = arith.constant 0 : i32
    return %c0_i32, %arg0, %c0_i32_0 : i32, i32, i32
  }
  func.func @transform_2(%arg0: i32) -> (i32, i32, i32) {
    %c1_i32 = arith.constant 1 : i32
    %c0_i32 = arith.constant 0 : i32
    %c0_i32_0 = arith.constant 0 : i32
    return %c1_i32, %arg0, %c0_i32 : i32, i32, i32
  }
  func.func @transform_3(%arg0: i32) -> (i32, i32) {
    %c0_i32 = arith.constant 0 : i32
    %c0_i32_0 = arith.constant 0 : i32
    %c0_i32_1 = arith.constant 0 : i32
    return %c0_i32, %c0_i32_0 : i32, i32
  }
  func.func @transform_4(%arg0: i32) -> (i32, i32) {
    %c0_i32 = arith.constant 0 : i32
    %c0_i32_0 = arith.constant 0 : i32
    %c0_i32_1 = arith.constant 0 : i32
    return %c0_i32, %c0_i32_0 : i32, i32
  }
  func.func @transform_5(%arg0: i32) -> (i32, i32) {
    %c0_i32 = arith.constant 0 : i32
    %c0_i32_0 = arith.constant 0 : i32
    %c0_i32_1 = arith.constant 0 : i32
    return %c0_i32, %c0_i32_0 : i32, i32
  }
  func.func @transform_6(%arg0: i32) -> (i32, i32) {
    %c0_i32 = arith.constant 0 : i32
    %c0_i32_0 = arith.constant 0 : i32
    return %arg0, %c0_i32 : i32, i32
  }
}

module attributes {stable_mosaic.version = 14 : i64} {
  func.func @body(%arg0: i32, %arg1: memref<1024x128xf32, #tpu.memory_space<vmem>>, %arg2: memref<1x1024x128xf32, #tpu.memory_space<vmem>>, %arg3: memref<1x1024x128xf32, #tpu.memory_space<vmem>>, %arg4: memref<128x128xf32, #tpu.memory_space<vmem>>, %arg5: memref<1x128xf32, #tpu.memory_space<vmem>>, %arg6: memref<128x128xf32, #tpu.memory_space<vmem>>, %arg7: memref<1024x128xf32, #tpu.memory_space<vmem>>) attributes {dimension_semantics = [#tpu.dimension_semantics<arbitrary>], iteration_bounds = array<i64: 10>, scalar_prefetch = 0 : i64, scratch_operands = 0 : i64, tpu.core_type = #tpu.core_type<tc>, window_params = [{transform_indices = @transform_0, window_bounds = array<i64: 1024, 128>}, {transform_indices = @transform_1, window_bounds = array<i64: 1, 1024, 128>}, {transform_indices = @transform_2, window_bounds = array<i64: 1, 1024, 128>}, {pipeline_mode = #tpu.pipeline_mode<synchronous>, transform_indices = @transform_3, window_bounds = array<i64: 128, 128>}, {pipeline_mode = #tpu.pipeline_mode<synchronous>, transform_indices = @transform_4, window_bounds = array<i64: 1, 128>}, {pipeline_mode = #tpu.pipeline_mode<synchronous>, transform_indices = @transform_5, window_bounds = array<i64: 128, 128>}, {transform_indices = @transform_6, window_bounds = array<i64: 1024, 128>}]} {
    %get3A = arith.constant 0 : index
    %get3A_0 = arith.constant 0 : index
    %get3A_1 = arith.constant 0 : index
    %get3A_2 = vector.load %arg2[%get3A, %get3A_0, %get3A_1] : memref<1x1024x128xf32, #tpu.memory_space<vmem>>, vector<1x1024x128xf32>
    %get3A_3 = vector.shape_cast %get3A_2 : vector<1x1024x128xf32> to vector<1024x128xf32>
    %get3A_4 = arith.constant 0 : index
    %get3A_5 = arith.constant 0 : index
    %get3A_6 = arith.constant 0 : index
    %get3A_7 = vector.load %arg3[%get3A_4, %get3A_5, %get3A_6] : memref<1x1024x128xf32, #tpu.memory_space<vmem>>, vector<1x1024x128xf32>
    %get3A_8 = vector.shape_cast %get3A_7 : vector<1x1024x128xf32> to vector<1024x128xf32>
    %add3A = arith.addf %get3A_3, %get3A_8 : vector<1024x128xf32>
    %get3A_9 = arith.constant 0 : index
    %get3A_10 = arith.constant 0 : index
    %get3A_11 = vector.load %arg4[%get3A_9, %get3A_10] : memref<128x128xf32, #tpu.memory_space<vmem>>, vector<128x128xf32>
    %dot_general3A = arith.constant dense<0.000000e+00> : vector<1024x128xf32>
    %dot_general3A_12 = tpu.matmul %add3A, %get3A_11, %dot_general3A {dimension_numbers = #tpu.dot_dimension_numbers<[1], [0], [0], [1], [0, 0, 1, 1], [], []>, transpose_lhs_hint = false} : vector<1024x128xf32>, vector<128x128xf32>, vector<1024x128xf32> -> vector<1024x128xf32>
    %get3A_13 = arith.constant 0 : index
    %get3A_14 = arith.constant 0 : index
    %get3A_15 = vector.load %arg5[%get3A_13, %get3A_14] : memref<1x128xf32, #tpu.memory_space<vmem>>, vector<1x128xf32>
    %add3A_16 = vector.broadcast %get3A_15 : vector<1x128xf32> to vector<1024x128xf32>
    %add3A_17 = arith.addf %dot_general3A_12, %add3A_16 : vector<1024x128xf32>
    %get3A_18 = arith.constant 0 : index
    %get3A_19 = arith.constant 0 : index
    %get3A_20 = vector.load %arg1[%get3A_18, %get3A_19] : memref<1024x128xf32, #tpu.memory_space<vmem>>, vector<1024x128xf32>
    %get3A_21 = arith.constant 0 : index
    %get3A_22 = arith.constant 0 : index
    %get3A_23 = vector.load %arg6[%get3A_21, %get3A_22] : memref<128x128xf32, #tpu.memory_space<vmem>>, vector<128x128xf32>
    %dot_general3A_24 = arith.constant dense<0.000000e+00> : vector<1024x128xf32>
    %dot_general3A_25 = tpu.matmul %get3A_20, %get3A_23, %dot_general3A_24 {dimension_numbers = #tpu.dot_dimension_numbers<[1], [0], [0], [1], [0, 0, 1, 1], [], []>, transpose_lhs_hint = false} : vector<1024x128xf32>, vector<128x128xf32>, vector<1024x128xf32> -> vector<1024x128xf32>
    %add3A_26 = arith.addf %add3A_17, %dot_general3A_25 : vector<1024x128xf32>
    %max3A = arith.constant 0.000000e+00 : f32
    %max3A_27 = vector.broadcast %max3A : f32 to vector<1024x128xf32>
    %max3A_28 = arith.maximumf %add3A_26, %max3A_27 : vector<1024x128xf32>
    %get3A_29 = arith.constant 0 : index
    %get3A_30 = arith.constant 0 : index
    %get3A_31 = vector.load %arg1[%get3A_29, %get3A_30] : memref<1024x128xf32, #tpu.memory_space<vmem>>, vector<1024x128xf32>
    %add3A_32 = arith.addf %max3A_28, %get3A_31 : vector<1024x128xf32>
    %mul3A = arith.constant 1024 : i32
    %mul3A_33 = arith.muli %arg0, %mul3A : i32
    %iota3A = tpu.iota {dimensions = array<i32: 0>} : vector<1024x1xi32>
    %add3A_34 = vector.broadcast %mul3A_33 : i32 to vector<1024x1xi32>
    %add3A_35 = arith.addi %add3A_34, %iota3A : vector<1024x1xi32>
    %lt3A = arith.constant 10000 : i32
    %lt3A_36 = vector.broadcast %lt3A : i32 to vector<1024x1xi32>
    %lt3A_37 = arith.cmpi slt, %add3A_35, %lt3A_36 : vector<1024x1xi32>
    %jit3A = arith.constant 0.000000e+00 : f32
    %broadcast_in_dim3A = vector.shape_cast %lt3A_37 : vector<1024x1xi1> to vector<1024x1xi1>
    %broadcast_in_dim3A_38 = vector.broadcast %broadcast_in_dim3A : vector<1024x1xi1> to vector<1024x128xi1>
    %broadcast_in_dim3A_39 = vector.broadcast %jit3A : f32 to vector<1024x128xf32>
    %select_n3A = arith.select %broadcast_in_dim3A_38, %add3A_32, %broadcast_in_dim3A_39 : vector<1024x128xi1>, vector<1024x128xf32>
    %swap3A = arith.constant 0 : index
    %swap3A_40 = arith.constant 0 : index
    %swap3A_41 = vector.load %arg7[%swap3A, %swap3A_40] : memref<1024x128xf32, #tpu.memory_space<vmem>>, vector<1024x128xf32>
    tpu.vector_store %arg7[%swap3A, %swap3A_40], %select_n3A {strides = array<i32>} : memref<1024x128xf32, #tpu.memory_space<vmem>>, vector<1024x128xf32>,
    return
  }
  func.func @transform_0(%arg0: i32) -> (i32, i32) {
    %c0_i32 = arith.constant 0 : i32
    %c0_i32_0 = arith.constant 0 : i32
    return %arg0, %c0_i32 : i32, i32
  }
  func.func @transform_1(%arg0: i32) -> (i32, i32, i32) {
    %c0_i32 = arith.constant 0 : i32
    %c0_i32_0 = arith.constant 0 : i32
    %c0_i32_1 = arith.constant 0 : i32
    return %c0_i32, %arg0, %c0_i32_0 : i32, i32, i32
  }
  func.func @transform_2(%arg0: i32) -> (i32, i32, i32) {
    %c1_i32 = arith.constant 1 : i32
    %c0_i32 = arith.constant 0 : i32
    %c0_i32_0 = arith.constant 0 : i32
    return %c1_i32, %arg0, %c0_i32 : i32, i32, i32
  }
  func.func @transform_3(%arg0: i32) -> (i32, i32) {
    %c0_i32 = arith.constant 0 : i32
    %c0_i32_0 = arith.constant 0 : i32
    %c0_i32_1 = arith.constant 0 : i32
    return %c0_i32, %c0_i32_0 : i32, i32
  }
  func.func @transform_4(%arg0: i32) -> (i32, i32) {
    %c0_i32 = arith.constant 0 : i32
    %c0_i32_0 = arith.constant 0 : i32
    %c0_i32_1 = arith.constant 0 : i32
    return %c0_i32, %c0_i32_0 : i32, i32
  }
  func.func @transform_5(%arg0: i32) -> (i32, i32) {
    %c0_i32 = arith.constant 0 : i32
    %c0_i32_0 = arith.constant 0 : i32
    %c0_i32_1 = arith.constant 0 : i32
    return %c0_i32, %c0_i32_0 : i32, i32
  }
  func.func @transform_6(%arg0: i32) -> (i32, i32) {
    %c0_i32 = arith.constant 0 : i32
    %c0_i32_0 = arith.constant 0 : i32
    return %arg0, %c0_i32 : i32, i32
  }
}

module attributes {stable_mosaic.version = 14 : i64} {
  func.func @_layer_body(%arg0: i32, %arg1: memref<1024x128xf32, #tpu.memory_space<vmem>>, %arg2: memref<1x1024x128xf32, #tpu.memory_space<vmem>>, %arg3: memref<1x1024x128xf32, #tpu.memory_space<vmem>>, %arg4: memref<128x128xf32, #tpu.memory_space<vmem>>, %arg5: memref<1x128xf32, #tpu.memory_space<vmem>>, %arg6: memref<128x128xf32, #tpu.memory_space<vmem>>, %arg7: memref<1024x128xf32, #tpu.memory_space<vmem>>, %arg8: memref<1x128xf32, #tpu.memory_space<vmem>>) attributes {dimension_semantics = [#tpu.dimension_semantics<arbitrary>], iteration_bounds = array<i64: 10>, scalar_prefetch = 0 : i64, scratch_operands = 0 : i64, tpu.core_type = #tpu.core_type<tc>, window_params = [{transform_indices = @transform_0, window_bounds = array<i64: 1024, 128>}, {transform_indices = @transform_1, window_bounds = array<i64: 1, 1024, 128>}, {transform_indices = @transform_2, window_bounds = array<i64: 1, 1024, 128>}, {pipeline_mode = #tpu.pipeline_mode<synchronous>, transform_indices = @transform_3, window_bounds = array<i64: 128, 128>}, {pipeline_mode = #tpu.pipeline_mode<synchronous>, transform_indices = @transform_4, window_bounds = array<i64: 1, 128>}, {pipeline_mode = #tpu.pipeline_mode<synchronous>, transform_indices = @transform_5, window_bounds = array<i64: 128, 128>}, {transform_indices = @transform_6, window_bounds = array<i64: 1024, 128>}, {pipeline_mode = #tpu.pipeline_mode<synchronous>, transform_indices = @transform_7, window_bounds = array<i64: 1, 128>}]} {
    %get3A = arith.constant 0 : index
    %get3A_0 = arith.constant 0 : index
    %get3A_1 = arith.constant 0 : index
    %get3A_2 = vector.load %arg2[%get3A, %get3A_0, %get3A_1] : memref<1x1024x128xf32, #tpu.memory_space<vmem>>, vector<1x1024x128xf32>
    %get3A_3 = vector.shape_cast %get3A_2 : vector<1x1024x128xf32> to vector<1024x128xf32>
    %get3A_4 = arith.constant 0 : index
    %get3A_5 = arith.constant 0 : index
    %get3A_6 = arith.constant 0 : index
    %get3A_7 = vector.load %arg3[%get3A_4, %get3A_5, %get3A_6] : memref<1x1024x128xf32, #tpu.memory_space<vmem>>, vector<1x1024x128xf32>
    %get3A_8 = vector.shape_cast %get3A_7 : vector<1x1024x128xf32> to vector<1024x128xf32>
    %add3A = arith.addf %get3A_3, %get3A_8 : vector<1024x128xf32>
    %get3A_9 = arith.constant 0 : index
    %get3A_10 = arith.constant 0 : index
    %get3A_11 = vector.load %arg4[%get3A_9, %get3A_10] : memref<128x128xf32, #tpu.memory_space<vmem>>, vector<128x128xf32>
    %dot_general3A = arith.constant dense<0.000000e+00> : vector<1024x128xf32>
    %dot_general3A_12 = tpu.matmul %add3A, %get3A_11, %dot_general3A {dimension_numbers = #tpu.dot_dimension_numbers<[1], [0], [0], [1], [0, 0, 1, 1], [], []>, transpose_lhs_hint = false} : vector<1024x128xf32>, vector<128x128xf32>, vector<1024x128xf32> -> vector<1024x128xf32>
    %get3A_13 = arith.constant 0 : index
    %get3A_14 = arith.constant 0 : index
    %get3A_15 = vector.load %arg5[%get3A_13, %get3A_14] : memref<1x128xf32, #tpu.memory_space<vmem>>, vector<1x128xf32>
    %add3A_16 = vector.broadcast %get3A_15 : vector<1x128xf32> to vector<1024x128xf32>
    %add3A_17 = arith.addf %dot_general3A_12, %add3A_16 : vector<1024x128xf32>
    %get3A_18 = arith.constant 0 : index
    %get3A_19 = arith.constant 0 : index
    %get3A_20 = vector.load %arg1[%get3A_18, %get3A_19] : memref<1024x128xf32, #tpu.memory_space<vmem>>, vector<1024x128xf32>
    %get3A_21 = arith.constant 0 : index
    %get3A_22 = arith.constant 0 : index
    %get3A_23 = vector.load %arg6[%get3A_21, %get3A_22] : memref<128x128xf32, #tpu.memory_space<vmem>>, vector<128x128xf32>
    %dot_general3A_24 = arith.constant dense<0.000000e+00> : vector<1024x128xf32>
    %dot_general3A_25 = tpu.matmul %get3A_20, %get3A_23, %dot_general3A_24 {dimension_numbers = #tpu.dot_dimension_numbers<[1], [0], [0], [1], [0, 0, 1, 1], [], []>, transpose_lhs_hint = false} : vector<1024x128xf32>, vector<128x128xf32>, vector<1024x128xf32> -> vector<1024x128xf32>
    %add3A_26 = arith.addf %add3A_17, %dot_general3A_25 : vector<1024x128xf32>
    %mul3A = arith.constant 1024 : i32
    %mul3A_27 = arith.muli %arg0, %mul3A : i32
    %iota3A = tpu.iota {dimensions = array<i32: 0>} : vector<1024x1xi32>
    %add3A_28 = vector.broadcast %mul3A_27 : i32 to vector<1024x1xi32>
    %add3A_29 = arith.addi %add3A_28, %iota3A : vector<1024x1xi32>
    %lt3A = arith.constant 10000 : i32
    %lt3A_30 = vector.broadcast %lt3A : i32 to vector<1024x1xi32>
    %lt3A_31 = arith.cmpi slt, %add3A_29, %lt3A_30 : vector<1024x1xi32>
    %jit3A = arith.constant 0.000000e+00 : f32
    %broadcast_in_dim3A = vector.shape_cast %lt3A_31 : vector<1024x1xi1> to vector<1024x1xi1>
    %broadcast_in_dim3A_32 = vector.broadcast %broadcast_in_dim3A : vector<1024x1xi1> to vector<1024x128xi1>
    %broadcast_in_dim3A_33 = vector.broadcast %jit3A : f32 to vector<1024x128xf32>
    %select_n3A = arith.select %broadcast_in_dim3A_32, %add3A_26, %broadcast_in_dim3A_33 : vector<1024x128xi1>, vector<1024x128xf32>
    %swap3A = arith.constant 0 : index
    %swap3A_34 = arith.constant 0 : index
    %swap3A_35 = vector.load %arg7[%swap3A, %swap3A_34] : memref<1024x128xf32, #tpu.memory_space<vmem>>, vector<1024x128xf32>
    tpu.vector_store %arg7[%swap3A, %swap3A_34], %select_n3A {strides = array<i32>} : memref<1024x128xf32, #tpu.memory_space<vmem>>, vector<1024x128xf32>,
    %eq3A = arith.constant 0 : i32
    %eq3A_36 = arith.cmpi eq, %arg0, %eq3A : i32
    %convert_element_type3A = arith.extui %eq3A_36 : i1 to i32
    %cond3A = arith.constant 0 : i32
    %cond3A_37 = arith.cmpi ne, %convert_element_type3A, %cond3A : i32
    scf.if %cond3A_37 {
      %broadcast_in_dim3A_47 = arith.constant 0.000000e+00 : f32
      %broadcast_in_dim3A_48 = vector.broadcast %broadcast_in_dim3A_47 : f32 to vector<1x128xf32>
      %swap3A_49 = arith.constant 0 : index
      %swap3A_50 = arith.constant 0 : index
      %swap3A_51 = vector.load %arg8[%swap3A_49, %swap3A_50] : memref<1x128xf32, #tpu.memory_space<vmem>>, vector<1x128xf32>
      tpu.vector_store %arg8[%swap3A_49, %swap3A_50], %broadcast_in_dim3A_48 {strides = array<i32>} : memref<1x128xf32, #tpu.memory_space<vmem>>, vector<1x128xf32>,
    } else {
    }
    %get3A_38 = arith.constant 0 : index
    %get3A_39 = arith.constant 0 : index
    %get3A_40 = vector.load %arg8[%get3A_38, %get3A_39] : memref<1x128xf32, #tpu.memory_space<vmem>>, vector<1x128xf32>
    %reduce_sum3A = arith.constant dense<0.000000e+00> : vector<128xf32>
    %reduce_sum3A_41 = vector.multi_reduction <add>, %select_n3A, %reduce_sum3A [0] : vector<1024x128xf32> to vector<128xf32>
    %broadcast_in_dim3A_42 = vector.shape_cast %reduce_sum3A_41 : vector<128xf32> to vector<1x128xf32>
    %add3A_43 = arith.addf %get3A_40, %broadcast_in_dim3A_42 : vector<1x128xf32>
    %swap3A_44 = arith.constant 0 : index
    %swap3A_45 = arith.constant 0 : index
    %swap3A_46 = vector.load %arg8[%swap3A_44, %swap3A_45] : memref<1x128xf32, #tpu.memory_space<vmem>>, vector<1x128xf32>
    tpu.vector_store %arg8[%swap3A_44, %swap3A_45], %add3A_43 {strides = array<i32>} : memref<1x128xf32, #tpu.memory_space<vmem>>, vector<1x128xf32>,
    return
  }
  func.func @transform_0(%arg0: i32) -> (i32, i32) {
    %c0_i32 = arith.constant 0 : i32
    %c0_i32_0 = arith.constant 0 : i32
    return %arg0, %c0_i32 : i32, i32
  }
  func.func @transform_1(%arg0: i32) -> (i32, i32, i32) {
    %c0_i32 = arith.constant 0 : i32
    %c0_i32_0 = arith.constant 0 : i32
    %c0_i32_1 = arith.constant 0 : i32
    return %c0_i32, %arg0, %c0_i32_0 : i32, i32, i32
  }
  func.func @transform_2(%arg0: i32) -> (i32, i32, i32) {
    %c1_i32 = arith.constant 1 : i32
    %c0_i32 = arith.constant 0 : i32
    %c0_i32_0 = arith.constant 0 : i32
    return %c1_i32, %arg0, %c0_i32 : i32, i32, i32
  }
  func.func @transform_3(%arg0: i32) -> (i32, i32) {
    %c0_i32 = arith.constant 0 : i32
    %c0_i32_0 = arith.constant 0 : i32
    %c0_i32_1 = arith.constant 0 : i32
    return %c0_i32, %c0_i32_0 : i32, i32
  }
  func.func @transform_4(%arg0: i32) -> (i32, i32) {
    %c0_i32 = arith.constant 0 : i32
    %c0_i32_0 = arith.constant 0 : i32
    %c0_i32_1 = arith.constant 0 : i32
    return %c0_i32, %c0_i32_0 : i32, i32
  }
  func.func @transform_5(%arg0: i32) -> (i32, i32) {
    %c0_i32 = arith.constant 0 : i32
    %c0_i32_0 = arith.constant 0 : i32
    %c0_i32_1 = arith.constant 0 : i32
    return %c0_i32, %c0_i32_0 : i32, i32
  }
  func.func @transform_6(%arg0: i32) -> (i32, i32) {
    %c0_i32 = arith.constant 0 : i32
    %c0_i32_0 = arith.constant 0 : i32
    return %arg0, %c0_i32 : i32, i32
  }
  func.func @transform_7(%arg0: i32) -> (i32, i32) {
    %c0_i32 = arith.constant 0 : i32
    %c0_i32_0 = arith.constant 0 : i32
    %c0_i32_1 = arith.constant 0 : i32
    return %c0_i32, %c0_i32_0 : i32, i32
  }
}

module attributes {stable_mosaic.version = 14 : i64} {
  func.func @_proj_body(%arg0: i32, %arg1: memref<1024x128xf32, #tpu.memory_space<vmem>>, %arg2: memref<1x64xf32, #tpu.memory_space<vmem>>, %arg3: memref<1x128xf32, #tpu.memory_space<vmem>>, %arg4: memref<128x64xf32, #tpu.memory_space<vmem>>, %arg5: memref<1x64xf32, #tpu.memory_space<vmem>>, %arg6: memref<128x64xf32, #tpu.memory_space<vmem>>, %arg7: memref<1x64xf32, #tpu.memory_space<vmem>>, %arg8: memref<128x64xf32, #tpu.memory_space<vmem>>, %arg9: memref<1x64xf32, #tpu.memory_space<vmem>>, %arg10: memref<192x64xf32, #tpu.memory_space<vmem>>, %arg11: memref<1x64xf32, #tpu.memory_space<vmem>>, %arg12: memref<192x64xf32, #tpu.memory_space<vmem>>, %arg13: memref<1x64xf32, #tpu.memory_space<vmem>>, %arg14: memref<192x64xf32, #tpu.memory_space<vmem>>, %arg15: memref<1x64xf32, #tpu.memory_space<vmem>>, %arg16: memref<1024x64xf32, #tpu.memory_space<vmem>>, %arg17: memref<1024x64xf32, #tpu.memory_space<vmem>>, %arg18: memref<1024x64xf32, #tpu.memory_space<vmem>>) attributes {dimension_semantics = [#tpu.dimension_semantics<arbitrary>], iteration_bounds = array<i64: 10>, scalar_prefetch = 0 : i64, scratch_operands = 0 : i64, tpu.core_type = #tpu.core_type<tc>, window_params = [{transform_indices = @transform_0, window_bounds = array<i64: 1024, 128>}, {pipeline_mode = #tpu.pipeline_mode<synchronous>, transform_indices = @transform_1, window_bounds = array<i64: 1, 64>}, {pipeline_mode = #tpu.pipeline_mode<synchronous>, transform_indices = @transform_2, window_bounds = array<i64: 1, 128>}, {pipeline_mode = #tpu.pipeline_mode<synchronous>, transform_indices = @transform_3, window_bounds = array<i64: 128, 64>}, {pipeline_mode = #tpu.pipeline_mode<synchronous>, transform_indices = @transform_4, window_bounds = array<i64: 1, 64>}, {pipeline_mode = #tpu.pipeline_mode<synchronous>, transform_indices = @transform_5, window_bounds = array<i64: 128, 64>}, {pipeline_mode = #tpu.pipeline_mode<synchronous>, transform_indices = @transform_6, window_bounds = array<i64: 1, 64>}, {pipeline_mode = #tpu.pipeline_mode<synchronous>, transform_indices = @transform_7, window_bounds = array<i64: 128, 64>}, {pipeline_mode = #tpu.pipeline_mode<synchronous>, transform_indices = @transform_8, window_bounds = array<i64: 1, 64>}, {pipeline_mode = #tpu.pipeline_mode<synchronous>, transform_indices = @transform_9, window_bounds = array<i64: 192, 64>}, {pipeline_mode = #tpu.pipeline_mode<synchronous>, transform_indices = @transform_10, window_bounds = array<i64: 1, 64>}, {pipeline_mode = #tpu.pipeline_mode<synchronous>, transform_indices = @transform_11, window_bounds = array<i64: 192, 64>}, {pipeline_mode = #tpu.pipeline_mode<synchronous>, transform_indices = @transform_12, window_bounds = array<i64: 1, 64>}, {pipeline_mode = #tpu.pipeline_mode<synchronous>, transform_indices = @transform_13, window_bounds = array<i64: 192, 64>}, {pipeline_mode = #tpu.pipeline_mode<synchronous>, transform_indices = @transform_14, window_bounds = array<i64: 1, 64>}, {transform_indices = @transform_15, window_bounds = array<i64: 1024, 64>}, {transform_indices = @transform_16, window_bounds = array<i64: 1024, 64>}, {transform_indices = @transform_17, window_bounds = array<i64: 1024, 64>}]} {
    %get3A = arith.constant 0 : index
    %get3A_0 = arith.constant 0 : index
    %get3A_1 = vector.load %arg2[%get3A, %get3A_0] : memref<1x64xf32, #tpu.memory_space<vmem>>, vector<1x64xf32>
    %get3A_2 = arith.constant 0 : index
    %get3A_3 = arith.constant 0 : index
    %get3A_4 = vector.load %arg3[%get3A_2, %get3A_3] : memref<1x128xf32, #tpu.memory_space<vmem>>, vector<1x128xf32>
    %mul3A = arith.constant 9.99999974E-5 : f32
    %mul3A_5 = vector.broadcast %mul3A : f32 to vector<1x128xf32>
    %mul3A_6 = arith.mulf %get3A_4, %mul3A_5 : vector<1x128xf32>
    %concatenate3A = tpu.concatenate %get3A_1, %mul3A_6 in 1 : vector<1x64xf32>, vector<1x128xf32> -> vector<1x192xf32>
    %get3A_7 = arith.constant 0 : index
    %get3A_8 = arith.constant 0 : index
    %get3A_9 = vector.load %arg1[%get3A_7, %get3A_8] : memref<1024x128xf32, #tpu.memory_space<vmem>>, vector<1024x128xf32>
    %get3A_10 = arith.constant 0 : index
    %get3A_11 = arith.constant 0 : index
    %get3A_12 = vector.load %arg10[%get3A_10, %get3A_11] : memref<192x64xf32, #tpu.memory_space<vmem>>, vector<192x64xf32>
    %dot_general3A = arith.constant dense<0.000000e+00> : vector<1x64xf32>
    %dot_general3A_13 = tpu.matmul %concatenate3A, %get3A_12, %dot_general3A {dimension_numbers = #tpu.dot_dimension_numbers<[1], [0], [0], [1], [0, 0, 1, 1], [], []>, transpose_lhs_hint = false} : vector<1x192xf32>, vector<192x64xf32>, vector<1x64xf32> -> vector<1x64xf32>
    %get3A_14 = arith.constant 0 : index
    %get3A_15 = arith.constant 0 : index
    %get3A_16 = vector.load %arg11[%get3A_14, %get3A_15] : memref<1x64xf32, #tpu.memory_space<vmem>>, vector<1x64xf32>
    %add3A = arith.addf %dot_general3A_13, %get3A_16 : vector<1x64xf32>
    %get3A_17 = arith.constant 0 : index
    %get3A_18 = arith.constant 0 : index
    %get3A_19 = vector.load %arg4[%get3A_17, %get3A_18] : memref<128x64xf32, #tpu.memory_space<vmem>>, vector<128x64xf32>
    %dot_general3A_20 = arith.constant dense<0.000000e+00> : vector<1024x64xf32>
    %dot_general3A_21 = tpu.matmul %get3A_9, %get3A_19, %dot_general3A_20 {dimension_numbers = #tpu.dot_dimension_numbers<[1], [0], [0], [1], [0, 0, 1, 1], [], []>, transpose_lhs_hint = false} : vector<1024x128xf32>, vector<128x64xf32>, vector<1024x64xf32> -> vector<1024x64xf32>
    %get3A_22 = arith.constant 0 : index
    %get3A_23 = arith.constant 0 : index
    %get3A_24 = vector.load %arg5[%get3A_22, %get3A_23] : memref<1x64xf32, #tpu.memory_space<vmem>>, vector<1x64xf32>
    %add3A_25 = vector.broadcast %get3A_24 : vector<1x64xf32> to vector<1024x64xf32>
    %add3A_26 = arith.addf %dot_general3A_21, %add3A_25 : vector<1024x64xf32>
    %add3A_27 = vector.broadcast %add3A : vector<1x64xf32> to vector<1024x64xf32>
    %add3A_28 = arith.addf %add3A_26, %add3A_27 : vector<1024x64xf32>
    %swap3A = arith.constant 0 : index
    %swap3A_29 = arith.constant 0 : index
    %swap3A_30 = vector.load %arg16[%swap3A, %swap3A_29] : memref<1024x64xf32, #tpu.memory_space<vmem>>, vector<1024x64xf32>
    tpu.vector_store %arg16[%swap3A, %swap3A_29], %add3A_28 {strides = array<i32>} : memref<1024x64xf32, #tpu.memory_space<vmem>>, vector<1024x64xf32>,
    %get3A_31 = arith.constant 0 : index
    %get3A_32 = arith.constant 0 : index
    %get3A_33 = vector.load %arg12[%get3A_31, %get3A_32] : memref<192x64xf32, #tpu.memory_space<vmem>>, vector<192x64xf32>
    %dot_general3A_34 = arith.constant dense<0.000000e+00> : vector<1x64xf32>
    %dot_general3A_35 = tpu.matmul %concatenate3A, %get3A_33, %dot_general3A_34 {dimension_numbers = #tpu.dot_dimension_numbers<[1], [0], [0], [1], [0, 0, 1, 1], [], []>, transpose_lhs_hint = false} : vector<1x192xf32>, vector<192x64xf32>, vector<1x64xf32> -> vector<1x64xf32>
    %get3A_36 = arith.constant 0 : index
    %get3A_37 = arith.constant 0 : index
    %get3A_38 = vector.load %arg13[%get3A_36, %get3A_37] : memref<1x64xf32, #tpu.memory_space<vmem>>, vector<1x64xf32>
    %add3A_39 = arith.addf %dot_general3A_35, %get3A_38 : vector<1x64xf32>
    %get3A_40 = arith.constant 0 : index
    %get3A_41 = arith.constant 0 : index
    %get3A_42 = vector.load %arg6[%get3A_40, %get3A_41] : memref<128x64xf32, #tpu.memory_space<vmem>>, vector<128x64xf32>
    %dot_general3A_43 = arith.constant dense<0.000000e+00> : vector<1024x64xf32>
    %dot_general3A_44 = tpu.matmul %get3A_9, %get3A_42, %dot_general3A_43 {dimension_numbers = #tpu.dot_dimension_numbers<[1], [0], [0], [1], [0, 0, 1, 1], [], []>, transpose_lhs_hint = false} : vector<1024x128xf32>, vector<128x64xf32>, vector<1024x64xf32> -> vector<1024x64xf32>
    %get3A_45 = arith.constant 0 : index
    %get3A_46 = arith.constant 0 : index
    %get3A_47 = vector.load %arg7[%get3A_45, %get3A_46] : memref<1x64xf32, #tpu.memory_space<vmem>>, vector<1x64xf32>
    %add3A_48 = vector.broadcast %get3A_47 : vector<1x64xf32> to vector<1024x64xf32>
    %add3A_49 = arith.addf %dot_general3A_44, %add3A_48 : vector<1024x64xf32>
    %add3A_50 = vector.broadcast %add3A_39 : vector<1x64xf32> to vector<1024x64xf32>
    %add3A_51 = arith.addf %add3A_49, %add3A_50 : vector<1024x64xf32>
    %swap3A_52 = arith.constant 0 : index
    %swap3A_53 = arith.constant 0 : index
    %swap3A_54 = vector.load %arg17[%swap3A_52, %swap3A_53] : memref<1024x64xf32, #tpu.memory_space<vmem>>, vector<1024x64xf32>
    tpu.vector_store %arg17[%swap3A_52, %swap3A_53], %add3A_51 {strides = array<i32>} : memref<1024x64xf32, #tpu.memory_space<vmem>>, vector<1024x64xf32>,
    %get3A_55 = arith.constant 0 : index
    %get3A_56 = arith.constant 0 : index
    %get3A_57 = vector.load %arg14[%get3A_55, %get3A_56] : memref<192x64xf32, #tpu.memory_space<vmem>>, vector<192x64xf32>
    %dot_general3A_58 = arith.constant dense<0.000000e+00> : vector<1x64xf32>
    %dot_general3A_59 = tpu.matmul %concatenate3A, %get3A_57, %dot_general3A_58 {dimension_numbers = #tpu.dot_dimension_numbers<[1], [0], [0], [1], [0, 0, 1, 1], [], []>, transpose_lhs_hint = false} : vector<1x192xf32>, vector<192x64xf32>, vector<1x64xf32> -> vector<1x64xf32>
    %get3A_60 = arith.constant 0 : index
    %get3A_61 = arith.constant 0 : index
    %get3A_62 = vector.load %arg15[%get3A_60, %get3A_61] : memref<1x64xf32, #tpu.memory_space<vmem>>, vector<1x64xf32>
    %add3A_63 = arith.addf %dot_general3A_59, %get3A_62 : vector<1x64xf32>
    %get3A_64 = arith.constant 0 : index
    %get3A_65 = arith.constant 0 : index
    %get3A_66 = vector.load %arg8[%get3A_64, %get3A_65] : memref<128x64xf32, #tpu.memory_space<vmem>>, vector<128x64xf32>
    %dot_general3A_67 = arith.constant dense<0.000000e+00> : vector<1024x64xf32>
    %dot_general3A_68 = tpu.matmul %get3A_9, %get3A_66, %dot_general3A_67 {dimension_numbers = #tpu.dot_dimension_numbers<[1], [0], [0], [1], [0, 0, 1, 1], [], []>, transpose_lhs_hint = false} : vector<1024x128xf32>, vector<128x64xf32>, vector<1024x64xf32> -> vector<1024x64xf32>
    %get3A_69 = arith.constant 0 : index
    %get3A_70 = arith.constant 0 : index
    %get3A_71 = vector.load %arg9[%get3A_69, %get3A_70] : memref<1x64xf32, #tpu.memory_space<vmem>>, vector<1x64xf32>
    %add3A_72 = vector.broadcast %get3A_71 : vector<1x64xf32> to vector<1024x64xf32>
    %add3A_73 = arith.addf %dot_general3A_68, %add3A_72 : vector<1024x64xf32>
    %add3A_74 = vector.broadcast %add3A_63 : vector<1x64xf32> to vector<1024x64xf32>
    %add3A_75 = arith.addf %add3A_73, %add3A_74 : vector<1024x64xf32>
    %swap3A_76 = arith.constant 0 : index
    %swap3A_77 = arith.constant 0 : index
    %swap3A_78 = vector.load %arg18[%swap3A_76, %swap3A_77] : memref<1024x64xf32, #tpu.memory_space<vmem>>, vector<1024x64xf32>
    tpu.vector_store %arg18[%swap3A_76, %swap3A_77], %add3A_75 {strides = array<i32>} : memref<1024x64xf32, #tpu.memory_space<vmem>>, vector<1024x64xf32>,
    return
  }
  func.func @transform_0(%arg0: i32) -> (i32, i32) {
    %c0_i32 = arith.constant 0 : i32
    %c0_i32_0 = arith.constant 0 : i32
    return %arg0, %c0_i32 : i32, i32
  }
  func.func @transform_1(%arg0: i32) -> (i32, i32) {
    %c0_i32 = arith.constant 0 : i32
    %c0_i32_0 = arith.constant 0 : i32
    %c0_i32_1 = arith.constant 0 : i32
    return %c0_i32, %c0_i32_0 : i32, i32
  }
  func.func @transform_2(%arg0: i32) -> (i32, i32) {
    %c0_i32 = arith.constant 0 : i32
    %c0_i32_0 = arith.constant 0 : i32
    %c0_i32_1 = arith.constant 0 : i32
    return %c0_i32, %c0_i32_0 : i32, i32
  }
  func.func @transform_3(%arg0: i32) -> (i32, i32) {
    %c0_i32 = arith.constant 0 : i32
    %c0_i32_0 = arith.constant 0 : i32
    %c0_i32_1 = arith.constant 0 : i32
    return %c0_i32, %c0_i32_0 : i32, i32
  }
  func.func @transform_4(%arg0: i32) -> (i32, i32) {
    %c0_i32 = arith.constant 0 : i32
    %c0_i32_0 = arith.constant 0 : i32
    %c0_i32_1 = arith.constant 0 : i32
    return %c0_i32, %c0_i32_0 : i32, i32
  }
  func.func @transform_5(%arg0: i32) -> (i32, i32) {
    %c0_i32 = arith.constant 0 : i32
    %c0_i32_0 = arith.constant 0 : i32
    %c0_i32_1 = arith.constant 0 : i32
    return %c0_i32, %c0_i32_0 : i32, i32
  }
  func.func @transform_6(%arg0: i32) -> (i32, i32) {
    %c0_i32 = arith.constant 0 : i32
    %c0_i32_0 = arith.constant 0 : i32
    %c0_i32_1 = arith.constant 0 : i32
    return %c0_i32, %c0_i32_0 : i32, i32
  }
  func.func @transform_7(%arg0: i32) -> (i32, i32) {
    %c0_i32 = arith.constant 0 : i32
    %c0_i32_0 = arith.constant 0 : i32
    %c0_i32_1 = arith.constant 0 : i32
    return %c0_i32, %c0_i32_0 : i32, i32
  }
  func.func @transform_8(%arg0: i32) -> (i32, i32) {
    %c0_i32 = arith.constant 0 : i32
    %c0_i32_0 = arith.constant 0 : i32
    %c0_i32_1 = arith.constant 0 : i32
    return %c0_i32, %c0_i32_0 : i32, i32
  }
  func.func @transform_9(%arg0: i32) -> (i32, i32) {
    %c0_i32 = arith.constant 0 : i32
    %c0_i32_0 = arith.constant 0 : i32
    %c0_i32_1 = arith.constant 0 : i32
    return %c0_i32, %c0_i32_0 : i32, i32
  }
  func.func @transform_10(%arg0: i32) -> (i32, i32) {
    %c0_i32 = arith.constant 0 : i32
    %c0_i32_0 = arith.constant 0 : i32
    %c0_i32_1 = arith.constant 0 : i32
    return %c0_i32, %c0_i32_0 : i32, i32
  }
  func.func @transform_11(%arg0: i32) -> (i32, i32) {
    %c0_i32 = arith.constant 0 : i32
    %c0_i32_0 = arith.constant 0 : i32
    %c0_i32_1 = arith.constant 0 : i32
    return %c0_i32, %c0_i32_0 : i32, i32
  }
  func.func @transform_12(%arg0: i32) -> (i32, i32) {
    %c0_i32 = arith.constant 0 : i32
    %c0_i32_0 = arith.constant 0 : i32
    %c0_i32_1 = arith.constant 0 : i32
    return %c0_i32, %c0_i32_0 : i32, i32
  }
  func.func @transform_13(%arg0: i32) -> (i32, i32) {
    %c0_i32 = arith.constant 0 : i32
    %c0_i32_0 = arith.constant 0 : i32
    %c0_i32_1 = arith.constant 0 : i32
    return %c0_i32, %c0_i32_0 : i32, i32
  }
  func.func @transform_14(%arg0: i32) -> (i32, i32) {
    %c0_i32 = arith.constant 0 : i32
    %c0_i32_0 = arith.constant 0 : i32
    %c0_i32_1 = arith.constant 0 : i32
    return %c0_i32, %c0_i32_0 : i32, i32
  }
  func.func @transform_15(%arg0: i32) -> (i32, i32) {
    %c0_i32 = arith.constant 0 : i32
    %c0_i32_0 = arith.constant 0 : i32
    return %arg0, %c0_i32 : i32, i32
  }
  func.func @transform_16(%arg0: i32) -> (i32, i32) {
    %c0_i32 = arith.constant 0 : i32
    %c0_i32_0 = arith.constant 0 : i32
    return %arg0, %c0_i32 : i32, i32
  }
  func.func @transform_17(%arg0: i32) -> (i32, i32) {
    %c0_i32 = arith.constant 0 : i32
    %c0_i32_0 = arith.constant 0 : i32
    return %arg0, %c0_i32 : i32, i32
  }
}

module attributes {stable_mosaic.version = 14 : i64} {
  func.func @_flash_body(%arg0: i32, %arg1: memref<512x64xf32, #tpu.memory_space<vmem>>, %arg2: memref<10240x64xf32, #tpu.memory_space<vmem>>, %arg3: memref<10240x64xf32, #tpu.memory_space<vmem>>, %arg4: memref<1x64xf32, #tpu.memory_space<vmem>>) attributes {dimension_semantics = [#tpu.dimension_semantics<arbitrary>], iteration_bounds = array<i64: 20>, scalar_prefetch = 0 : i64, scratch_operands = 0 : i64, tpu.core_type = #tpu.core_type<tc>, window_params = [{transform_indices = @transform_0, window_bounds = array<i64: 512, 64>}, {pipeline_mode = #tpu.pipeline_mode<synchronous>, transform_indices = @transform_1, window_bounds = array<i64: 10240, 64>}, {pipeline_mode = #tpu.pipeline_mode<synchronous>, transform_indices = @transform_2, window_bounds = array<i64: 10240, 64>}, {pipeline_mode = #tpu.pipeline_mode<synchronous>, transform_indices = @transform_3, window_bounds = array<i64: 1, 64>}]} {
    %get3A = arith.constant 0 : index
    %get3A_0 = arith.constant 0 : index
    %get3A_1 = vector.load %arg1[%get3A, %get3A_0] : memref<512x64xf32, #tpu.memory_space<vmem>>, vector<512x64xf32>
    %get3A_2 = arith.constant 0 : index
    %get3A_3 = arith.constant 0 : index
    %get3A_4 = vector.load %arg2[%get3A_2, %get3A_3] : memref<10240x64xf32, #tpu.memory_space<vmem>>, vector<10240x64xf32>
    %dot_general3A = arith.constant dense<0.000000e+00> : vector<512x10240xf32>
    %dot_general3A_5 = tpu.matmul %get3A_1, %get3A_4, %dot_general3A {dimension_numbers = #tpu.dot_dimension_numbers<[1], [1], [0], [0], [0, 0, 1, 0], [], []>, transpose_lhs_hint = false} : vector<512x64xf32>, vector<10240x64xf32>, vector<512x10240xf32> -> vector<512x10240xf32>
    %mul3A = arith.constant 1.250000e-01 : f32
    %mul3A_6 = vector.broadcast %mul3A : f32 to vector<512x10240xf32>
    %mul3A_7 = arith.mulf %dot_general3A_5, %mul3A_6 : vector<512x10240xf32>
    %iota3A = tpu.iota {dimensions = array<i32: 1>} : vector<1x10240xi32>
    %lt3A = arith.constant 10000 : i32
    %lt3A_8 = vector.broadcast %lt3A : i32 to vector<1x10240xi32>
    %lt3A_9 = arith.cmpi slt, %iota3A, %lt3A_8 : vector<1x10240xi32>
    %jit3A = arith.constant -1.000000e+30 : f32
    %broadcast_in_dim3A = vector.shape_cast %lt3A_9 : vector<1x10240xi1> to vector<1x10240xi1>
    %broadcast_in_dim3A_10 = vector.broadcast %broadcast_in_dim3A : vector<1x10240xi1> to vector<512x10240xi1>
    %broadcast_in_dim3A_11 = vector.broadcast %jit3A : f32 to vector<512x10240xf32>
    %select_n3A = arith.select %broadcast_in_dim3A_10, %mul3A_7, %broadcast_in_dim3A_11 : vector<512x10240xi1>, vector<512x10240xf32>
    %reduce_max3A = arith.constant dense<0xFF800000> : vector<512xf32>
    %reduce_max3A_12 = vector.multi_reduction <maximumf>, %select_n3A, %reduce_max3A [1] : vector<512x10240xf32> to vector<512xf32>
    %broadcast_in_dim3A_13 = vector.shape_cast %reduce_max3A_12 : vector<512xf32> to vector<512x1xf32>
    %sub3A = vector.broadcast %broadcast_in_dim3A_13 : vector<512x1xf32> to vector<512x10240xf32>
    %sub3A_14 = arith.subf %select_n3A, %sub3A : vector<512x10240xf32>
    %exp3A = math.exp %sub3A_14 : vector<512x10240xf32>
    %reduce_sum3A = arith.constant dense<0.000000e+00> : vector<512xf32>
    %reduce_sum3A_15 = vector.multi_reduction <add>, %exp3A, %reduce_sum3A [1] : vector<512x10240xf32> to vector<512xf32>
    %broadcast_in_dim3A_16 = vector.shape_cast %reduce_sum3A_15 : vector<512xf32> to vector<512x1xf32>
    %div3A = vector.broadcast %broadcast_in_dim3A_16 : vector<512x1xf32> to vector<512x10240xf32>
    %div3A_17 = arith.divf %exp3A, %div3A : vector<512x10240xf32>
    %get3A_18 = arith.constant 0 : index
    %get3A_19 = arith.constant 0 : index
    %get3A_20 = vector.load %arg3[%get3A_18, %get3A_19] : memref<10240x64xf32, #tpu.memory_space<vmem>>, vector<10240x64xf32>
    %dot_general3A_21 = arith.constant dense<0.000000e+00> : vector<512x64xf32>
    %dot_general3A_22 = tpu.matmul %div3A_17, %get3A_20, %dot_general3A_21 {dimension_numbers = #tpu.dot_dimension_numbers<[1], [0], [0], [1], [0, 0, 1, 1], [], []>, transpose_lhs_hint = false} : vector<512x10240xf32>, vector<10240x64xf32>, vector<512x64xf32> -> vector<512x64xf32>
    %mul3A_23 = arith.constant 512 : i32
    %mul3A_24 = arith.muli %arg0, %mul3A_23 : i32
    %iota3A_25 = tpu.iota {dimensions = array<i32: 0>} : vector<512x1xi32>
    %add3A = vector.broadcast %mul3A_24 : i32 to vector<512x1xi32>
    %add3A_26 = arith.addi %add3A, %iota3A_25 : vector<512x1xi32>
    %lt3A_27 = arith.constant 10000 : i32
    %lt3A_28 = vector.broadcast %lt3A_27 : i32 to vector<512x1xi32>
    %lt3A_29 = arith.cmpi slt, %add3A_26, %lt3A_28 : vector<512x1xi32>
    %jit3A_30 = arith.constant 0.000000e+00 : f32
    %broadcast_in_dim3A_31 = vector.shape_cast %lt3A_29 : vector<512x1xi1> to vector<512x1xi1>
    %broadcast_in_dim3A_32 = vector.broadcast %broadcast_in_dim3A_31 : vector<512x1xi1> to vector<512x64xi1>
    %broadcast_in_dim3A_33 = vector.broadcast %jit3A_30 : f32 to vector<512x64xf32>
    %select_n3A_34 = arith.select %broadcast_in_dim3A_32, %dot_general3A_22, %broadcast_in_dim3A_33 : vector<512x64xi1>, vector<512x64xf32>
    %eq3A = arith.constant 0 : i32
    %eq3A_35 = arith.cmpi eq, %arg0, %eq3A : i32
    %convert_element_type3A = arith.extui %eq3A_35 : i1 to i32
    %cond3A = arith.constant 0 : i32
    %cond3A_36 = arith.cmpi ne, %convert_element_type3A, %cond3A : i32
    scf.if %cond3A_36 {
      %broadcast_in_dim3A_46 = arith.constant 0.000000e+00 : f32
      %broadcast_in_dim3A_47 = vector.broadcast %broadcast_in_dim3A_46 : f32 to vector<1x64xf32>
      %swap3A_48 = arith.constant 0 : index
      %swap3A_49 = arith.constant 0 : index
      %swap3A_50 = vector.load %arg4[%swap3A_48, %swap3A_49] : memref<1x64xf32, #tpu.memory_space<vmem>>, vector<1x64xf32>
      tpu.vector_store %arg4[%swap3A_48, %swap3A_49], %broadcast_in_dim3A_47 {strides = array<i32>} : memref<1x64xf32, #tpu.memory_space<vmem>>, vector<1x64xf32>,
    } else {
    }
    %get3A_37 = arith.constant 0 : index
    %get3A_38 = arith.constant 0 : index
    %get3A_39 = vector.load %arg4[%get3A_37, %get3A_38] : memref<1x64xf32, #tpu.memory_space<vmem>>, vector<1x64xf32>
    %reduce_sum3A_40 = arith.constant dense<0.000000e+00> : vector<64xf32>
    %reduce_sum3A_41 = vector.multi_reduction <add>, %select_n3A_34, %reduce_sum3A_40 [0] : vector<512x64xf32> to vector<64xf32>
    %broadcast_in_dim3A_42 = vector.shape_cast %reduce_sum3A_41 : vector<64xf32> to vector<1x64xf32>
    %add3A_43 = arith.addf %get3A_39, %broadcast_in_dim3A_42 : vector<1x64xf32>
    %swap3A = arith.constant 0 : index
    %swap3A_44 = arith.constant 0 : index
    %swap3A_45 = vector.load %arg4[%swap3A, %swap3A_44] : memref<1x64xf32, #tpu.memory_space<vmem>>, vector<1x64xf32>
    tpu.vector_store %arg4[%swap3A, %swap3A_44], %add3A_43 {strides = array<i32>} : memref<1x64xf32, #tpu.memory_space<vmem>>, vector<1x64xf32>,
    return
  }
  func.func @transform_0(%arg0: i32) -> (i32, i32) {
    %c0_i32 = arith.constant 0 : i32
    %c0_i32_0 = arith.constant 0 : i32
    return %arg0, %c0_i32 : i32, i32
  }
  func.func @transform_1(%arg0: i32) -> (i32, i32) {
    %c0_i32 = arith.constant 0 : i32
    %c0_i32_0 = arith.constant 0 : i32
    %c0_i32_1 = arith.constant 0 : i32
    return %c0_i32, %c0_i32_0 : i32, i32
  }
  func.func @transform_2(%arg0: i32) -> (i32, i32) {
    %c0_i32 = arith.constant 0 : i32
    %c0_i32_0 = arith.constant 0 : i32
    %c0_i32_1 = arith.constant 0 : i32
    return %c0_i32, %c0_i32_0 : i32, i32
  }
  func.func @transform_3(%arg0: i32) -> (i32, i32) {
    %c0_i32 = arith.constant 0 : i32
    %c0_i32_0 = arith.constant 0 : i32
    %c0_i32_1 = arith.constant 0 : i32
    return %c0_i32, %c0_i32_0 : i32, i32
  }
}

module attributes {stable_mosaic.version = 14 : i64} {
  func.func @_head_body(%arg0: memref<1x64xf32, #tpu.memory_space<vmem>>, %arg1: memref<64x128xf32, #tpu.memory_space<vmem>>, %arg2: memref<1x128xf32, #tpu.memory_space<vmem>>, %arg3: memref<128x256xf32, #tpu.memory_space<vmem>>, %arg4: memref<1x256xf32, #tpu.memory_space<vmem>>, %arg5: memref<256x256xf32, #tpu.memory_space<vmem>>, %arg6: memref<1x256xf32, #tpu.memory_space<vmem>>, %arg7: memref<256x128xf32, #tpu.memory_space<vmem>>, %arg8: memref<1x128xf32, #tpu.memory_space<vmem>>, %arg9: memref<128x32xf32, #tpu.memory_space<vmem>>, %arg10: memref<1x32xf32, #tpu.memory_space<vmem>>, %arg11: memref<1x32xf32, #tpu.memory_space<vmem>>) attributes {dimension_semantics = [], scalar_prefetch = 0 : i64, scratch_operands = 0 : i64, tpu.core_type = #tpu.core_type<tc>} {
    %get3A = arith.constant 0 : index
    %get3A_0 = arith.constant 0 : index
    %get3A_1 = vector.load %arg0[%get3A, %get3A_0] : memref<1x64xf32, #tpu.memory_space<vmem>>, vector<1x64xf32>
    %mul3A = arith.constant 9.99999974E-5 : f32
    %mul3A_2 = vector.broadcast %mul3A : f32 to vector<1x64xf32>
    %mul3A_3 = arith.mulf %get3A_1, %mul3A_2 : vector<1x64xf32>
    %get3A_4 = arith.constant 0 : index
    %get3A_5 = arith.constant 0 : index
    %get3A_6 = vector.load %arg1[%get3A_4, %get3A_5] : memref<64x128xf32, #tpu.memory_space<vmem>>, vector<64x128xf32>
    %dot_general3A = arith.constant dense<0.000000e+00> : vector<1x128xf32>
    %dot_general3A_7 = tpu.matmul %mul3A_3, %get3A_6, %dot_general3A {dimension_numbers = #tpu.dot_dimension_numbers<[1], [0], [0], [1], [0, 0, 1, 1], [], []>, transpose_lhs_hint = false} : vector<1x64xf32>, vector<64x128xf32>, vector<1x128xf32> -> vector<1x128xf32>
    %get3A_8 = arith.constant 0 : index
    %get3A_9 = arith.constant 0 : index
    %get3A_10 = vector.load %arg2[%get3A_8, %get3A_9] : memref<1x128xf32, #tpu.memory_space<vmem>>, vector<1x128xf32>
    %add3A = arith.addf %dot_general3A_7, %get3A_10 : vector<1x128xf32>
    %get3A_11 = arith.constant 0 : index
    %get3A_12 = arith.constant 0 : index
    %get3A_13 = vector.load %arg3[%get3A_11, %get3A_12] : memref<128x256xf32, #tpu.memory_space<vmem>>, vector<128x256xf32>
    %dot_general3A_14 = arith.constant dense<0.000000e+00> : vector<1x256xf32>
    %dot_general3A_15 = tpu.matmul %add3A, %get3A_13, %dot_general3A_14 {dimension_numbers = #tpu.dot_dimension_numbers<[1], [0], [0], [1], [0, 0, 1, 1], [], []>, transpose_lhs_hint = false} : vector<1x128xf32>, vector<128x256xf32>, vector<1x256xf32> -> vector<1x256xf32>
    %get3A_16 = arith.constant 0 : index
    %get3A_17 = arith.constant 0 : index
    %get3A_18 = vector.load %arg4[%get3A_16, %get3A_17] : memref<1x256xf32, #tpu.memory_space<vmem>>, vector<1x256xf32>
    %add3A_19 = arith.addf %dot_general3A_15, %get3A_18 : vector<1x256xf32>
    %max3A = arith.constant 0.000000e+00 : f32
    %max3A_20 = vector.broadcast %max3A : f32 to vector<1x256xf32>
    %max3A_21 = arith.maximumf %add3A_19, %max3A_20 : vector<1x256xf32>
    %get3A_22 = arith.constant 0 : index
    %get3A_23 = arith.constant 0 : index
    %get3A_24 = vector.load %arg5[%get3A_22, %get3A_23] : memref<256x256xf32, #tpu.memory_space<vmem>>, vector<256x256xf32>
    %dot_general3A_25 = arith.constant dense<0.000000e+00> : vector<1x256xf32>
    %dot_general3A_26 = tpu.matmul %max3A_21, %get3A_24, %dot_general3A_25 {dimension_numbers = #tpu.dot_dimension_numbers<[1], [0], [0], [1], [0, 0, 1, 1], [], []>, transpose_lhs_hint = false} : vector<1x256xf32>, vector<256x256xf32>, vector<1x256xf32> -> vector<1x256xf32>
    %get3A_27 = arith.constant 0 : index
    %get3A_28 = arith.constant 0 : index
    %get3A_29 = vector.load %arg6[%get3A_27, %get3A_28] : memref<1x256xf32, #tpu.memory_space<vmem>>, vector<1x256xf32>
    %add3A_30 = arith.addf %dot_general3A_26, %get3A_29 : vector<1x256xf32>
    %max3A_31 = arith.constant 0.000000e+00 : f32
    %max3A_32 = vector.broadcast %max3A_31 : f32 to vector<1x256xf32>
    %max3A_33 = arith.maximumf %add3A_30, %max3A_32 : vector<1x256xf32>
    %get3A_34 = arith.constant 0 : index
    %get3A_35 = arith.constant 0 : index
    %get3A_36 = vector.load %arg7[%get3A_34, %get3A_35] : memref<256x128xf32, #tpu.memory_space<vmem>>, vector<256x128xf32>
    %dot_general3A_37 = arith.constant dense<0.000000e+00> : vector<1x128xf32>
    %dot_general3A_38 = tpu.matmul %max3A_33, %get3A_36, %dot_general3A_37 {dimension_numbers = #tpu.dot_dimension_numbers<[1], [0], [0], [1], [0, 0, 1, 1], [], []>, transpose_lhs_hint = false} : vector<1x256xf32>, vector<256x128xf32>, vector<1x128xf32> -> vector<1x128xf32>
    %get3A_39 = arith.constant 0 : index
    %get3A_40 = arith.constant 0 : index
    %get3A_41 = vector.load %arg8[%get3A_39, %get3A_40] : memref<1x128xf32, #tpu.memory_space<vmem>>, vector<1x128xf32>
    %add3A_42 = arith.addf %dot_general3A_38, %get3A_41 : vector<1x128xf32>
    %max3A_43 = arith.constant 0.000000e+00 : f32
    %max3A_44 = vector.broadcast %max3A_43 : f32 to vector<1x128xf32>
    %max3A_45 = arith.maximumf %add3A_42, %max3A_44 : vector<1x128xf32>
    %get3A_46 = arith.constant 0 : index
    %get3A_47 = arith.constant 0 : index
    %get3A_48 = vector.load %arg9[%get3A_46, %get3A_47] : memref<128x32xf32, #tpu.memory_space<vmem>>, vector<128x32xf32>
    %dot_general3A_49 = arith.constant dense<0.000000e+00> : vector<1x32xf32>
    %dot_general3A_50 = tpu.matmul %max3A_45, %get3A_48, %dot_general3A_49 {dimension_numbers = #tpu.dot_dimension_numbers<[1], [0], [0], [1], [0, 0, 1, 1], [], []>, transpose_lhs_hint = false} : vector<1x128xf32>, vector<128x32xf32>, vector<1x32xf32> -> vector<1x32xf32>
    %get3A_51 = arith.constant 0 : index
    %get3A_52 = arith.constant 0 : index
    %get3A_53 = vector.load %arg10[%get3A_51, %get3A_52] : memref<1x32xf32, #tpu.memory_space<vmem>>, vector<1x32xf32>
    %add3A_54 = arith.addf %dot_general3A_50, %get3A_53 : vector<1x32xf32>
    %swap3A = arith.constant 0 : index
    %swap3A_55 = arith.constant 0 : index
    %swap3A_56 = vector.load %arg11[%swap3A, %swap3A_55] : memref<1x32xf32, #tpu.memory_space<vmem>>, vector<1x32xf32>
    tpu.vector_store %arg11[%swap3A, %swap3A_55], %add3A_54 {strides = array<i32>} : memref<1x32xf32, #tpu.memory_space<vmem>>, vector<1x32xf32>,
    return
  }
}

</mosaic_0001>

<sc_bundles>
// kernel: kernel.13.cloned.1.call-start
scs
__scs_entry_jumppad:
0x0: {  	(pc) =	sbr.rel $0x88, $3  }
0x1: {  	(tag) =	ssettag $0x0;
	lr =	simm.s32 $0x1  }
0x2: {  	[smem:$0x3F7C] =	sst lr;
	_ =	strace $0xD0000000  }
0x3: {  	_ = 	snop  }
0x4: {  	_ = 	snop  }
0x5: {  	_ = 	snop  }
0x6: {  	_ = 	snop  }
0x7: {  	_ = 	snop  }
__scs_overlays_trampoline_lowered:
0x8: {  	[smem:$0x3F8B] =	sst s0  }
0x9: {  	[smem:$0x3F8C] =	sst s1  }
0xa: {  	[smem:$0x3F8D] =	sst s2  }
0xb: {  	[smem:$0x3F8E] =	sst s3  }
0xc: {  	[smem:$0x3F8F] =	sst s4  }
0xd: {  	[smem:$0x3F90] =	sst s5  }
0xe: {  	[smem:$0x3F91] =	sst s6  }
0xf: {  	[smem:$0x3F92] =	sst s7  }
0x10: {  	[smem:$0x3F93] =	sst s8  }
0x11: {  	[smem:$0x3F94] =	sst s9;
	s0 =	simm.s32 @!p0 $0x0  }
0x12: {  	s1 =	sld [smem:$0x3F7A];
	s0 =	simm.s32 @p0 $0x1  }
0x13: {  	[smem:$0x3F95] =	sst s0;
	s0 =	simm.s32 @!p1 $0x0  }
0x14: {  	s2 =	sld [smem:$0x3F79];
	s0 =	simm.s32 @p1 $0x1  }
0x15: {  	[smem:$0x3F96] =	sst s0;
	s0 =	simm.s32 @!p2 $0x0  }
0x16: {  	s3 =	sld [smem:$0x3FDB];
	s0 =	simm.s32 @p2 $0x1  }
0x17: {  	s4 =	simm.s32 $0x1BF5;
	[smem:$0x3F98] =	sst s0  }
0x18: {  	s0 =	sld [smem:$0x3F7B];
	_ =	swait.ge [sflag:s4], $0x0  }
0x19: {  	s7 =	sld [smem:$0x3F7C]  }
0x1a: {  	s8 =	sadd.s32 $0xFFFFE003, lr  }
0x1b: {  	s9 =	sadd.s32 $0xFFFFFEF7, lr;
	s5 =	simm.s32 $0xFFFFFFFF;
	p2 =	slt.u32 s8, $0xFFFFF086  }
0x1c: {  	p1 =	slt.u32 s9, $0xF7A;
	s5 =	simm.s32 @!p2 $0x0  }
0x1d: {  	s5 =	simm.s32 @p1 $0x1;
	p0 =	seq.s32 s7, s2  }
0x1e: {  	s7 =	smul.u32 @!p0 $0xF7A, s2;
	p2 =	seq.s32 @!p0 s5, $0x0  }
0x1f: {  	s9 =	smul.u32 $0xF7A, s1;
	s8 =	simm.s32 @!p0 $0x1BF5;
	p2 =	por !p2, p0  }
0x20: {  	[sflag:s8] =	ssyncset.s32 @!p0 $0xFFFFF086;
	s6 =	sadd.s32 @!p0 s3, s7;
	s7 =	simm.s32 @!p0 $0x108  }
0x21: {  	s3 =	sadd.s32 s3, s9;
	s6 =	sadd.s32 @!p0 $0x88, s6;
	s7 =	simm.s32 @p2 $0x1082  }
0x22: {  	[simem:s7], [sflag:s8] =	dma.local @!p0 [hbm:s6], $0xF7A  }
0x23: {  	s9 =	sor.u32 $0xD0000000, s2;
	s6 =	simm.s32 $0x108;
	_ =	swait.ge @!p0 [sflag:s8], $0x0  }
0x24: {  	s3 =	sadd.s32 $0x88, s3;
	s6 =	simm.s32 @!p1 $0x1082;
	[sflag:s4] =	ssyncset.s32 $0xFFFFF086  }
0x25: {  	[simem:s6], [sflag:s4] =	dma.local [hbm:s3], $0xF7A  }
0x26: {  	[smem:$0x3F7C] =	sst s1;
	(tag) =	ssettag s2;
	_ =	strace s9  }
0x27: {  	s1 =	sld [smem:$0x3F8C]  }
0x28: {  	s2 =	sld [smem:$0x3F8D]  }
0x29: {  	s4 =	sld [smem:$0x3F8F]  }
0x2a: {  	p0 =	seq.s32 s5, $0x0;
	s5 =	sld [smem:$0x3F90]  }
0x2b: {  	s6 =	sld [smem:$0x3F91]  }
0x2c: {  	s7 =	sld [smem:$0x3F92]  }
0x2d: {  	s3 =	simm.s32 $0x108;
	s8 =	sld [smem:$0x3F93]  }
0x2e: {  	s3 =	simm.s32 @!p0 $0x1082;
	s9 =	sld [smem:$0x3F94]  }
0x2f: {  	lr =	sadd.s32 s0, s3;
	s0 =	sld [smem:$0x3F8B]  }
0x30: {  	s3 =	sld [smem:$0x3F8E]  }
0x31: {  	[smem:$0x3F97] =	sst s10  }
0x32: {  	s10 =	sld [smem:$0x3F95];
	_ =	sdelay $0x3  }
0x33: {  	p0 =	seq.s32 s10, $0x1;
	s10 =	sld [smem:$0x3F97];
	_ =	sdelay $0x3  }
0x34: {  	[smem:$0x3F97] =	sst s10  }
0x35: {  	s10 =	sld [smem:$0x3F96];
	_ =	sdelay $0x3  }
0x36: {  	p1 =	seq.s32 s10, $0x1;
	s10 =	sld [smem:$0x3F97];
	_ =	sdelay $0x3  }
0x37: {  	[smem:$0x3F97] =	sst s10  }
0x38: {  	s10 =	sld [smem:$0x3F98]  }
0x39: {  	_ = 	snop;
	(pc) =	sbr.ind lr, $3  }
0x3a: {  	_ = 	snop  }
0x3b: {  	_ = 	snop  }
0x3c: {  	p2 =	seq.s32 s10, $0x1;
	s10 =	sld [smem:$0x3F97]  }
0x3d: {  	_ =	shalt  }
0x3e: {  	_ =	shalt  }
0x3f: {  	_ =	shalt  }
0x40: {  	_ =	shalt  }
0x41: {  	_ =	shalt  }
0x42: {  	_ =	shalt  }
0x43: {  	_ =	shalt  }
0x44: {  	_ =	shalt  }
0x45: {  	_ =	shalt  }
0x46: {  	_ =	shalt  }
0x47: {  	_ =	shalt  }
0x48: {  	_ =	shalt  }
0x49: {  	_ =	shalt  }
0x4a: {  	_ =	shalt  }
0x4b: {  	_ =	shalt  }
0x4c: {  	_ =	shalt  }
0x4d: {  	_ =	shalt  }
0x4e: {  	_ =	shalt  }
0x4f: {  	_ =	shalt  }
0x50: {  	_ =	shalt  }
0x51: {  	_ =	shalt  }
0x52: {  	_ =	shalt  }
0x53: {  	_ =	shalt  }
0x54: {  	_ =	shalt  }
0x55: {  	_ =	shalt  }
0x56: {  	_ =	shalt  }
0x57: {  	_ =	shalt  }
0x58: {  	_ =	shalt  }
0x59: {  	_ =	shalt  }
0x5a: {  	_ =	shalt  }
0x5b: {  	_ =	shalt  }
0x5c: {  	_ =	shalt  }
0x5d: {  	_ =	shalt  }
0x5e: {  	_ =	shalt  }
0x5f: {  	_ =	shalt  }
0x60: {  	_ =	shalt  }
0x61: {  	_ =	shalt  }
0x62: {  	_ =	shalt  }
0x63: {  	_ =	shalt  }
0x64: {  	_ =	shalt  }
0x65: {  	_ =	shalt  }
0x66: {  	_ =	shalt  }
0x67: {  	_ =	shalt  }
0x68: {  	_ =	shalt  }
0x69: {  	_ =	shalt  }
0x6a: {  	_ =	shalt  }
0x6b: {  	_ =	shalt  }
0x6c: {  	_ =	shalt  }
0x6d: {  	_ =	shalt  }
0x6e: {  	_ =	shalt  }
0x6f: {  	_ =	shalt  }
0x70: {  	_ =	shalt  }
0x71: {  	_ =	shalt  }
0x72: {  	_ =	shalt  }
0x73: {  	_ =	shalt  }
0x74: {  	_ =	shalt  }
0x75: {  	_ =	shalt  }
0x76: {  	_ =	shalt  }
0x77: {  	_ =	shalt  }
0x78: {  	_ =	shalt  }
0x79: {  	_ =	shalt  }
0x7a: {  	_ =	shalt  }
0x7b: {  	_ =	shalt  }
0x7c: {  	_ =	shalt  }
0x7d: {  	_ =	shalt  }
0x7e: {  	_ =	shalt  }
0x7f: {  	_ =	shalt  }
0x80: {  	_ =	shalt  }
0x81: {  	_ =	shalt  }
0x82: {  	_ =	shalt  }
0x83: {  	_ =	shalt  }
0x84: {  	_ =	shalt  }
0x85: {  	_ =	shalt  }
0x86: {  	_ =	shalt  }
0x87: {  	_ =	shalt  }
.Lfunc_end0:
.L_simem_size_0:
called_computation_lowered:
.L_overlay_start_0:
0x88: {  	s2 =	sld [smem:$0x3FD9]  }
0x89: {  	s3 =	sld [smem:$0x3FFE];
	_ =	sdelay $0x1  }
0x8a: {  	s1 =	srdreg.scid  }
0x8b: {  	s0 =	sand.u32 $0x1, s1  }
0x8c: {  	s16 =	sshll.u32 s0, $0xA;
	s2 =	sadd.s32 s3, s2  }
0x8d: {  	s2 =	sadd.s32 s2, s16  }
0x8e: {  	[smem:$0x3FA3] =	sst s2  }
0x8f: {  	_ = 	snop  }
0x90: {  	(tm) =	ssettm $0x1  }
0x91: {  	s17 =	sld [smem:$0x3FFB];
	_ =	sdelay $0x3  }
0x92: {  	_ =	strace s17  }
0x93: {  	s2 =	sld [smem:$0x3FFC];
	_ =	sdelay $0x3  }
0x94: {  	_ =	strace s2  }
0x95: {  	s2 =	sld [smem:$0x3FFD];
	_ =	sdelay $0x3  }
0x96: {  	_ =	strace s2  }
0x97: {  	_ =	strace $0x8FFFFFFF  }
0x98: {  	s18 =	sld [smem:$0x3FDB];
	_ =	sdelay $0x1  }
0x99: {  	s19 =	simm.s32 $_scs_section_size  }
0x9a: {  	s4 =	simm.s32 $_size__tile_overlayer_lowered;
	s5 =	simm.s32 $_tile_overlayer_lowered  }
0x9b: {  	s22 =	simm.s32 $0x1BFF;
	s21 =	sshll.u32 s5, $0x1;
	s2 =	sadd.s32 s19, s18  }
0x9c: {  	s6 =	simm.s32 $0x0;
	s20 =	sshll.u32 s4, $0x1;
	s4 =	sadd.s32 s21, s2  }
0x9d: {  	[timem:s6], [sflag:s22] =	dma.local [hbm:s4], s20  }
0x9e: {  	_ =	swait.ge [sflag:s22], s20  }
0x9f: {  	s3 =	ssub.s32 $0x0, s20;
	[sflag:s22] =	ssyncset.done $0x0  }
0xa0: {  	[sflag:s22] =	ssyncadd.s32 s3;
	_ =	sdelay $0x1  }
0xa1: {  	s23 =	simm.s32 $0x1B8B  }
0xa2: {  	_ =	swait.ge [sflag:s23], $0x1  }
0xa3: {  	[sflag:s23] =	ssyncset.done $0x0  }
0xa4: {  	s25 =	simm.s32 $0x1B8E;
	s24 =	sld [smem:$0x3FFE];
	[sflag:s23] =	ssyncadd.s32 $0xFFFFFFFF  }
0xa5: {  	s26 =	simm.s32 $execute0_lowered;
	[smem:$0x3FD2] =	sst s25  }
0xa6: {  	s4 =	sshll.u32 s26, $0x1;
	_ =	strace $0x80000046;
	[dreg:$0x1] =	wrdreg $0xFFFFFFFF  }
0xa7: {  	s28 =	simm.s32 $_size_execute0_lowered;
	s2 =	sadd.s32 s2, s4;
	[dreg:$0x0] =	wrdreg $0x0  }
0xa8: {  	s4 =	sshll.u32 s28, $0x1;
	[dreg:$0x2] =	wrdreg s2  }
0xa9: {  	[dreg:$0x3] =	wrdreg s4  }
0xaa: {  	[dreg:$0x4] =	wrdreg $0xC0  }
0xab: {  	_ =	task [dreg:s6], $0x5FFFF  }
0xac: {  	[dreg:$0x1] =	wrdreg $0xFFFFFFFF  }
0xad: {  	[dreg:$0x0] =	wrdreg $0x60  }
0xae: {  	[dreg:$0x2] =	wrdreg s24  }
0xaf: {  	[dreg:$0x3] =	wrdreg $0xA8000  }
0xb0: {  	[dreg:$0x4] =	wrdreg $0x9  }
0xb1: {  	_ =	task.clear_ibuf [dreg:s6], $0x5FFFF;
	_ =	strace $0x90000046  }
0xb2: {  	s29 =	simm.s32 $0x9;
	_ =	strace $0x80000048  }
0xb3: {  	_ =	swait.ge [sflag:s29], $0x1  }
0xb4: {  	[sflag:s29] =	ssyncadd.s32 $0xFFFFFFFF  }
0xb5: {  	_ =	strace $0x90000048  }
0xb6: {  	_ =	sfence  }
0xb7: {  	s30 =	sld [smem:$0x0];
	_ =	sdelay $0x2  }
0xb8: {  	s31 =	sshll.u32 s1, $0xD;
	s1 =	sshrl.u32 s1, $0x2  }
0xb9: {  	s3 =	sand.u32 $0x4000, s31;
	s1 =	sadd.s32 s1, s30  }
0xba: {  	s0 =	sor.u32 s3, s0;
	s1 =	sshll.u32 s1, $0x11  }
0xbb: {  	s0 =	sor.u32 s1, s0  }
0xbc: {  	s0 =	sadd.s32 $0x8F2B, s0  }
0xbd: {  	[sflag:s0] =	ssyncadd.remote.s32 $0x1  }
0xbe: {  	_ =	sfence.sel $0xFFFF  }
0xbf: {  	[dreg:$0x0] =	wrdreg $0xFFFFFFFF;
	(pc) =	sbr.abs _section_cstart, $3  }
0xc0: {  	[dreg:$0x1] =	wrdreg $0xFFFFFFFF  }
0xc1: {  	_ =	task.clear_ibuf [dreg:s6], $0x2FFFF;
	_ =	strace $0x9FFFFFFF  }
0xc2: {  	(tm) =	ssettm $0x7FFFFFFF  }
0xc3: {  	_ =	shalt  }
tec
execute0_lowered:
.L_overlay_start_1:
0x0: {  	(tag) =	ssettag $0x1  }
0x1: {  	s5 =	rddreg [dreg:$0x0]  }
0x2: {  	s1 =	rddreg [dreg:$0x1];
	s2 =	srdreg.scid  }
0x3: {  	s0 =	rddreg [dreg:$0x2];
	s3 =	simm.s32 $0x0;
	s14 =	simm.s32 $0x5  }
0x4: {  	s15 =	simm.s32 $0x1400;
	s16 =	simm.s32 $0x2800;
	s17 =	simm.s32 $0x80  }
0x5: {  	s18 =	simm.s32 $0x6800;
	s19 =	simm.s32 $0x1;
	s20 =	simm.s32 $0x2  }
0x6: {  	s21 =	simm.s32 $0x3;
	s22 =	simm.s32 $0x4;
	s23 =	simm.s32 $0x2700  }
0x7: {  	s24 =	simm.s32 $0x2780;
	s6 =	sand.u32 $0x1, s2;
	s2 =	stileid.u32  }
0x8: {  	s25 =	simm.s32 $0x0;
	[smem:$0x7FF] =	sst s3;
	s7 =	smul.u32 $0x140000, s6  }
0x9: {  	s4 =	sshll.u32 s6, $0x4;
	s9 =	smul.u32 $0x14000, s2;
	_ =	strace $0x80000047  }
0xa: {  	s6 =	ssub.s32 $0x2, s6;
	s30 =	smul.u32 $0x50000, s2;
	s8 =	sor.u32 s2, s4  }
0xb: {  	s4 =	sadd.s32 $0x10E00, s5;
	s10 =	sshrl.u32 s6, $0x1;
	s8 =	smul.u32 $0x280, s8  }
0xc: {  	s7 =	sadd.s32 s9, s7;
	s13 =	ssub.s32 s6, s10;
	s31 =	sshrl.u32 s30, $0x2  }
0xd: {  	s7 =	sshrl.u32 s7, $0x3;
	s13 =	smax.u32 s13, $0x1;
	s8 =	sadd.s32 s8, s5  }
0xe: {  	s12 =	sadd.s32 s7, s5;
	s7 =	sadd.s32 s31, s1;
	s5 =	sadd.s32 $0x6E00, s8  }
0xf: {  	s6 =	sadd.s32 $0xBE00, s8;
	s8 =	sadd.s32 $0x4000, s7;
	s9 =	sadd.s32 $0x8000, s7  }
0x10: {  	v0 =	vimm.f32 $0.0e+00;
	s10 =	sadd.s32 $0xC000, s7;
	s11 =	sadd.s32 $0x10000, s7;
	s12 =	sadd.s32 $0x38E00, s12  }
.LBB2_1:
0x11: {  	[tilespmem:s3], [sflag:$0x5] =	stream.linear.gather [hbm4b:s5+s3], $0x1400, $0x38;
	[tilespmem:$0x1E800] =	vst v63  }
0x12: {  	_ =	swait.ge [sflag:s14], $0x1400  }
0x13: {  	[sflag:s14] =	ssyncset.done $0x0  }
0x14: {  	[sflag:s14] =	ssyncadd.s32 $0xFFFFEC00  }
0x15: {  	[tilespmem:s15], [sflag:$0x5] =	stream.linear.gather [hbm4b:s6+s3], $0x1400, $0x38;
	[tilespmem:$0x1E800] =	vst v63  }
0x16: {  	_ =	swait.ge [sflag:s14], $0x1400  }
0x17: {  	[sflag:s14] =	ssyncset.done $0x0  }
0x18: {  	s26 =	simm.s32 $0x0;
	s28 =	simm.s32 $0x200;
	[sflag:s14] =	ssyncadd.s32 $0xFFFFEC00  }
.LBB2_2:
0x19: {  	p0 =	sne.s32 s28, $0xFE00;
	[tilespmem:s26+$0x2870] =	vst v0  }
0x1a: {  	[tilespmem:s26+$0x2800] =	vst v0  }
0x1b: {  	[tilespmem:s26+$0x2810] =	vst v0  }
.Ltmp0:
0x1c: {  	[tilespmem:s26+$0x2820] =	vst v0;
	(pc) =	sbr.rel @p0 .LBB2_2-.Ltmp0, $4  }
0x1d: {  	[tilespmem:s26+$0x2830] =	vst v0  }
0x1e: {  	[tilespmem:s26+$0x2840] =	vst v0  }
0x1f: {  	[tilespmem:s26+$0x2850] =	vst v0  }
0x20: {  	[tilespmem:s26+$0x2860] =	vst v0;
	s26 =	sshra.s32 s28, $0x2;
	s28 =	sadd.s32 $0x200, s28  }
0x21: {  	[tilespmem:s26+$0x2870] =	vst v0  }
0x22: {  	[tilespmem:s26+$0x2800] =	vst v0  }
0x23: {  	[tilespmem:s26+$0x2810] =	vst v0  }
0x24: {  	[tilespmem:s26+$0x2820] =	vst v0  }
0x25: {  	[tilespmem:s26+$0x2830] =	vst v0  }
0x26: {  	[tilespmem:s26+$0x2840] =	vst v0  }
0x27: {  	[tilespmem:s26+$0x2850] =	vst v0  }
0x28: {  	[tilespmem:s26+$0x2860] =	vst v0  }
0x29: {  	[spmem:s7] =	stream.linear.scatter [tilespmem:s16], [sflag:$0x5], $0x4000, $0x38;
	[tilespmem:$0x1E800] =	vst v63  }
0x2a: {  	_ =	swait.ge [sflag:s14], $0x4000  }
0x2b: {  	[sflag:s14] =	ssyncset.done $0x0  }
0x2c: {  	[sflag:s14] =	ssyncadd.s32 $0xFFFFC000  }
0x2d: {  	[spmem:s8] =	stream.linear.scatter [tilespmem:s16], [sflag:$0x5], $0x4000, $0x38;
	[tilespmem:$0x1E800] =	vst v63  }
0x2e: {  	_ =	swait.ge [sflag:s14], $0x4000  }
0x2f: {  	[sflag:s14] =	ssyncset.done $0x0  }
0x30: {  	[sflag:s14] =	ssyncadd.s32 $0xFFFFC000  }
0x31: {  	[spmem:s9] =	stream.linear.scatter [tilespmem:s16], [sflag:$0x5], $0x4000, $0x38;
	[tilespmem:$0x1E800] =	vst v63  }
0x32: {  	_ =	swait.ge [sflag:s14], $0x4000  }
0x33: {  	[sflag:s14] =	ssyncset.done $0x0  }
0x34: {  	[sflag:s14] =	ssyncadd.s32 $0xFFFFC000  }
0x35: {  	[spmem:s10] =	stream.linear.scatter [tilespmem:s16], [sflag:$0x5], $0x4000, $0x38;
	[tilespmem:$0x1E800] =	vst v63  }
0x36: {  	_ =	swait.ge [sflag:s14], $0x4000  }
0x37: {  	[sflag:s14] =	ssyncset.done $0x0  }
0x38: {  	[sflag:s14] =	ssyncadd.s32 $0xFFFFC000  }
0x39: {  	[spmem:s11] =	stream.linear.scatter [tilespmem:s16], [sflag:$0x5], $0x4000, $0x38;
	[tilespmem:$0x1E800] =	vst v63  }
0x3a: {  	_ =	swait.ge [sflag:s14], $0x4000  }
0x3b: {  	[sflag:s14] =	ssyncset.done $0x0  }
0x3c: {  	[sflag:s14] =	ssyncadd.s32 $0xFFFFC000  }
0x3d: {  	s31 =	simm.s32 $0x0;
	[bflag:$0x0] =	sbarrier.arrive $0xFFFF  }
0x3e: {  	[tilespmem:s16], [sflag:$0x1] =	stream.indirect.gather [hbm4b:s4+s17], $0x80, s31, s17, $0xb8;
	[tilespmem:$0x1E800] =	vst v63  }
0x3f: {  	_ = 	snop  }
0x40: {  	[tilespmem:s18], [sflag:$0x2] =	stream.indirect.gather [hbm4b:s4+s17], $0x80, s17, s17, $0xb8;
	[tilespmem:$0x1E800] =	vst v63  }
0x41: {  	_ =	swait.ge [sflag:s19], $0x4000  }
0x42: {  	[sflag:s19] =	ssyncset.done $0x0  }
0x43: {  	s29 =	simm.s32 $0x1400;
	[sflag:s19] =	ssyncadd.s32 $0xFFFFC000  }
0x44: {  	[spmem:s1] =	stream.indirect.scatter.add.f32 [tilespmem:s16], [sflag:$0x3], $0x80, s29, s17, $0xb8;
	[tilespmem:$0x1E800] =	vst v63  }
0x45: {  	_ =	swait.ge [sflag:s20], $0x4000  }
0x46: {  	[sflag:s20] =	ssyncset.done $0x0  }
0x47: {  	s30 =	simm.s32 $0x1480;
	[sflag:s20] =	ssyncadd.s32 $0xFFFFC000  }
0x48: {  	[spmem:s1] =	stream.indirect.scatter.add.f32 [tilespmem:s18], [sflag:$0x4], $0x80, s30, s17, $0xb8;
	[tilespmem:$0x1E800] =	vst v63  }
0x49: {  	_ =	swait.ge [sflag:s21], $0x4000  }
0x4a: {  	[sflag:s21] =	ssyncset.done $0x0  }
0x4b: {  	s31 =	simm.s32 $0x100;
	[sflag:s21] =	ssyncadd.s32 $0xFFFFC000  }
0x4c: {  	[tilespmem:s16], [sflag:$0x1] =	stream.indirect.gather [hbm4b:s4+s17], $0x80, s31, s17, $0xb8;
	[tilespmem:$0x1E800] =	vst v63  }
0x4d: {  	_ =	swait.ge [sflag:s22], $0x4000  }
0x4e: {  	[sflag:s22] =	ssyncset.done $0x0  }
0x4f: {  	s26 =	simm.s32 $0x400;
	s28 =	simm.s32 $0x180;
	[sflag:s22] =	ssyncadd.s32 $0xFFFFC000  }
.LBB2_4:
0x50: {  	[tilespmem:s18], [sflag:$0x2] =	stream.indirect.gather [hbm4b:s4+s17], $0x80, s28, s17, $0xb8;
	[tilespmem:$0x1E800] =	vst v63  }
0x51: {  	s28 =	smov.u32 s26  }
0x52: {  	p0 =	sne.s32 s26, $0x4800;
	s26 =	sadd.s32 $0x400, s26;
	_ =	swait.ge [sflag:s19], $0x4000  }
0x53: {  	s28 =	sshra.s32 s28, $0x2;
	[sflag:s19] =	ssyncset.done $0x0  }
0x54: {  	s29 =	sadd.s32 $0x1400, s28;
	[sflag:s19] =	ssyncadd.s32 $0xFFFFC000  }
0x55: {  	[spmem:s1] =	stream.indirect.scatter.add.f32 [tilespmem:s16], [sflag:$0x3], $0x80, s29, s17, $0xb8;
	[tilespmem:$0x1E800] =	vst v63  }
0x56: {  	_ =	swait.ge [sflag:s20], $0x4000  }
0x57: {  	[sflag:s20] =	ssyncset.done $0x0  }
0x58: {  	s29 =	sadd.s32 $0x1480, s28;
	[sflag:s20] =	ssyncadd.s32 $0xFFFFC000  }
0x59: {  	[spmem:s1] =	stream.indirect.scatter.add.f32 [tilespmem:s18], [sflag:$0x4], $0x80, s29, s17, $0xb8;
	[tilespmem:$0x1E800] =	vst v63  }
0x5a: {  	_ =	swait.ge [sflag:s21], $0x4000  }
0x5b: {  	[sflag:s21] =	ssyncset.done $0x0  }
.Ltmp1:
0x5c: {  	s29 =	sadd.s32 $0x100, s28;
	[sflag:s21] =	ssyncadd.s32 $0xFFFFC000;
	(pc) =	sbr.rel @p0 .LBB2_4-.Ltmp1, $4  }
0x5d: {  	[tilespmem:s16], [sflag:$0x1] =	stream.indirect.gather [hbm4b:s4+s17], $0x80, s29, s17, $0xb8;
	[tilespmem:$0x1E800] =	vst v63  }
0x5e: {  	_ =	swait.ge [sflag:s22], $0x4000  }
0x5f: {  	[sflag:s22] =	ssyncset.done $0x0  }
0x60: {  	s28 =	sadd.s32 $0x180, s28;
	[sflag:s22] =	ssyncadd.s32 $0xFFFFC000  }
0x61: {  	[tilespmem:s18], [sflag:$0x2] =	stream.indirect.gather [hbm4b:s4+s17], $0x80, s28, s17, $0xb8;
	[tilespmem:$0x1E800] =	vst v63  }
0x62: {  	_ =	swait.ge [sflag:s19], $0x4000  }
0x63: {  	[sflag:s19] =	ssyncset.done $0x0  }
0x64: {  	[sflag:s19] =	ssyncadd.s32 $0xFFFFC000  }
0x65: {  	[spmem:s1] =	stream.indirect.scatter.add.f32 [tilespmem:s16], [sflag:$0x3], $0x80, s23, s17, $0xb8;
	[tilespmem:$0x1E800] =	vst v63  }
0x66: {  	_ =	swait.ge [sflag:s20], $0x4000  }
0x67: {  	[sflag:s20] =	ssyncset.done $0x0  }
0x68: {  	[sflag:s20] =	ssyncadd.s32 $0xFFFFC000  }
0x69: {  	[spmem:s1] =	stream.indirect.scatter.add.f32 [tilespmem:s18], [sflag:$0x4], $0x80, s24, s17, $0xb8;
	[tilespmem:$0x1E800] =	vst v63  }
0x6a: {  	_ =	swait.ge [sflag:s21], $0x4000  }
0x6b: {  	[sflag:s21] =	ssyncset.done $0x0  }
0x6c: {  	[sflag:s21] =	ssyncadd.s32 $0xFFFFC000  }
0x6d: {  	_ =	swait.ge [sflag:s22], $0x4000  }
0x6e: {  	s26 =	sshll.u32 s2, $0x6;
	s25 =	sadd.s32 $0x1, s25;
	[sflag:s22] =	ssyncset.done $0x0  }
0x6f: {  	s31 =	sshrl.u32 s7, $0x3;
	p0 =	sne.s32 s25, s13;
	[sflag:s22] =	ssyncadd.s32 $0xFFFFC000  }
.Ltmp2:
0x70: {  	s26 =	sor.u32 $0x1C05, s26;
	[bflag:$0x0] =	sbarrier.arrive $0xFFFF;
	(pc) =	sbr.rel @p0 .LBB2_1-.Ltmp2, $4  }
0x71: {  	[hbm:s12], [sflag:s26] =	dma.local [spmem:s31], $0x2800  }
0x72: {  	_ =	swait.ge [sflag:s14], $0x2800  }
0x73: {  	[sflag:s14] =	ssyncset.done $0x0  }
0x74: {  	[sflag:s14] =	ssyncadd.s32 $0xFFFFD800  }
0x75: {  	_ =	sfence.sel $0x180000  }
0x76: {  	[bflag:$0x0] =	sbarrier.arrive $0xFFFF  }
0x77: {  	p0 =	sne.s32 s2, $0x0;
	_ =	strace $0x90000047  }
0x78: {  	s0 =	sadd.s32 @!p0 $0x100000, s0;
	[bflag:$0x2] =	sbarrier.arrive $0xFFFF  }
0x79: {  	[sflag:s0] =	ssyncadd.tile.s32 @!p0 $0x1;
	_ =	shalt  }
.Lfunc_end2:
_tile_overlayer_lowered:
.L_overlay_start_2:
0x7a: {  	(tag) =	ssettag $0x2  }
0x7b: {  	s0 =	rddreg [dreg:$0x0];
	s2 =	stileid.u32  }
0x7c: {  	s1 =	rddreg [dreg:$0x1];
	p0 =	sne.s32 s2, $0x0  }
0x7d: {  	s3 =	rddreg [dreg:$0x2];
	[bflag:$0x3] =	sbarrier.arrive $0xFFFF;
	s2 =	simm.s32 @!p0 $0x1C05  }
0x7e: {  	[timem:s3], [sflag:s2] =	dma.local @!p0 [hbm:s0], s1  }
0x7f: {  	s0 =	simm.s32 @!p0 $0x5  }
0x80: {  	_ =	swait.ge @!p0 [sflag:s0], s1  }
0x81: {  	s1 =	ssub.s32 @!p0 $0x0, s1;
	[sflag:s0] =	ssyncset.done @!p0 $0x0  }
0x82: {  	[sflag:s0] =	ssyncadd.s32 @!p0 s1  }
0x83: {  	[bflag:$0x3] =	sbarrier.arrive $0xFFFF  }
0x84: {  	_ =	shalt  }

// kernel: kernel.16.cloned.1.call-start
scs
__scs_entry_jumppad:
0x0: {  	(pc) =	sbr.rel $0x88, $3  }
0x1: {  	(tag) =	ssettag $0x0;
	lr =	simm.s32 $0x1  }
0x2: {  	[smem:$0x3F7C] =	sst lr;
	_ =	strace $0xD0000000  }
0x3: {  	_ = 	snop  }
0x4: {  	_ = 	snop  }
0x5: {  	_ = 	snop  }
0x6: {  	_ = 	snop  }
0x7: {  	_ = 	snop  }
__scs_overlays_trampoline_lowered:
0x8: {  	[smem:$0x3F8B] =	sst s0  }
0x9: {  	[smem:$0x3F8C] =	sst s1  }
0xa: {  	[smem:$0x3F8D] =	sst s2  }
0xb: {  	[smem:$0x3F8E] =	sst s3  }
0xc: {  	[smem:$0x3F8F] =	sst s4  }
0xd: {  	[smem:$0x3F90] =	sst s5  }
0xe: {  	[smem:$0x3F91] =	sst s6  }
0xf: {  	[smem:$0x3F92] =	sst s7  }
0x10: {  	[smem:$0x3F93] =	sst s8  }
0x11: {  	[smem:$0x3F94] =	sst s9;
	s0 =	simm.s32 @!p0 $0x0  }
0x12: {  	s1 =	sld [smem:$0x3F7A];
	s0 =	simm.s32 @p0 $0x1  }
0x13: {  	[smem:$0x3F95] =	sst s0;
	s0 =	simm.s32 @!p1 $0x0  }
0x14: {  	s2 =	sld [smem:$0x3F79];
	s0 =	simm.s32 @p1 $0x1  }
0x15: {  	[smem:$0x3F96] =	sst s0;
	s0 =	simm.s32 @!p2 $0x0  }
0x16: {  	s3 =	sld [smem:$0x3FDB];
	s0 =	simm.s32 @p2 $0x1  }
0x17: {  	s4 =	simm.s32 $0x1BF5;
	[smem:$0x3F98] =	sst s0  }
0x18: {  	s0 =	sld [smem:$0x3F7B];
	_ =	swait.ge [sflag:s4], $0x0  }
0x19: {  	s7 =	sld [smem:$0x3F7C]  }
0x1a: {  	s8 =	sadd.s32 $0xFFFFE003, lr  }
0x1b: {  	s9 =	sadd.s32 $0xFFFFFEF7, lr;
	s5 =	simm.s32 $0xFFFFFFFF;
	p2 =	slt.u32 s8, $0xFFFFF086  }
0x1c: {  	p1 =	slt.u32 s9, $0xF7A;
	s5 =	simm.s32 @!p2 $0x0  }
0x1d: {  	s5 =	simm.s32 @p1 $0x1;
	p0 =	seq.s32 s7, s2  }
0x1e: {  	s7 =	smul.u32 @!p0 $0xF7A, s2;
	p2 =	seq.s32 @!p0 s5, $0x0  }
0x1f: {  	s9 =	smul.u32 $0xF7A, s1;
	s8 =	simm.s32 @!p0 $0x1BF5;
	p2 =	por !p2, p0  }
0x20: {  	[sflag:s8] =	ssyncset.s32 @!p0 $0xFFFFF086;
	s6 =	sadd.s32 @!p0 s3, s7;
	s7 =	simm.s32 @!p0 $0x108  }
0x21: {  	s3 =	sadd.s32 s3, s9;
	s6 =	sadd.s32 @!p0 $0x88, s6;
	s7 =	simm.s32 @p2 $0x1082  }
0x22: {  	[simem:s7], [sflag:s8] =	dma.local @!p0 [hbm:s6], $0xF7A  }
0x23: {  	s9 =	sor.u32 $0xD0000000, s2;
	s6 =	simm.s32 $0x108;
	_ =	swait.ge @!p0 [sflag:s8], $0x0  }
0x24: {  	s3 =	sadd.s32 $0x88, s3;
	s6 =	simm.s32 @!p1 $0x1082;
	[sflag:s4] =	ssyncset.s32 $0xFFFFF086  }
0x25: {  	[simem:s6], [sflag:s4] =	dma.local [hbm:s3], $0xF7A  }
0x26: {  	[smem:$0x3F7C] =	sst s1;
	(tag) =	ssettag s2;
	_ =	strace s9  }
0x27: {  	s1 =	sld [smem:$0x3F8C]  }
0x28: {  	s2 =	sld [smem:$0x3F8D]  }
0x29: {  	s4 =	sld [smem:$0x3F8F]  }
0x2a: {  	p0 =	seq.s32 s5, $0x0;
	s5 =	sld [smem:$0x3F90]  }
0x2b: {  	s6 =	sld [smem:$0x3F91]  }
0x2c: {  	s7 =	sld [smem:$0x3F92]  }
0x2d: {  	s3 =	simm.s32 $0x108;
	s8 =	sld [smem:$0x3F93]  }
0x2e: {  	s3 =	simm.s32 @!p0 $0x1082;
	s9 =	sld [smem:$0x3F94]  }
0x2f: {  	lr =	sadd.s32 s0, s3;
	s0 =	sld [smem:$0x3F8B]  }
0x30: {  	s3 =	sld [smem:$0x3F8E]  }
0x31: {  	[smem:$0x3F97] =	sst s10  }
0x32: {  	s10 =	sld [smem:$0x3F95];
	_ =	sdelay $0x3  }
0x33: {  	p0 =	seq.s32 s10, $0x1;
	s10 =	sld [smem:$0x3F97];
	_ =	sdelay $0x3  }
0x34: {  	[smem:$0x3F97] =	sst s10  }
0x35: {  	s10 =	sld [smem:$0x3F96];
	_ =	sdelay $0x3  }
0x36: {  	p1 =	seq.s32 s10, $0x1;
	s10 =	sld [smem:$0x3F97];
	_ =	sdelay $0x3  }
0x37: {  	[smem:$0x3F97] =	sst s10  }
0x38: {  	s10 =	sld [smem:$0x3F98]  }
0x39: {  	_ = 	snop;
	(pc) =	sbr.ind lr, $3  }
0x3a: {  	_ = 	snop  }
0x3b: {  	_ = 	snop  }
0x3c: {  	p2 =	seq.s32 s10, $0x1;
	s10 =	sld [smem:$0x3F97]  }
0x3d: {  	_ =	shalt  }
0x3e: {  	_ =	shalt  }
0x3f: {  	_ =	shalt  }
0x40: {  	_ =	shalt  }
0x41: {  	_ =	shalt  }
0x42: {  	_ =	shalt  }
0x43: {  	_ =	shalt  }
0x44: {  	_ =	shalt  }
0x45: {  	_ =	shalt  }
0x46: {  	_ =	shalt  }
0x47: {  	_ =	shalt  }
0x48: {  	_ =	shalt  }
0x49: {  	_ =	shalt  }
0x4a: {  	_ =	shalt  }
0x4b: {  	_ =	shalt  }
0x4c: {  	_ =	shalt  }
0x4d: {  	_ =	shalt  }
0x4e: {  	_ =	shalt  }
0x4f: {  	_ =	shalt  }
0x50: {  	_ =	shalt  }
0x51: {  	_ =	shalt  }
0x52: {  	_ =	shalt  }
0x53: {  	_ =	shalt  }
0x54: {  	_ =	shalt  }
0x55: {  	_ =	shalt  }
0x56: {  	_ =	shalt  }
0x57: {  	_ =	shalt  }
0x58: {  	_ =	shalt  }
0x59: {  	_ =	shalt  }
0x5a: {  	_ =	shalt  }
0x5b: {  	_ =	shalt  }
0x5c: {  	_ =	shalt  }
0x5d: {  	_ =	shalt  }
0x5e: {  	_ =	shalt  }
0x5f: {  	_ =	shalt  }
0x60: {  	_ =	shalt  }
0x61: {  	_ =	shalt  }
0x62: {  	_ =	shalt  }
0x63: {  	_ =	shalt  }
0x64: {  	_ =	shalt  }
0x65: {  	_ =	shalt  }
0x66: {  	_ =	shalt  }
0x67: {  	_ =	shalt  }
0x68: {  	_ =	shalt  }
0x69: {  	_ =	shalt  }
0x6a: {  	_ =	shalt  }
0x6b: {  	_ =	shalt  }
0x6c: {  	_ =	shalt  }
0x6d: {  	_ =	shalt  }
0x6e: {  	_ =	shalt  }
0x6f: {  	_ =	shalt  }
0x70: {  	_ =	shalt  }
0x71: {  	_ =	shalt  }
0x72: {  	_ =	shalt  }
0x73: {  	_ =	shalt  }
0x74: {  	_ =	shalt  }
0x75: {  	_ =	shalt  }
0x76: {  	_ =	shalt  }
0x77: {  	_ =	shalt  }
0x78: {  	_ =	shalt  }
0x79: {  	_ =	shalt  }
0x7a: {  	_ =	shalt  }
0x7b: {  	_ =	shalt  }
0x7c: {  	_ =	shalt  }
0x7d: {  	_ =	shalt  }
0x7e: {  	_ =	shalt  }
0x7f: {  	_ =	shalt  }
0x80: {  	_ =	shalt  }
0x81: {  	_ =	shalt  }
0x82: {  	_ =	shalt  }
0x83: {  	_ =	shalt  }
0x84: {  	_ =	shalt  }
0x85: {  	_ =	shalt  }
0x86: {  	_ =	shalt  }
0x87: {  	_ =	shalt  }
.Lfunc_end0:
.L_simem_size_0:
called_computation.1_lowered:
.L_overlay_start_0:
0x88: {  	s2 =	sld [smem:$0x3FD9]  }
0x89: {  	s3 =	sld [smem:$0x3FFE];
	_ =	sdelay $0x1  }
0x8a: {  	s1 =	srdreg.scid  }
0x8b: {  	s0 =	sand.u32 $0x1, s1  }
0x8c: {  	s16 =	sshll.u32 s0, $0xA;
	s2 =	sadd.s32 s3, s2  }
0x8d: {  	s2 =	sadd.s32 s2, s16  }
0x8e: {  	[smem:$0x3FA3] =	sst s2  }
0x8f: {  	_ = 	snop  }
0x90: {  	(tm) =	ssettm $0x1  }
0x91: {  	s17 =	sld [smem:$0x3FFB];
	_ =	sdelay $0x3  }
0x92: {  	_ =	strace s17  }
0x93: {  	s2 =	sld [smem:$0x3FFC];
	_ =	sdelay $0x3  }
0x94: {  	_ =	strace s2  }
0x95: {  	s2 =	sld [smem:$0x3FFD];
	_ =	sdelay $0x3  }
0x96: {  	_ =	strace s2  }
0x97: {  	_ =	strace $0x8FFFFFFF  }
0x98: {  	s18 =	sld [smem:$0x3FDB];
	_ =	sdelay $0x1  }
0x99: {  	s19 =	simm.s32 $_scs_section_size  }
0x9a: {  	s4 =	simm.s32 $_size__tile_overlayer_lowered;
	s5 =	simm.s32 $_tile_overlayer_lowered  }
0x9b: {  	s22 =	simm.s32 $0x1BFF;
	s21 =	sshll.u32 s5, $0x1;
	s2 =	sadd.s32 s19, s18  }
0x9c: {  	s6 =	simm.s32 $0x0;
	s20 =	sshll.u32 s4, $0x1;
	s4 =	sadd.s32 s21, s2  }
0x9d: {  	[timem:s6], [sflag:s22] =	dma.local [hbm:s4], s20  }
0x9e: {  	_ =	swait.ge [sflag:s22], s20  }
0x9f: {  	s3 =	ssub.s32 $0x0, s20;
	[sflag:s22] =	ssyncset.done $0x0  }
0xa0: {  	[sflag:s22] =	ssyncadd.s32 s3;
	_ =	sdelay $0x1  }
0xa1: {  	s23 =	simm.s32 $0x1B8B  }
0xa2: {  	_ =	swait.ge [sflag:s23], $0x1  }
0xa3: {  	[sflag:s23] =	ssyncset.done $0x0  }
0xa4: {  	s25 =	simm.s32 $0x1B8E;
	s24 =	sld [smem:$0x3FFE];
	[sflag:s23] =	ssyncadd.s32 $0xFFFFFFFF  }
0xa5: {  	s26 =	simm.s32 $execute0_lowered;
	[smem:$0x3FD2] =	sst s25  }
0xa6: {  	s4 =	sshll.u32 s26, $0x1;
	_ =	strace $0x80000049;
	[dreg:$0x1] =	wrdreg $0xFFFFFFFF  }
0xa7: {  	s28 =	simm.s32 $_size_execute0_lowered;
	s2 =	sadd.s32 s2, s4;
	[dreg:$0x0] =	wrdreg $0x0  }
0xa8: {  	s4 =	sshll.u32 s28, $0x1;
	[dreg:$0x2] =	wrdreg s2  }
0xa9: {  	[dreg:$0x3] =	wrdreg s4  }
0xaa: {  	[dreg:$0x4] =	wrdreg $0xC0  }
0xab: {  	_ =	task [dreg:s6], $0x5FFFF  }
0xac: {  	[dreg:$0x1] =	wrdreg $0xFFFFFFFF  }
0xad: {  	[dreg:$0x0] =	wrdreg $0x60  }
0xae: {  	[dreg:$0x2] =	wrdreg s24  }
0xaf: {  	[dreg:$0x3] =	wrdreg $0xA8000  }
0xb0: {  	[dreg:$0x4] =	wrdreg $0x9  }
0xb1: {  	_ =	task.clear_ibuf [dreg:s6], $0x5FFFF;
	_ =	strace $0x90000049  }
0xb2: {  	s29 =	simm.s32 $0x9;
	_ =	strace $0x8000004B  }
0xb3: {  	_ =	swait.ge [sflag:s29], $0x1  }
0xb4: {  	[sflag:s29] =	ssyncadd.s32 $0xFFFFFFFF  }
0xb5: {  	_ =	strace $0x9000004B  }
0xb6: {  	_ =	sfence  }
0xb7: {  	s30 =	sld [smem:$0x0];
	_ =	sdelay $0x2  }
0xb8: {  	s31 =	sshll.u32 s1, $0xD;
	s1 =	sshrl.u32 s1, $0x2  }
0xb9: {  	s3 =	sand.u32 $0x4000, s31;
	s1 =	sadd.s32 s1, s30  }
0xba: {  	s0 =	sor.u32 s3, s0;
	s1 =	sshll.u32 s1, $0x11  }
0xbb: {  	s0 =	sor.u32 s1, s0  }
0xbc: {  	s0 =	sadd.s32 $0x8F2B, s0  }
0xbd: {  	[sflag:s0] =	ssyncadd.remote.s32 $0x1  }
0xbe: {  	_ =	sfence.sel $0xFFFF  }
0xbf: {  	[dreg:$0x0] =	wrdreg $0xFFFFFFFF;
	(pc) =	sbr.abs _section_cstart, $3  }
0xc0: {  	[dreg:$0x1] =	wrdreg $0xFFFFFFFF  }
0xc1: {  	_ =	task.clear_ibuf [dreg:s6], $0x2FFFF;
	_ =	strace $0x9FFFFFFF  }
0xc2: {  	(tm) =	ssettm $0x7FFFFFFF  }
0xc3: {  	_ =	shalt  }
tec
execute0_lowered:
.L_overlay_start_1:
0x0: {  	(tag) =	ssettag $0x1  }
0x1: {  	s5 =	rddreg [dreg:$0x0]  }
0x2: {  	s1 =	rddreg [dreg:$0x1];
	s2 =	srdreg.scid  }
0x3: {  	s0 =	rddreg [dreg:$0x2];
	s3 =	simm.s32 $0x0;
	s14 =	simm.s32 $0x5  }
0x4: {  	s15 =	simm.s32 $0x1400;
	s16 =	simm.s32 $0x2800;
	s17 =	simm.s32 $0x80  }
0x5: {  	s18 =	simm.s32 $0x6800;
	s19 =	simm.s32 $0x1;
	s20 =	simm.s32 $0x2  }
0x6: {  	s21 =	simm.s32 $0x3;
	s22 =	simm.s32 $0x4;
	s23 =	simm.s32 $0x2700  }
0x7: {  	s24 =	simm.s32 $0x2780;
	s6 =	sand.u32 $0x1, s2;
	s2 =	stileid.u32  }
0x8: {  	s25 =	simm.s32 $0x0;
	[smem:$0x7FF] =	sst s3;
	s7 =	smul.u32 $0x140000, s6  }
0x9: {  	s4 =	sshll.u32 s6, $0x4;
	s9 =	smul.u32 $0x14000, s2;
	_ =	strace $0x8000004A  }
0xa: {  	s6 =	ssub.s32 $0x2, s6;
	s30 =	smul.u32 $0x50000, s2;
	s8 =	sor.u32 s2, s4  }
0xb: {  	s4 =	sadd.s32 $0x10E00, s5;
	s10 =	sshrl.u32 s6, $0x1;
	s8 =	smul.u32 $0x280, s8  }
0xc: {  	s7 =	sadd.s32 s9, s7;
	s13 =	ssub.s32 s6, s10;
	s31 =	sshrl.u32 s30, $0x2  }
0xd: {  	s7 =	sshrl.u32 s7, $0x3;
	s13 =	smax.u32 s13, $0x1;
	s8 =	sadd.s32 s8, s5  }
0xe: {  	s12 =	sadd.s32 s7, s5;
	s7 =	sadd.s32 s31, s1;
	s5 =	sadd.s32 $0x6E00, s8  }
0xf: {  	s6 =	sadd.s32 $0xBE00, s8;
	s8 =	sadd.s32 $0x4000, s7;
	s9 =	sadd.s32 $0x8000, s7  }
0x10: {  	v0 =	vimm.f32 $0.0e+00;
	s10 =	sadd.s32 $0xC000, s7;
	s11 =	sadd.s32 $0x10000, s7;
	s12 =	sadd.s32 $0x38E00, s12  }
.LBB2_1:
0x11: {  	[tilespmem:s3], [sflag:$0x5] =	stream.linear.gather [hbm4b:s5+s3], $0x1400, $0x38;
	[tilespmem:$0x1E800] =	vst v63  }
0x12: {  	_ =	swait.ge [sflag:s14], $0x1400  }
0x13: {  	[sflag:s14] =	ssyncset.done $0x0  }
0x14: {  	[sflag:s14] =	ssyncadd.s32 $0xFFFFEC00  }
0x15: {  	[tilespmem:s15], [sflag:$0x5] =	stream.linear.gather [hbm4b:s6+s3], $0x1400, $0x38;
	[tilespmem:$0x1E800] =	vst v63  }
0x16: {  	_ =	swait.ge [sflag:s14], $0x1400  }
0x17: {  	[sflag:s14] =	ssyncset.done $0x0  }
0x18: {  	s26 =	simm.s32 $0x0;
	s28 =	simm.s32 $0x200;
	[sflag:s14] =	ssyncadd.s32 $0xFFFFEC00  }
.LBB2_2:
0x19: {  	p0 =	sne.s32 s28, $0xFE00;
	[tilespmem:s26+$0x2870] =	vst v0  }
0x1a: {  	[tilespmem:s26+$0x2800] =	vst v0  }
0x1b: {  	[tilespmem:s26+$0x2810] =	vst v0  }
.Ltmp0:
0x1c: {  	[tilespmem:s26+$0x2820] =	vst v0;
	(pc) =	sbr.rel @p0 .LBB2_2-.Ltmp0, $4  }
0x1d: {  	[tilespmem:s26+$0x2830] =	vst v0  }
0x1e: {  	[tilespmem:s26+$0x2840] =	vst v0  }
0x1f: {  	[tilespmem:s26+$0x2850] =	vst v0  }
0x20: {  	[tilespmem:s26+$0x2860] =	vst v0;
	s26 =	sshra.s32 s28, $0x2;
	s28 =	sadd.s32 $0x200, s28  }
0x21: {  	[tilespmem:s26+$0x2870] =	vst v0  }
0x22: {  	[tilespmem:s26+$0x2800] =	vst v0  }
0x23: {  	[tilespmem:s26+$0x2810] =	vst v0  }
0x24: {  	[tilespmem:s26+$0x2820] =	vst v0  }
0x25: {  	[tilespmem:s26+$0x2830] =	vst v0  }
0x26: {  	[tilespmem:s26+$0x2840] =	vst v0  }
0x27: {  	[tilespmem:s26+$0x2850] =	vst v0  }
0x28: {  	[tilespmem:s26+$0x2860] =	vst v0  }
0x29: {  	[spmem:s7] =	stream.linear.scatter [tilespmem:s16], [sflag:$0x5], $0x4000, $0x38;
	[tilespmem:$0x1E800] =	vst v63  }
0x2a: {  	_ =	swait.ge [sflag:s14], $0x4000  }
0x2b: {  	[sflag:s14] =	ssyncset.done $0x0  }
0x2c: {  	[sflag:s14] =	ssyncadd.s32 $0xFFFFC000  }
0x2d: {  	[spmem:s8] =	stream.linear.scatter [tilespmem:s16], [sflag:$0x5], $0x4000, $0x38;
	[tilespmem:$0x1E800] =	vst v63  }
0x2e: {  	_ =	swait.ge [sflag:s14], $0x4000  }
0x2f: {  	[sflag:s14] =	ssyncset.done $0x0  }
0x30: {  	[sflag:s14] =	ssyncadd.s32 $0xFFFFC000  }
0x31: {  	[spmem:s9] =	stream.linear.scatter [tilespmem:s16], [sflag:$0x5], $0x4000, $0x38;
	[tilespmem:$0x1E800] =	vst v63  }
0x32: {  	_ =	swait.ge [sflag:s14], $0x4000  }
0x33: {  	[sflag:s14] =	ssyncset.done $0x0  }
0x34: {  	[sflag:s14] =	ssyncadd.s32 $0xFFFFC000  }
0x35: {  	[spmem:s10] =	stream.linear.scatter [tilespmem:s16], [sflag:$0x5], $0x4000, $0x38;
	[tilespmem:$0x1E800] =	vst v63  }
0x36: {  	_ =	swait.ge [sflag:s14], $0x4000  }
0x37: {  	[sflag:s14] =	ssyncset.done $0x0  }
0x38: {  	[sflag:s14] =	ssyncadd.s32 $0xFFFFC000  }
0x39: {  	[spmem:s11] =	stream.linear.scatter [tilespmem:s16], [sflag:$0x5], $0x4000, $0x38;
	[tilespmem:$0x1E800] =	vst v63  }
0x3a: {  	_ =	swait.ge [sflag:s14], $0x4000  }
0x3b: {  	[sflag:s14] =	ssyncset.done $0x0  }
0x3c: {  	[sflag:s14] =	ssyncadd.s32 $0xFFFFC000  }
0x3d: {  	s31 =	simm.s32 $0x0;
	[bflag:$0x0] =	sbarrier.arrive $0xFFFF  }
0x3e: {  	[tilespmem:s16], [sflag:$0x1] =	stream.indirect.gather [hbm4b:s4+s17], $0x80, s31, s17, $0xb8;
	[tilespmem:$0x1E800] =	vst v63  }
0x3f: {  	_ = 	snop  }
0x40: {  	[tilespmem:s18], [sflag:$0x2] =	stream.indirect.gather [hbm4b:s4+s17], $0x80, s17, s17, $0xb8;
	[tilespmem:$0x1E800] =	vst v63  }
0x41: {  	_ =	swait.ge [sflag:s19], $0x4000  }
0x42: {  	[sflag:s19] =	ssyncset.done $0x0  }
0x43: {  	s29 =	simm.s32 $0x1400;
	[sflag:s19] =	ssyncadd.s32 $0xFFFFC000  }
0x44: {  	[spmem:s1] =	stream.indirect.scatter.add.f32 [tilespmem:s16], [sflag:$0x3], $0x80, s29, s17, $0xb8;
	[tilespmem:$0x1E800] =	vst v63  }
0x45: {  	_ =	swait.ge [sflag:s20], $0x4000  }
0x46: {  	[sflag:s20] =	ssyncset.done $0x0  }
0x47: {  	s30 =	simm.s32 $0x1480;
	[sflag:s20] =	ssyncadd.s32 $0xFFFFC000  }
0x48: {  	[spmem:s1] =	stream.indirect.scatter.add.f32 [tilespmem:s18], [sflag:$0x4], $0x80, s30, s17, $0xb8;
	[tilespmem:$0x1E800] =	vst v63  }
0x49: {  	_ =	swait.ge [sflag:s21], $0x4000  }
0x4a: {  	[sflag:s21] =	ssyncset.done $0x0  }
0x4b: {  	s31 =	simm.s32 $0x100;
	[sflag:s21] =	ssyncadd.s32 $0xFFFFC000  }
0x4c: {  	[tilespmem:s16], [sflag:$0x1] =	stream.indirect.gather [hbm4b:s4+s17], $0x80, s31, s17, $0xb8;
	[tilespmem:$0x1E800] =	vst v63  }
0x4d: {  	_ =	swait.ge [sflag:s22], $0x4000  }
0x4e: {  	[sflag:s22] =	ssyncset.done $0x0  }
0x4f: {  	s26 =	simm.s32 $0x400;
	s28 =	simm.s32 $0x180;
	[sflag:s22] =	ssyncadd.s32 $0xFFFFC000  }
.LBB2_4:
0x50: {  	[tilespmem:s18], [sflag:$0x2] =	stream.indirect.gather [hbm4b:s4+s17], $0x80, s28, s17, $0xb8;
	[tilespmem:$0x1E800] =	vst v63  }
0x51: {  	s28 =	smov.u32 s26  }
0x52: {  	p0 =	sne.s32 s26, $0x4800;
	s26 =	sadd.s32 $0x400, s26;
	_ =	swait.ge [sflag:s19], $0x4000  }
0x53: {  	s28 =	sshra.s32 s28, $0x2;
	[sflag:s19] =	ssyncset.done $0x0  }
0x54: {  	s29 =	sadd.s32 $0x1400, s28;
	[sflag:s19] =	ssyncadd.s32 $0xFFFFC000  }
0x55: {  	[spmem:s1] =	stream.indirect.scatter.add.f32 [tilespmem:s16], [sflag:$0x3], $0x80, s29, s17, $0xb8;
	[tilespmem:$0x1E800] =	vst v63  }
0x56: {  	_ =	swait.ge [sflag:s20], $0x4000  }
0x57: {  	[sflag:s20] =	ssyncset.done $0x0  }
0x58: {  	s29 =	sadd.s32 $0x1480, s28;
	[sflag:s20] =	ssyncadd.s32 $0xFFFFC000  }
0x59: {  	[spmem:s1] =	stream.indirect.scatter.add.f32 [tilespmem:s18], [sflag:$0x4], $0x80, s29, s17, $0xb8;
	[tilespmem:$0x1E800] =	vst v63  }
0x5a: {  	_ =	swait.ge [sflag:s21], $0x4000  }
0x5b: {  	[sflag:s21] =	ssyncset.done $0x0  }
.Ltmp1:
0x5c: {  	s29 =	sadd.s32 $0x100, s28;
	[sflag:s21] =	ssyncadd.s32 $0xFFFFC000;
	(pc) =	sbr.rel @p0 .LBB2_4-.Ltmp1, $4  }
0x5d: {  	[tilespmem:s16], [sflag:$0x1] =	stream.indirect.gather [hbm4b:s4+s17], $0x80, s29, s17, $0xb8;
	[tilespmem:$0x1E800] =	vst v63  }
0x5e: {  	_ =	swait.ge [sflag:s22], $0x4000  }
0x5f: {  	[sflag:s22] =	ssyncset.done $0x0  }
0x60: {  	s28 =	sadd.s32 $0x180, s28;
	[sflag:s22] =	ssyncadd.s32 $0xFFFFC000  }
0x61: {  	[tilespmem:s18], [sflag:$0x2] =	stream.indirect.gather [hbm4b:s4+s17], $0x80, s28, s17, $0xb8;
	[tilespmem:$0x1E800] =	vst v63  }
0x62: {  	_ =	swait.ge [sflag:s19], $0x4000  }
0x63: {  	[sflag:s19] =	ssyncset.done $0x0  }
0x64: {  	[sflag:s19] =	ssyncadd.s32 $0xFFFFC000  }
0x65: {  	[spmem:s1] =	stream.indirect.scatter.add.f32 [tilespmem:s16], [sflag:$0x3], $0x80, s23, s17, $0xb8;
	[tilespmem:$0x1E800] =	vst v63  }
0x66: {  	_ =	swait.ge [sflag:s20], $0x4000  }
0x67: {  	[sflag:s20] =	ssyncset.done $0x0  }
0x68: {  	[sflag:s20] =	ssyncadd.s32 $0xFFFFC000  }
0x69: {  	[spmem:s1] =	stream.indirect.scatter.add.f32 [tilespmem:s18], [sflag:$0x4], $0x80, s24, s17, $0xb8;
	[tilespmem:$0x1E800] =	vst v63  }
0x6a: {  	_ =	swait.ge [sflag:s21], $0x4000  }
0x6b: {  	[sflag:s21] =	ssyncset.done $0x0  }
0x6c: {  	[sflag:s21] =	ssyncadd.s32 $0xFFFFC000  }
0x6d: {  	_ =	swait.ge [sflag:s22], $0x4000  }
0x6e: {  	s26 =	sshll.u32 s2, $0x6;
	s25 =	sadd.s32 $0x1, s25;
	[sflag:s22] =	ssyncset.done $0x0  }
0x6f: {  	s31 =	sshrl.u32 s7, $0x3;
	p0 =	sne.s32 s25, s13;
	[sflag:s22] =	ssyncadd.s32 $0xFFFFC000  }
.Ltmp2:
0x70: {  	s26 =	sor.u32 $0x1C05, s26;
	[bflag:$0x0] =	sbarrier.arrive $0xFFFF;
	(pc) =	sbr.rel @p0 .LBB2_1-.Ltmp2, $4  }
0x71: {  	[hbm:s12], [sflag:s26] =	dma.local [spmem:s31], $0x2800  }
0x72: {  	_ =	swait.ge [sflag:s14], $0x2800  }
0x73: {  	[sflag:s14] =	ssyncset.done $0x0  }
0x74: {  	[sflag:s14] =	ssyncadd.s32 $0xFFFFD800  }
0x75: {  	_ =	sfence.sel $0x180000  }
0x76: {  	[bflag:$0x0] =	sbarrier.arrive $0xFFFF  }
0x77: {  	p0 =	sne.s32 s2, $0x0;
	_ =	strace $0x9000004A  }
0x78: {  	s0 =	sadd.s32 @!p0 $0x100000, s0;
	[bflag:$0x2] =	sbarrier.arrive $0xFFFF  }
0x79: {  	[sflag:s0] =	ssyncadd.tile.s32 @!p0 $0x1;
	_ =	shalt  }
.Lfunc_end2:
_tile_overlayer_lowered:
.L_overlay_start_2:
0x7a: {  	(tag) =	ssettag $0x2  }
0x7b: {  	s0 =	rddreg [dreg:$0x0];
	s2 =	stileid.u32  }
0x7c: {  	s1 =	rddreg [dreg:$0x1];
	p0 =	sne.s32 s2, $0x0  }
0x7d: {  	s3 =	rddreg [dreg:$0x2];
	[bflag:$0x3] =	sbarrier.arrive $0xFFFF;
	s2 =	simm.s32 @!p0 $0x1C05  }
0x7e: {  	[timem:s3], [sflag:s2] =	dma.local @!p0 [hbm:s0], s1  }
0x7f: {  	s0 =	simm.s32 @!p0 $0x5  }
0x80: {  	_ =	swait.ge @!p0 [sflag:s0], s1  }
0x81: {  	s1 =	ssub.s32 @!p0 $0x0, s1;
	[sflag:s0] =	ssyncset.done @!p0 $0x0  }
0x82: {  	[sflag:s0] =	ssyncadd.s32 @!p0 s1  }
0x83: {  	[bflag:$0x3] =	sbarrier.arrive $0xFFFF  }
0x84: {  	_ =	shalt  }

// kernel: kernel.19.cloned.1.call-start
scs
__scs_entry_jumppad:
0x0: {  	(pc) =	sbr.rel $0x88, $3  }
0x1: {  	(tag) =	ssettag $0x0;
	lr =	simm.s32 $0x1  }
0x2: {  	[smem:$0x3F7C] =	sst lr;
	_ =	strace $0xD0000000  }
0x3: {  	_ = 	snop  }
0x4: {  	_ = 	snop  }
0x5: {  	_ = 	snop  }
0x6: {  	_ = 	snop  }
0x7: {  	_ = 	snop  }
__scs_overlays_trampoline_lowered:
0x8: {  	[smem:$0x3F8B] =	sst s0  }
0x9: {  	[smem:$0x3F8C] =	sst s1  }
0xa: {  	[smem:$0x3F8D] =	sst s2  }
0xb: {  	[smem:$0x3F8E] =	sst s3  }
0xc: {  	[smem:$0x3F8F] =	sst s4  }
0xd: {  	[smem:$0x3F90] =	sst s5  }
0xe: {  	[smem:$0x3F91] =	sst s6  }
0xf: {  	[smem:$0x3F92] =	sst s7  }
0x10: {  	[smem:$0x3F93] =	sst s8  }
0x11: {  	[smem:$0x3F94] =	sst s9;
	s0 =	simm.s32 @!p0 $0x0  }
0x12: {  	s1 =	sld [smem:$0x3F7A];
	s0 =	simm.s32 @p0 $0x1  }
0x13: {  	[smem:$0x3F95] =	sst s0;
	s0 =	simm.s32 @!p1 $0x0  }
0x14: {  	s2 =	sld [smem:$0x3F79];
	s0 =	simm.s32 @p1 $0x1  }
0x15: {  	[smem:$0x3F96] =	sst s0;
	s0 =	simm.s32 @!p2 $0x0  }
0x16: {  	s3 =	sld [smem:$0x3FDB];
	s0 =	simm.s32 @p2 $0x1  }
0x17: {  	s4 =	simm.s32 $0x1BF5;
	[smem:$0x3F98] =	sst s0  }
0x18: {  	s0 =	sld [smem:$0x3F7B];
	_ =	swait.ge [sflag:s4], $0x0  }
0x19: {  	s7 =	sld [smem:$0x3F7C]  }
0x1a: {  	s8 =	sadd.s32 $0xFFFFE003, lr  }
0x1b: {  	s9 =	sadd.s32 $0xFFFFFEF7, lr;
	s5 =	simm.s32 $0xFFFFFFFF;
	p2 =	slt.u32 s8, $0xFFFFF086  }
0x1c: {  	p1 =	slt.u32 s9, $0xF7A;
	s5 =	simm.s32 @!p2 $0x0  }
0x1d: {  	s5 =	simm.s32 @p1 $0x1;
	p0 =	seq.s32 s7, s2  }
0x1e: {  	s7 =	smul.u32 @!p0 $0xF7A, s2;
	p2 =	seq.s32 @!p0 s5, $0x0  }
0x1f: {  	s9 =	smul.u32 $0xF7A, s1;
	s8 =	simm.s32 @!p0 $0x1BF5;
	p2 =	por !p2, p0  }
0x20: {  	[sflag:s8] =	ssyncset.s32 @!p0 $0xFFFFF086;
	s6 =	sadd.s32 @!p0 s3, s7;
	s7 =	simm.s32 @!p0 $0x108  }
0x21: {  	s3 =	sadd.s32 s3, s9;
	s6 =	sadd.s32 @!p0 $0x88, s6;
	s7 =	simm.s32 @p2 $0x1082  }
0x22: {  	[simem:s7], [sflag:s8] =	dma.local @!p0 [hbm:s6], $0xF7A  }
0x23: {  	s9 =	sor.u32 $0xD0000000, s2;
	s6 =	simm.s32 $0x108;
	_ =	swait.ge @!p0 [sflag:s8], $0x0  }
0x24: {  	s3 =	sadd.s32 $0x88, s3;
	s6 =	simm.s32 @!p1 $0x1082;
	[sflag:s4] =	ssyncset.s32 $0xFFFFF086  }
0x25: {  	[simem:s6], [sflag:s4] =	dma.local [hbm:s3], $0xF7A  }
0x26: {  	[smem:$0x3F7C] =	sst s1;
	(tag) =	ssettag s2;
	_ =	strace s9  }
0x27: {  	s1 =	sld [smem:$0x3F8C]  }
0x28: {  	s2 =	sld [smem:$0x3F8D]  }
0x29: {  	s4 =	sld [smem:$0x3F8F]  }
0x2a: {  	p0 =	seq.s32 s5, $0x0;
	s5 =	sld [smem:$0x3F90]  }
0x2b: {  	s6 =	sld [smem:$0x3F91]  }
0x2c: {  	s7 =	sld [smem:$0x3F92]  }
0x2d: {  	s3 =	simm.s32 $0x108;
	s8 =	sld [smem:$0x3F93]  }
0x2e: {  	s3 =	simm.s32 @!p0 $0x1082;
	s9 =	sld [smem:$0x3F94]  }
0x2f: {  	lr =	sadd.s32 s0, s3;
	s0 =	sld [smem:$0x3F8B]  }
0x30: {  	s3 =	sld [smem:$0x3F8E]  }
0x31: {  	[smem:$0x3F97] =	sst s10  }
0x32: {  	s10 =	sld [smem:$0x3F95];
	_ =	sdelay $0x3  }
0x33: {  	p0 =	seq.s32 s10, $0x1;
	s10 =	sld [smem:$0x3F97];
	_ =	sdelay $0x3  }
0x34: {  	[smem:$0x3F97] =	sst s10  }
0x35: {  	s10 =	sld [smem:$0x3F96];
	_ =	sdelay $0x3  }
0x36: {  	p1 =	seq.s32 s10, $0x1;
	s10 =	sld [smem:$0x3F97];
	_ =	sdelay $0x3  }
0x37: {  	[smem:$0x3F97] =	sst s10  }
0x38: {  	s10 =	sld [smem:$0x3F98]  }
0x39: {  	_ = 	snop;
	(pc) =	sbr.ind lr, $3  }
0x3a: {  	_ = 	snop  }
0x3b: {  	_ = 	snop  }
0x3c: {  	p2 =	seq.s32 s10, $0x1;
	s10 =	sld [smem:$0x3F97]  }
0x3d: {  	_ =	shalt  }
0x3e: {  	_ =	shalt  }
0x3f: {  	_ =	shalt  }
0x40: {  	_ =	shalt  }
0x41: {  	_ =	shalt  }
0x42: {  	_ =	shalt  }
0x43: {  	_ =	shalt  }
0x44: {  	_ =	shalt  }
0x45: {  	_ =	shalt  }
0x46: {  	_ =	shalt  }
0x47: {  	_ =	shalt  }
0x48: {  	_ =	shalt  }
0x49: {  	_ =	shalt  }
0x4a: {  	_ =	shalt  }
0x4b: {  	_ =	shalt  }
0x4c: {  	_ =	shalt  }
0x4d: {  	_ =	shalt  }
0x4e: {  	_ =	shalt  }
0x4f: {  	_ =	shalt  }
0x50: {  	_ =	shalt  }
0x51: {  	_ =	shalt  }
0x52: {  	_ =	shalt  }
0x53: {  	_ =	shalt  }
0x54: {  	_ =	shalt  }
0x55: {  	_ =	shalt  }
0x56: {  	_ =	shalt  }
0x57: {  	_ =	shalt  }
0x58: {  	_ =	shalt  }
0x59: {  	_ =	shalt  }
0x5a: {  	_ =	shalt  }
0x5b: {  	_ =	shalt  }
0x5c: {  	_ =	shalt  }
0x5d: {  	_ =	shalt  }
0x5e: {  	_ =	shalt  }
0x5f: {  	_ =	shalt  }
0x60: {  	_ =	shalt  }
0x61: {  	_ =	shalt  }
0x62: {  	_ =	shalt  }
0x63: {  	_ =	shalt  }
0x64: {  	_ =	shalt  }
0x65: {  	_ =	shalt  }
0x66: {  	_ =	shalt  }
0x67: {  	_ =	shalt  }
0x68: {  	_ =	shalt  }
0x69: {  	_ =	shalt  }
0x6a: {  	_ =	shalt  }
0x6b: {  	_ =	shalt  }
0x6c: {  	_ =	shalt  }
0x6d: {  	_ =	shalt  }
0x6e: {  	_ =	shalt  }
0x6f: {  	_ =	shalt  }
0x70: {  	_ =	shalt  }
0x71: {  	_ =	shalt  }
0x72: {  	_ =	shalt  }
0x73: {  	_ =	shalt  }
0x74: {  	_ =	shalt  }
0x75: {  	_ =	shalt  }
0x76: {  	_ =	shalt  }
0x77: {  	_ =	shalt  }
0x78: {  	_ =	shalt  }
0x79: {  	_ =	shalt  }
0x7a: {  	_ =	shalt  }
0x7b: {  	_ =	shalt  }
0x7c: {  	_ =	shalt  }
0x7d: {  	_ =	shalt  }
0x7e: {  	_ =	shalt  }
0x7f: {  	_ =	shalt  }
0x80: {  	_ =	shalt  }
0x81: {  	_ =	shalt  }
0x82: {  	_ =	shalt  }
0x83: {  	_ =	shalt  }
0x84: {  	_ =	shalt  }
0x85: {  	_ =	shalt  }
0x86: {  	_ =	shalt  }
0x87: {  	_ =	shalt  }
.Lfunc_end0:
.L_simem_size_0:
called_computation.2_lowered:
.L_overlay_start_0:
0x88: {  	s2 =	sld [smem:$0x3FD9]  }
0x89: {  	s3 =	sld [smem:$0x3FFE];
	_ =	sdelay $0x1  }
0x8a: {  	s1 =	srdreg.scid  }
0x8b: {  	s0 =	sand.u32 $0x1, s1  }
0x8c: {  	s16 =	sshll.u32 s0, $0xA;
	s2 =	sadd.s32 s3, s2  }
0x8d: {  	s2 =	sadd.s32 s2, s16  }
0x8e: {  	[smem:$0x3FA3] =	sst s2  }
0x8f: {  	_ = 	snop  }
0x90: {  	(tm) =	ssettm $0x1  }
0x91: {  	s17 =	sld [smem:$0x3FFB];
	_ =	sdelay $0x3  }
0x92: {  	_ =	strace s17  }
0x93: {  	s2 =	sld [smem:$0x3FFC];
	_ =	sdelay $0x3  }
0x94: {  	_ =	strace s2  }
0x95: {  	s2 =	sld [smem:$0x3FFD];
	_ =	sdelay $0x3  }
0x96: {  	_ =	strace s2  }
0x97: {  	_ =	strace $0x8FFFFFFF  }
0x98: {  	s18 =	sld [smem:$0x3FDB];
	_ =	sdelay $0x1  }
0x99: {  	s19 =	simm.s32 $_scs_section_size  }
0x9a: {  	s4 =	simm.s32 $_size__tile_overlayer_lowered;
	s5 =	simm.s32 $_tile_overlayer_lowered  }
0x9b: {  	s22 =	simm.s32 $0x1BFF;
	s21 =	sshll.u32 s5, $0x1;
	s2 =	sadd.s32 s19, s18  }
0x9c: {  	s6 =	simm.s32 $0x0;
	s20 =	sshll.u32 s4, $0x1;
	s4 =	sadd.s32 s21, s2  }
0x9d: {  	[timem:s6], [sflag:s22] =	dma.local [hbm:s4], s20  }
0x9e: {  	_ =	swait.ge [sflag:s22], s20  }
0x9f: {  	s3 =	ssub.s32 $0x0, s20;
	[sflag:s22] =	ssyncset.done $0x0  }
0xa0: {  	[sflag:s22] =	ssyncadd.s32 s3;
	_ =	sdelay $0x1  }
0xa1: {  	s23 =	simm.s32 $0x1B8B  }
0xa2: {  	_ =	swait.ge [sflag:s23], $0x1  }
0xa3: {  	[sflag:s23] =	ssyncset.done $0x0  }
0xa4: {  	s25 =	simm.s32 $0x1B8E;
	s24 =	sld [smem:$0x3FFE];
	[sflag:s23] =	ssyncadd.s32 $0xFFFFFFFF  }
0xa5: {  	s26 =	simm.s32 $execute0_lowered;
	[smem:$0x3FD2] =	sst s25  }
0xa6: {  	s4 =	sshll.u32 s26, $0x1;
	_ =	strace $0x8000004C;
	[dreg:$0x1] =	wrdreg $0xFFFFFFFF  }
0xa7: {  	s28 =	simm.s32 $_size_execute0_lowered;
	s2 =	sadd.s32 s2, s4;
	[dreg:$0x0] =	wrdreg $0x0  }
0xa8: {  	s4 =	sshll.u32 s28, $0x1;
	[dreg:$0x2] =	wrdreg s2  }
0xa9: {  	[dreg:$0x3] =	wrdreg s4  }
0xaa: {  	[dreg:$0x4] =	wrdreg $0xC0  }
0xab: {  	_ =	task [dreg:s6], $0x5FFFF  }
0xac: {  	[dreg:$0x1] =	wrdreg $0xFFFFFFFF  }
0xad: {  	[dreg:$0x0] =	wrdreg $0x60  }
0xae: {  	[dreg:$0x2] =	wrdreg s24  }
0xaf: {  	[dreg:$0x3] =	wrdreg $0xA8000  }
0xb0: {  	[dreg:$0x4] =	wrdreg $0x9  }
0xb1: {  	_ =	task.clear_ibuf [dreg:s6], $0x5FFFF;
	_ =	strace $0x9000004C  }
0xb2: {  	s29 =	simm.s32 $0x9;
	_ =	strace $0x8000004E  }
0xb3: {  	_ =	swait.ge [sflag:s29], $0x1  }
0xb4: {  	[sflag:s29] =	ssyncadd.s32 $0xFFFFFFFF  }
0xb5: {  	_ =	strace $0x9000004E  }
0xb6: {  	_ =	sfence  }
0xb7: {  	s30 =	sld [smem:$0x0];
	_ =	sdelay $0x2  }
0xb8: {  	s31 =	sshll.u32 s1, $0xD;
	s1 =	sshrl.u32 s1, $0x2  }
0xb9: {  	s3 =	sand.u32 $0x4000, s31;
	s1 =	sadd.s32 s1, s30  }
0xba: {  	s0 =	sor.u32 s3, s0;
	s1 =	sshll.u32 s1, $0x11  }
0xbb: {  	s0 =	sor.u32 s1, s0  }
0xbc: {  	s0 =	sadd.s32 $0x8F2B, s0  }
0xbd: {  	[sflag:s0] =	ssyncadd.remote.s32 $0x1  }
0xbe: {  	_ =	sfence.sel $0xFFFF  }
0xbf: {  	[dreg:$0x0] =	wrdreg $0xFFFFFFFF;
	(pc) =	sbr.abs _section_cstart, $3  }
0xc0: {  	[dreg:$0x1] =	wrdreg $0xFFFFFFFF  }
0xc1: {  	_ =	task.clear_ibuf [dreg:s6], $0x2FFFF;
	_ =	strace $0x9FFFFFFF  }
0xc2: {  	(tm) =	ssettm $0x7FFFFFFF  }
0xc3: {  	_ =	shalt  }
tec
execute0_lowered:
.L_overlay_start_1:
0x0: {  	(tag) =	ssettag $0x1  }
0x1: {  	s5 =	rddreg [dreg:$0x0]  }
0x2: {  	s1 =	rddreg [dreg:$0x1];
	s2 =	srdreg.scid  }
0x3: {  	s0 =	rddreg [dreg:$0x2];
	s3 =	simm.s32 $0x0;
	s14 =	simm.s32 $0x5  }
0x4: {  	s15 =	simm.s32 $0x1400;
	s16 =	simm.s32 $0x2800;
	s17 =	simm.s32 $0x80  }
0x5: {  	s18 =	simm.s32 $0x6800;
	s19 =	simm.s32 $0x1;
	s20 =	simm.s32 $0x2  }
0x6: {  	s21 =	simm.s32 $0x3;
	s22 =	simm.s32 $0x4;
	s23 =	simm.s32 $0x2700  }
0x7: {  	s24 =	simm.s32 $0x2780;
	s6 =	sand.u32 $0x1, s2;
	s2 =	stileid.u32  }
0x8: {  	s25 =	simm.s32 $0x0;
	[smem:$0x7FF] =	sst s3;
	s7 =	smul.u32 $0x140000, s6  }
0x9: {  	s4 =	sshll.u32 s6, $0x4;
	s9 =	smul.u32 $0x14000, s2;
	_ =	strace $0x8000004D  }
0xa: {  	s6 =	ssub.s32 $0x2, s6;
	s30 =	smul.u32 $0x50000, s2;
	s8 =	sor.u32 s2, s4  }
0xb: {  	s4 =	sadd.s32 $0x10E00, s5;
	s10 =	sshrl.u32 s6, $0x1;
	s8 =	smul.u32 $0x280, s8  }
0xc: {  	s7 =	sadd.s32 s9, s7;
	s13 =	ssub.s32 s6, s10;
	s31 =	sshrl.u32 s30, $0x2  }
0xd: {  	s7 =	sshrl.u32 s7, $0x3;
	s13 =	smax.u32 s13, $0x1;
	s8 =	sadd.s32 s8, s5  }
0xe: {  	s12 =	sadd.s32 s7, s5;
	s7 =	sadd.s32 s31, s1;
	s5 =	sadd.s32 $0x6E00, s8  }
0xf: {  	s6 =	sadd.s32 $0xBE00, s8;
	s8 =	sadd.s32 $0x4000, s7;
	s9 =	sadd.s32 $0x8000, s7  }
0x10: {  	v0 =	vimm.f32 $0.0e+00;
	s10 =	sadd.s32 $0xC000, s7;
	s11 =	sadd.s32 $0x10000, s7;
	s12 =	sadd.s32 $0x38E00, s12  }
.LBB2_1:
0x11: {  	[tilespmem:s3], [sflag:$0x5] =	stream.linear.gather [hbm4b:s5+s3], $0x1400, $0x38;
	[tilespmem:$0x1E800] =	vst v63  }
0x12: {  	_ =	swait.ge [sflag:s14], $0x1400  }
0x13: {  	[sflag:s14] =	ssyncset.done $0x0  }
0x14: {  	[sflag:s14] =	ssyncadd.s32 $0xFFFFEC00  }
0x15: {  	[tilespmem:s15], [sflag:$0x5] =	stream.linear.gather [hbm4b:s6+s3], $0x1400, $0x38;
	[tilespmem:$0x1E800] =	vst v63  }
0x16: {  	_ =	swait.ge [sflag:s14], $0x1400  }
0x17: {  	[sflag:s14] =	ssyncset.done $0x0  }
0x18: {  	s26 =	simm.s32 $0x0;
	s28 =	simm.s32 $0x200;
	[sflag:s14] =	ssyncadd.s32 $0xFFFFEC00  }
.LBB2_2:
0x19: {  	p0 =	sne.s32 s28, $0xFE00;
	[tilespmem:s26+$0x2870] =	vst v0  }
0x1a: {  	[tilespmem:s26+$0x2800] =	vst v0  }
0x1b: {  	[tilespmem:s26+$0x2810] =	vst v0  }
.Ltmp0:
0x1c: {  	[tilespmem:s26+$0x2820] =	vst v0;
	(pc) =	sbr.rel @p0 .LBB2_2-.Ltmp0, $4  }
0x1d: {  	[tilespmem:s26+$0x2830] =	vst v0  }
0x1e: {  	[tilespmem:s26+$0x2840] =	vst v0  }
0x1f: {  	[tilespmem:s26+$0x2850] =	vst v0  }
0x20: {  	[tilespmem:s26+$0x2860] =	vst v0;
	s26 =	sshra.s32 s28, $0x2;
	s28 =	sadd.s32 $0x200, s28  }
0x21: {  	[tilespmem:s26+$0x2870] =	vst v0  }
0x22: {  	[tilespmem:s26+$0x2800] =	vst v0  }
0x23: {  	[tilespmem:s26+$0x2810] =	vst v0  }
0x24: {  	[tilespmem:s26+$0x2820] =	vst v0  }
0x25: {  	[tilespmem:s26+$0x2830] =	vst v0  }
0x26: {  	[tilespmem:s26+$0x2840] =	vst v0  }
0x27: {  	[tilespmem:s26+$0x2850] =	vst v0  }
0x28: {  	[tilespmem:s26+$0x2860] =	vst v0  }
0x29: {  	[spmem:s7] =	stream.linear.scatter [tilespmem:s16], [sflag:$0x5], $0x4000, $0x38;
	[tilespmem:$0x1E800] =	vst v63  }
0x2a: {  	_ =	swait.ge [sflag:s14], $0x4000  }
0x2b: {  	[sflag:s14] =	ssyncset.done $0x0  }
0x2c: {  	[sflag:s14] =	ssyncadd.s32 $0xFFFFC000  }
0x2d: {  	[spmem:s8] =	stream.linear.scatter [tilespmem:s16], [sflag:$0x5], $0x4000, $0x38;
	[tilespmem:$0x1E800] =	vst v63  }
0x2e: {  	_ =	swait.ge [sflag:s14], $0x4000  }
0x2f: {  	[sflag:s14] =	ssyncset.done $0x0  }
0x30: {  	[sflag:s14] =	ssyncadd.s32 $0xFFFFC000  }
0x31: {  	[spmem:s9] =	stream.linear.scatter [tilespmem:s16], [sflag:$0x5], $0x4000, $0x38;
	[tilespmem:$0x1E800] =	vst v63  }
0x32: {  	_ =	swait.ge [sflag:s14], $0x4000  }
0x33: {  	[sflag:s14] =	ssyncset.done $0x0  }
0x34: {  	[sflag:s14] =	ssyncadd.s32 $0xFFFFC000  }
0x35: {  	[spmem:s10] =	stream.linear.scatter [tilespmem:s16], [sflag:$0x5], $0x4000, $0x38;
	[tilespmem:$0x1E800] =	vst v63  }
0x36: {  	_ =	swait.ge [sflag:s14], $0x4000  }
0x37: {  	[sflag:s14] =	ssyncset.done $0x0  }
0x38: {  	[sflag:s14] =	ssyncadd.s32 $0xFFFFC000  }
0x39: {  	[spmem:s11] =	stream.linear.scatter [tilespmem:s16], [sflag:$0x5], $0x4000, $0x38;
	[tilespmem:$0x1E800] =	vst v63  }
0x3a: {  	_ =	swait.ge [sflag:s14], $0x4000  }
0x3b: {  	[sflag:s14] =	ssyncset.done $0x0  }
0x3c: {  	[sflag:s14] =	ssyncadd.s32 $0xFFFFC000  }
0x3d: {  	s31 =	simm.s32 $0x0;
	[bflag:$0x0] =	sbarrier.arrive $0xFFFF  }
0x3e: {  	[tilespmem:s16], [sflag:$0x1] =	stream.indirect.gather [hbm4b:s4+s17], $0x80, s31, s17, $0xb8;
	[tilespmem:$0x1E800] =	vst v63  }
0x3f: {  	_ = 	snop  }
0x40: {  	[tilespmem:s18], [sflag:$0x2] =	stream.indirect.gather [hbm4b:s4+s17], $0x80, s17, s17, $0xb8;
	[tilespmem:$0x1E800] =	vst v63  }
0x41: {  	_ =	swait.ge [sflag:s19], $0x4000  }
0x42: {  	[sflag:s19] =	ssyncset.done $0x0  }
0x43: {  	s29 =	simm.s32 $0x1400;
	[sflag:s19] =	ssyncadd.s32 $0xFFFFC000  }
0x44: {  	[spmem:s1] =	stream.indirect.scatter.add.f32 [tilespmem:s16], [sflag:$0x3], $0x80, s29, s17, $0xb8;
	[tilespmem:$0x1E800] =	vst v63  }
0x45: {  	_ =	swait.ge [sflag:s20], $0x4000  }
0x46: {  	[sflag:s20] =	ssyncset.done $0x0  }
0x47: {  	s30 =	simm.s32 $0x1480;
	[sflag:s20] =	ssyncadd.s32 $0xFFFFC000  }
0x48: {  	[spmem:s1] =	stream.indirect.scatter.add.f32 [tilespmem:s18], [sflag:$0x4], $0x80, s30, s17, $0xb8;
	[tilespmem:$0x1E800] =	vst v63  }
0x49: {  	_ =	swait.ge [sflag:s21], $0x4000  }
0x4a: {  	[sflag:s21] =	ssyncset.done $0x0  }
0x4b: {  	s31 =	simm.s32 $0x100;
	[sflag:s21] =	ssyncadd.s32 $0xFFFFC000  }
0x4c: {  	[tilespmem:s16], [sflag:$0x1] =	stream.indirect.gather [hbm4b:s4+s17], $0x80, s31, s17, $0xb8;
	[tilespmem:$0x1E800] =	vst v63  }
0x4d: {  	_ =	swait.ge [sflag:s22], $0x4000  }
0x4e: {  	[sflag:s22] =	ssyncset.done $0x0  }
0x4f: {  	s26 =	simm.s32 $0x400;
	s28 =	simm.s32 $0x180;
	[sflag:s22] =	ssyncadd.s32 $0xFFFFC000  }
.LBB2_4:
0x50: {  	[tilespmem:s18], [sflag:$0x2] =	stream.indirect.gather [hbm4b:s4+s17], $0x80, s28, s17, $0xb8;
	[tilespmem:$0x1E800] =	vst v63  }
0x51: {  	s28 =	smov.u32 s26  }
0x52: {  	p0 =	sne.s32 s26, $0x4800;
	s26 =	sadd.s32 $0x400, s26;
	_ =	swait.ge [sflag:s19], $0x4000  }
0x53: {  	s28 =	sshra.s32 s28, $0x2;
	[sflag:s19] =	ssyncset.done $0x0  }
0x54: {  	s29 =	sadd.s32 $0x1400, s28;
	[sflag:s19] =	ssyncadd.s32 $0xFFFFC000  }
0x55: {  	[spmem:s1] =	stream.indirect.scatter.add.f32 [tilespmem:s16], [sflag:$0x3], $0x80, s29, s17, $0xb8;
	[tilespmem:$0x1E800] =	vst v63  }
0x56: {  	_ =	swait.ge [sflag:s20], $0x4000  }
0x57: {  	[sflag:s20] =	ssyncset.done $0x0  }
0x58: {  	s29 =	sadd.s32 $0x1480, s28;
	[sflag:s20] =	ssyncadd.s32 $0xFFFFC000  }
0x59: {  	[spmem:s1] =	stream.indirect.scatter.add.f32 [tilespmem:s18], [sflag:$0x4], $0x80, s29, s17, $0xb8;
	[tilespmem:$0x1E800] =	vst v63  }
0x5a: {  	_ =	swait.ge [sflag:s21], $0x4000  }
0x5b: {  	[sflag:s21] =	ssyncset.done $0x0  }
.Ltmp1:
0x5c: {  	s29 =	sadd.s32 $0x100, s28;
	[sflag:s21] =	ssyncadd.s32 $0xFFFFC000;
	(pc) =	sbr.rel @p0 .LBB2_4-.Ltmp1, $4  }
0x5d: {  	[tilespmem:s16], [sflag:$0x1] =	stream.indirect.gather [hbm4b:s4+s17], $0x80, s29, s17, $0xb8;
	[tilespmem:$0x1E800] =	vst v63  }
0x5e: {  	_ =	swait.ge [sflag:s22], $0x4000  }
0x5f: {  	[sflag:s22] =	ssyncset.done $0x0  }
0x60: {  	s28 =	sadd.s32 $0x180, s28;
	[sflag:s22] =	ssyncadd.s32 $0xFFFFC000  }
0x61: {  	[tilespmem:s18], [sflag:$0x2] =	stream.indirect.gather [hbm4b:s4+s17], $0x80, s28, s17, $0xb8;
	[tilespmem:$0x1E800] =	vst v63  }
0x62: {  	_ =	swait.ge [sflag:s19], $0x4000  }
0x63: {  	[sflag:s19] =	ssyncset.done $0x0  }
0x64: {  	[sflag:s19] =	ssyncadd.s32 $0xFFFFC000  }
0x65: {  	[spmem:s1] =	stream.indirect.scatter.add.f32 [tilespmem:s16], [sflag:$0x3], $0x80, s23, s17, $0xb8;
	[tilespmem:$0x1E800] =	vst v63  }
0x66: {  	_ =	swait.ge [sflag:s20], $0x4000  }
0x67: {  	[sflag:s20] =	ssyncset.done $0x0  }
0x68: {  	[sflag:s20] =	ssyncadd.s32 $0xFFFFC000  }
0x69: {  	[spmem:s1] =	stream.indirect.scatter.add.f32 [tilespmem:s18], [sflag:$0x4], $0x80, s24, s17, $0xb8;
	[tilespmem:$0x1E800] =	vst v63  }
0x6a: {  	_ =	swait.ge [sflag:s21], $0x4000  }
0x6b: {  	[sflag:s21] =	ssyncset.done $0x0  }
0x6c: {  	[sflag:s21] =	ssyncadd.s32 $0xFFFFC000  }
0x6d: {  	_ =	swait.ge [sflag:s22], $0x4000  }
0x6e: {  	s26 =	sshll.u32 s2, $0x6;
	s25 =	sadd.s32 $0x1, s25;
	[sflag:s22] =	ssyncset.done $0x0  }
0x6f: {  	s31 =	sshrl.u32 s7, $0x3;
	p0 =	sne.s32 s25, s13;
	[sflag:s22] =	ssyncadd.s32 $0xFFFFC000  }
.Ltmp2:
0x70: {  	s26 =	sor.u32 $0x1C05, s26;
	[bflag:$0x0] =	sbarrier.arrive $0xFFFF;
	(pc) =	sbr.rel @p0 .LBB2_1-.Ltmp2, $4  }
0x71: {  	[hbm:s12], [sflag:s26] =	dma.local [spmem:s31], $0x2800  }
0x72: {  	_ =	swait.ge [sflag:s14], $0x2800  }
0x73: {  	[sflag:s14] =	ssyncset.done $0x0  }
0x74: {  	[sflag:s14] =	ssyncadd.s32 $0xFFFFD800  }
0x75: {  	_ =	sfence.sel $0x180000  }
0x76: {  	[bflag:$0x0] =	sbarrier.arrive $0xFFFF  }
0x77: {  	p0 =	sne.s32 s2, $0x0;
	_ =	strace $0x9000004D  }
0x78: {  	s0 =	sadd.s32 @!p0 $0x100000, s0;
	[bflag:$0x2] =	sbarrier.arrive $0xFFFF  }
0x79: {  	[sflag:s0] =	ssyncadd.tile.s32 @!p0 $0x1;
	_ =	shalt  }
.Lfunc_end2:
_tile_overlayer_lowered:
.L_overlay_start_2:
0x7a: {  	(tag) =	ssettag $0x2  }
0x7b: {  	s0 =	rddreg [dreg:$0x0];
	s2 =	stileid.u32  }
0x7c: {  	s1 =	rddreg [dreg:$0x1];
	p0 =	sne.s32 s2, $0x0  }
0x7d: {  	s3 =	rddreg [dreg:$0x2];
	[bflag:$0x3] =	sbarrier.arrive $0xFFFF;
	s2 =	simm.s32 @!p0 $0x1C05  }
0x7e: {  	[timem:s3], [sflag:s2] =	dma.local @!p0 [hbm:s0], s1  }
0x7f: {  	s0 =	simm.s32 @!p0 $0x5  }
0x80: {  	_ =	swait.ge @!p0 [sflag:s0], s1  }
0x81: {  	s1 =	ssub.s32 @!p0 $0x0, s1;
	[sflag:s0] =	ssyncset.done @!p0 $0x0  }
0x82: {  	[sflag:s0] =	ssyncadd.s32 @!p0 s1  }
0x83: {  	[bflag:$0x3] =	sbarrier.arrive $0xFFFF  }
0x84: {  	_ =	shalt  }

// kernel: kernel.22.cloned.1.call-start
scs
__scs_entry_jumppad:
0x0: {  	(pc) =	sbr.rel $0x88, $3  }
0x1: {  	(tag) =	ssettag $0x0;
	lr =	simm.s32 $0x1  }
0x2: {  	[smem:$0x3F7C] =	sst lr;
	_ =	strace $0xD0000000  }
0x3: {  	_ = 	snop  }
0x4: {  	_ = 	snop  }
0x5: {  	_ = 	snop  }
0x6: {  	_ = 	snop  }
0x7: {  	_ = 	snop  }
__scs_overlays_trampoline_lowered:
0x8: {  	[smem:$0x3F8B] =	sst s0  }
0x9: {  	[smem:$0x3F8C] =	sst s1  }
0xa: {  	[smem:$0x3F8D] =	sst s2  }
0xb: {  	[smem:$0x3F8E] =	sst s3  }
0xc: {  	[smem:$0x3F8F] =	sst s4  }
0xd: {  	[smem:$0x3F90] =	sst s5  }
0xe: {  	[smem:$0x3F91] =	sst s6  }
0xf: {  	[smem:$0x3F92] =	sst s7  }
0x10: {  	[smem:$0x3F93] =	sst s8  }
0x11: {  	[smem:$0x3F94] =	sst s9;
	s0 =	simm.s32 @!p0 $0x0  }
0x12: {  	s1 =	sld [smem:$0x3F7A];
	s0 =	simm.s32 @p0 $0x1  }
0x13: {  	[smem:$0x3F95] =	sst s0;
	s0 =	simm.s32 @!p1 $0x0  }
0x14: {  	s2 =	sld [smem:$0x3F79];
	s0 =	simm.s32 @p1 $0x1  }
0x15: {  	[smem:$0x3F96] =	sst s0;
	s0 =	simm.s32 @!p2 $0x0  }
0x16: {  	s3 =	sld [smem:$0x3FDB];
	s0 =	simm.s32 @p2 $0x1  }
0x17: {  	s4 =	simm.s32 $0x1BF5;
	[smem:$0x3F98] =	sst s0  }
0x18: {  	s0 =	sld [smem:$0x3F7B];
	_ =	swait.ge [sflag:s4], $0x0  }
0x19: {  	s7 =	sld [smem:$0x3F7C]  }
0x1a: {  	s8 =	sadd.s32 $0xFFFFE003, lr  }
0x1b: {  	s9 =	sadd.s32 $0xFFFFFEF7, lr;
	s5 =	simm.s32 $0xFFFFFFFF;
	p2 =	slt.u32 s8, $0xFFFFF086  }
0x1c: {  	p1 =	slt.u32 s9, $0xF7A;
	s5 =	simm.s32 @!p2 $0x0  }
0x1d: {  	s5 =	simm.s32 @p1 $0x1;
	p0 =	seq.s32 s7, s2  }
0x1e: {  	s7 =	smul.u32 @!p0 $0xF7A, s2;
	p2 =	seq.s32 @!p0 s5, $0x0  }
0x1f: {  	s9 =	smul.u32 $0xF7A, s1;
	s8 =	simm.s32 @!p0 $0x1BF5;
	p2 =	por !p2, p0  }
0x20: {  	[sflag:s8] =	ssyncset.s32 @!p0 $0xFFFFF086;
	s6 =	sadd.s32 @!p0 s3, s7;
	s7 =	simm.s32 @!p0 $0x108  }
0x21: {  	s3 =	sadd.s32 s3, s9;
	s6 =	sadd.s32 @!p0 $0x88, s6;
	s7 =	simm.s32 @p2 $0x1082  }
0x22: {  	[simem:s7], [sflag:s8] =	dma.local @!p0 [hbm:s6], $0xF7A  }
0x23: {  	s9 =	sor.u32 $0xD0000000, s2;
	s6 =	simm.s32 $0x108;
	_ =	swait.ge @!p0 [sflag:s8], $0x0  }
0x24: {  	s3 =	sadd.s32 $0x88, s3;
	s6 =	simm.s32 @!p1 $0x1082;
	[sflag:s4] =	ssyncset.s32 $0xFFFFF086  }
0x25: {  	[simem:s6], [sflag:s4] =	dma.local [hbm:s3], $0xF7A  }
0x26: {  	[smem:$0x3F7C] =	sst s1;
	(tag) =	ssettag s2;
	_ =	strace s9  }
0x27: {  	s1 =	sld [smem:$0x3F8C]  }
0x28: {  	s2 =	sld [smem:$0x3F8D]  }
0x29: {  	s4 =	sld [smem:$0x3F8F]  }
0x2a: {  	p0 =	seq.s32 s5, $0x0;
	s5 =	sld [smem:$0x3F90]  }
0x2b: {  	s6 =	sld [smem:$0x3F91]  }
0x2c: {  	s7 =	sld [smem:$0x3F92]  }
0x2d: {  	s3 =	simm.s32 $0x108;
	s8 =	sld [smem:$0x3F93]  }
0x2e: {  	s3 =	simm.s32 @!p0 $0x1082;
	s9 =	sld [smem:$0x3F94]  }
0x2f: {  	lr =	sadd.s32 s0, s3;
	s0 =	sld [smem:$0x3F8B]  }
0x30: {  	s3 =	sld [smem:$0x3F8E]  }
0x31: {  	[smem:$0x3F97] =	sst s10  }
0x32: {  	s10 =	sld [smem:$0x3F95];
	_ =	sdelay $0x3  }
0x33: {  	p0 =	seq.s32 s10, $0x1;
	s10 =	sld [smem:$0x3F97];
	_ =	sdelay $0x3  }
0x34: {  	[smem:$0x3F97] =	sst s10  }
0x35: {  	s10 =	sld [smem:$0x3F96];
	_ =	sdelay $0x3  }
0x36: {  	p1 =	seq.s32 s10, $0x1;
	s10 =	sld [smem:$0x3F97];
	_ =	sdelay $0x3  }
0x37: {  	[smem:$0x3F97] =	sst s10  }
0x38: {  	s10 =	sld [smem:$0x3F98]  }
0x39: {  	_ = 	snop;
	(pc) =	sbr.ind lr, $3  }
0x3a: {  	_ = 	snop  }
0x3b: {  	_ = 	snop  }
0x3c: {  	p2 =	seq.s32 s10, $0x1;
	s10 =	sld [smem:$0x3F97]  }
0x3d: {  	_ =	shalt  }
0x3e: {  	_ =	shalt  }
0x3f: {  	_ =	shalt  }
0x40: {  	_ =	shalt  }
0x41: {  	_ =	shalt  }
0x42: {  	_ =	shalt  }
0x43: {  	_ =	shalt  }
0x44: {  	_ =	shalt  }
0x45: {  	_ =	shalt  }
0x46: {  	_ =	shalt  }
0x47: {  	_ =	shalt  }
0x48: {  	_ =	shalt  }
0x49: {  	_ =	shalt  }
0x4a: {  	_ =	shalt  }
0x4b: {  	_ =	shalt  }
0x4c: {  	_ =	shalt  }
0x4d: {  	_ =	shalt  }
0x4e: {  	_ =	shalt  }
0x4f: {  	_ =	shalt  }
0x50: {  	_ =	shalt  }
0x51: {  	_ =	shalt  }
0x52: {  	_ =	shalt  }
0x53: {  	_ =	shalt  }
0x54: {  	_ =	shalt  }
0x55: {  	_ =	shalt  }
0x56: {  	_ =	shalt  }
0x57: {  	_ =	shalt  }
0x58: {  	_ =	shalt  }
0x59: {  	_ =	shalt  }
0x5a: {  	_ =	shalt  }
0x5b: {  	_ =	shalt  }
0x5c: {  	_ =	shalt  }
0x5d: {  	_ =	shalt  }
0x5e: {  	_ =	shalt  }
0x5f: {  	_ =	shalt  }
0x60: {  	_ =	shalt  }
0x61: {  	_ =	shalt  }
0x62: {  	_ =	shalt  }
0x63: {  	_ =	shalt  }
0x64: {  	_ =	shalt  }
0x65: {  	_ =	shalt  }
0x66: {  	_ =	shalt  }
0x67: {  	_ =	shalt  }
0x68: {  	_ =	shalt  }
0x69: {  	_ =	shalt  }
0x6a: {  	_ =	shalt  }
0x6b: {  	_ =	shalt  }
0x6c: {  	_ =	shalt  }
0x6d: {  	_ =	shalt  }
0x6e: {  	_ =	shalt  }
0x6f: {  	_ =	shalt  }
0x70: {  	_ =	shalt  }
0x71: {  	_ =	shalt  }
0x72: {  	_ =	shalt  }
0x73: {  	_ =	shalt  }
0x74: {  	_ =	shalt  }
0x75: {  	_ =	shalt  }
0x76: {  	_ =	shalt  }
0x77: {  	_ =	shalt  }
0x78: {  	_ =	shalt  }
0x79: {  	_ =	shalt  }
0x7a: {  	_ =	shalt  }
0x7b: {  	_ =	shalt  }
0x7c: {  	_ =	shalt  }
0x7d: {  	_ =	shalt  }
0x7e: {  	_ =	shalt  }
0x7f: {  	_ =	shalt  }
0x80: {  	_ =	shalt  }
0x81: {  	_ =	shalt  }
0x82: {  	_ =	shalt  }
0x83: {  	_ =	shalt  }
0x84: {  	_ =	shalt  }
0x85: {  	_ =	shalt  }
0x86: {  	_ =	shalt  }
0x87: {  	_ =	shalt  }
.Lfunc_end0:
.L_simem_size_0:
called_computation.3_lowered:
.L_overlay_start_0:
0x88: {  	s2 =	sld [smem:$0x3FD9]  }
0x89: {  	s3 =	sld [smem:$0x3FFE];
	_ =	sdelay $0x1  }
0x8a: {  	s1 =	srdreg.scid  }
0x8b: {  	s0 =	sand.u32 $0x1, s1  }
0x8c: {  	s16 =	sshll.u32 s0, $0xA;
	s2 =	sadd.s32 s3, s2  }
0x8d: {  	s2 =	sadd.s32 s2, s16  }
0x8e: {  	[smem:$0x3FA3] =	sst s2  }
0x8f: {  	_ = 	snop  }
0x90: {  	(tm) =	ssettm $0x1  }
0x91: {  	s17 =	sld [smem:$0x3FFB];
	_ =	sdelay $0x3  }
0x92: {  	_ =	strace s17  }
0x93: {  	s2 =	sld [smem:$0x3FFC];
	_ =	sdelay $0x3  }
0x94: {  	_ =	strace s2  }
0x95: {  	s2 =	sld [smem:$0x3FFD];
	_ =	sdelay $0x3  }
0x96: {  	_ =	strace s2  }
0x97: {  	_ =	strace $0x8FFFFFFF  }
0x98: {  	s18 =	sld [smem:$0x3FDB];
	_ =	sdelay $0x1  }
0x99: {  	s19 =	simm.s32 $_scs_section_size  }
0x9a: {  	s4 =	simm.s32 $_size__tile_overlayer_lowered;
	s5 =	simm.s32 $_tile_overlayer_lowered  }
0x9b: {  	s22 =	simm.s32 $0x1BFF;
	s21 =	sshll.u32 s5, $0x1;
	s2 =	sadd.s32 s19, s18  }
0x9c: {  	s6 =	simm.s32 $0x0;
	s20 =	sshll.u32 s4, $0x1;
	s4 =	sadd.s32 s21, s2  }
0x9d: {  	[timem:s6], [sflag:s22] =	dma.local [hbm:s4], s20  }
0x9e: {  	_ =	swait.ge [sflag:s22], s20  }
0x9f: {  	s3 =	ssub.s32 $0x0, s20;
	[sflag:s22] =	ssyncset.done $0x0  }
0xa0: {  	[sflag:s22] =	ssyncadd.s32 s3;
	_ =	sdelay $0x1  }
0xa1: {  	s23 =	simm.s32 $0x1B8B  }
0xa2: {  	_ =	swait.ge [sflag:s23], $0x1  }
0xa3: {  	[sflag:s23] =	ssyncset.done $0x0  }
0xa4: {  	s25 =	simm.s32 $0x1B8E;
	s24 =	sld [smem:$0x3FFE];
	[sflag:s23] =	ssyncadd.s32 $0xFFFFFFFF  }
0xa5: {  	s26 =	simm.s32 $execute0_lowered;
	[smem:$0x3FD2] =	sst s25  }
0xa6: {  	s4 =	sshll.u32 s26, $0x1;
	_ =	strace $0x8000004F;
	[dreg:$0x1] =	wrdreg $0xFFFFFFFF  }
0xa7: {  	s28 =	simm.s32 $_size_execute0_lowered;
	s2 =	sadd.s32 s2, s4;
	[dreg:$0x0] =	wrdreg $0x0  }
0xa8: {  	s4 =	sshll.u32 s28, $0x1;
	[dreg:$0x2] =	wrdreg s2  }
0xa9: {  	[dreg:$0x3] =	wrdreg s4  }
0xaa: {  	[dreg:$0x4] =	wrdreg $0xC0  }
0xab: {  	_ =	task [dreg:s6], $0x5FFFF  }
0xac: {  	[dreg:$0x1] =	wrdreg $0xFFFFFFFF  }
0xad: {  	[dreg:$0x0] =	wrdreg $0x60  }
0xae: {  	[dreg:$0x2] =	wrdreg s24  }
0xaf: {  	[dreg:$0x3] =	wrdreg $0xA8000  }
0xb0: {  	[dreg:$0x4] =	wrdreg $0x9  }
0xb1: {  	_ =	task.clear_ibuf [dreg:s6], $0x5FFFF;
	_ =	strace $0x9000004F  }
0xb2: {  	s29 =	simm.s32 $0x9;
	_ =	strace $0x80000051  }
0xb3: {  	_ =	swait.ge [sflag:s29], $0x1  }
0xb4: {  	[sflag:s29] =	ssyncadd.s32 $0xFFFFFFFF  }
0xb5: {  	_ =	strace $0x90000051  }
0xb6: {  	_ =	sfence  }
0xb7: {  	s30 =	sld [smem:$0x0];
	_ =	sdelay $0x2  }
0xb8: {  	s31 =	sshll.u32 s1, $0xD;
	s1 =	sshrl.u32 s1, $0x2  }
0xb9: {  	s3 =	sand.u32 $0x4000, s31;
	s1 =	sadd.s32 s1, s30  }
0xba: {  	s0 =	sor.u32 s3, s0;
	s1 =	sshll.u32 s1, $0x11  }
0xbb: {  	s0 =	sor.u32 s1, s0  }
0xbc: {  	s0 =	sadd.s32 $0x8F2B, s0  }
0xbd: {  	[sflag:s0] =	ssyncadd.remote.s32 $0x1  }
0xbe: {  	_ =	sfence.sel $0xFFFF  }
0xbf: {  	[dreg:$0x0] =	wrdreg $0xFFFFFFFF;
	(pc) =	sbr.abs _section_cstart, $3  }
0xc0: {  	[dreg:$0x1] =	wrdreg $0xFFFFFFFF  }
0xc1: {  	_ =	task.clear_ibuf [dreg:s6], $0x2FFFF;
	_ =	strace $0x9FFFFFFF  }
0xc2: {  	(tm) =	ssettm $0x7FFFFFFF  }
0xc3: {  	_ =	shalt  }
tec
execute0_lowered:
.L_overlay_start_1:
0x0: {  	(tag) =	ssettag $0x1  }
0x1: {  	s5 =	rddreg [dreg:$0x0]  }
0x2: {  	s1 =	rddreg [dreg:$0x1];
	s2 =	srdreg.scid  }
0x3: {  	s0 =	rddreg [dreg:$0x2];
	s3 =	simm.s32 $0x0;
	s14 =	simm.s32 $0x5  }
0x4: {  	s15 =	simm.s32 $0x1400;
	s16 =	simm.s32 $0x2800;
	s17 =	simm.s32 $0x80  }
0x5: {  	s18 =	simm.s32 $0x6800;
	s19 =	simm.s32 $0x1;
	s20 =	simm.s32 $0x2  }
0x6: {  	s21 =	simm.s32 $0x3;
	s22 =	simm.s32 $0x4;
	s23 =	simm.s32 $0x2700  }
0x7: {  	s24 =	simm.s32 $0x2780;
	s6 =	sand.u32 $0x1, s2;
	s2 =	stileid.u32  }
0x8: {  	s25 =	simm.s32 $0x0;
	[smem:$0x7FF] =	sst s3;
	s7 =	smul.u32 $0x140000, s6  }
0x9: {  	s4 =	sshll.u32 s6, $0x4;
	s9 =	smul.u32 $0x14000, s2;
	_ =	strace $0x80000050  }
0xa: {  	s6 =	ssub.s32 $0x2, s6;
	s30 =	smul.u32 $0x50000, s2;
	s8 =	sor.u32 s2, s4  }
0xb: {  	s4 =	sadd.s32 $0x10E00, s5;
	s10 =	sshrl.u32 s6, $0x1;
	s8 =	smul.u32 $0x280, s8  }
0xc: {  	s7 =	sadd.s32 s9, s7;
	s13 =	ssub.s32 s6, s10;
	s31 =	sshrl.u32 s30, $0x2  }
0xd: {  	s7 =	sshrl.u32 s7, $0x3;
	s13 =	smax.u32 s13, $0x1;
	s8 =	sadd.s32 s8, s5  }
0xe: {  	s12 =	sadd.s32 s7, s5;
	s7 =	sadd.s32 s31, s1;
	s5 =	sadd.s32 $0x6E00, s8  }
0xf: {  	s6 =	sadd.s32 $0xBE00, s8;
	s8 =	sadd.s32 $0x4000, s7;
	s9 =	sadd.s32 $0x8000, s7  }
0x10: {  	v0 =	vimm.f32 $0.0e+00;
	s10 =	sadd.s32 $0xC000, s7;
	s11 =	sadd.s32 $0x10000, s7;
	s12 =	sadd.s32 $0x38E00, s12  }
.LBB2_1:
0x11: {  	[tilespmem:s3], [sflag:$0x5] =	stream.linear.gather [hbm4b:s5+s3], $0x1400, $0x38;
	[tilespmem:$0x1E800] =	vst v63  }
0x12: {  	_ =	swait.ge [sflag:s14], $0x1400  }
0x13: {  	[sflag:s14] =	ssyncset.done $0x0  }
0x14: {  	[sflag:s14] =	ssyncadd.s32 $0xFFFFEC00  }
0x15: {  	[tilespmem:s15], [sflag:$0x5] =	stream.linear.gather [hbm4b:s6+s3], $0x1400, $0x38;
	[tilespmem:$0x1E800] =	vst v63  }
0x16: {  	_ =	swait.ge [sflag:s14], $0x1400  }
0x17: {  	[sflag:s14] =	ssyncset.done $0x0  }
0x18: {  	s26 =	simm.s32 $0x0;
	s28 =	simm.s32 $0x200;
	[sflag:s14] =	ssyncadd.s32 $0xFFFFEC00  }
.LBB2_2:
0x19: {  	p0 =	sne.s32 s28, $0xFE00;
	[tilespmem:s26+$0x2870] =	vst v0  }
0x1a: {  	[tilespmem:s26+$0x2800] =	vst v0  }
0x1b: {  	[tilespmem:s26+$0x2810] =	vst v0  }
.Ltmp0:
0x1c: {  	[tilespmem:s26+$0x2820] =	vst v0;
	(pc) =	sbr.rel @p0 .LBB2_2-.Ltmp0, $4  }
0x1d: {  	[tilespmem:s26+$0x2830] =	vst v0  }
0x1e: {  	[tilespmem:s26+$0x2840] =	vst v0  }
0x1f: {  	[tilespmem:s26+$0x2850] =	vst v0  }
0x20: {  	[tilespmem:s26+$0x2860] =	vst v0;
	s26 =	sshra.s32 s28, $0x2;
	s28 =	sadd.s32 $0x200, s28  }
0x21: {  	[tilespmem:s26+$0x2870] =	vst v0  }
0x22: {  	[tilespmem:s26+$0x2800] =	vst v0  }
0x23: {  	[tilespmem:s26+$0x2810] =	vst v0  }
0x24: {  	[tilespmem:s26+$0x2820] =	vst v0  }
0x25: {  	[tilespmem:s26+$0x2830] =	vst v0  }
0x26: {  	[tilespmem:s26+$0x2840] =	vst v0  }
0x27: {  	[tilespmem:s26+$0x2850] =	vst v0  }
0x28: {  	[tilespmem:s26+$0x2860] =	vst v0  }
0x29: {  	[spmem:s7] =	stream.linear.scatter [tilespmem:s16], [sflag:$0x5], $0x4000, $0x38;
	[tilespmem:$0x1E800] =	vst v63  }
0x2a: {  	_ =	swait.ge [sflag:s14], $0x4000  }
0x2b: {  	[sflag:s14] =	ssyncset.done $0x0  }
0x2c: {  	[sflag:s14] =	ssyncadd.s32 $0xFFFFC000  }
0x2d: {  	[spmem:s8] =	stream.linear.scatter [tilespmem:s16], [sflag:$0x5], $0x4000, $0x38;
	[tilespmem:$0x1E800] =	vst v63  }
0x2e: {  	_ =	swait.ge [sflag:s14], $0x4000  }
0x2f: {  	[sflag:s14] =	ssyncset.done $0x0  }
0x30: {  	[sflag:s14] =	ssyncadd.s32 $0xFFFFC000  }
0x31: {  	[spmem:s9] =	stream.linear.scatter [tilespmem:s16], [sflag:$0x5], $0x4000, $0x38;
	[tilespmem:$0x1E800] =	vst v63  }
0x32: {  	_ =	swait.ge [sflag:s14], $0x4000  }
0x33: {  	[sflag:s14] =	ssyncset.done $0x0  }
0x34: {  	[sflag:s14] =	ssyncadd.s32 $0xFFFFC000  }
0x35: {  	[spmem:s10] =	stream.linear.scatter [tilespmem:s16], [sflag:$0x5], $0x4000, $0x38;
	[tilespmem:$0x1E800] =	vst v63  }
0x36: {  	_ =	swait.ge [sflag:s14], $0x4000  }
0x37: {  	[sflag:s14] =	ssyncset.done $0x0  }
0x38: {  	[sflag:s14] =	ssyncadd.s32 $0xFFFFC000  }
0x39: {  	[spmem:s11] =	stream.linear.scatter [tilespmem:s16], [sflag:$0x5], $0x4000, $0x38;
	[tilespmem:$0x1E800] =	vst v63  }
0x3a: {  	_ =	swait.ge [sflag:s14], $0x4000  }
0x3b: {  	[sflag:s14] =	ssyncset.done $0x0  }
0x3c: {  	[sflag:s14] =	ssyncadd.s32 $0xFFFFC000  }
0x3d: {  	s31 =	simm.s32 $0x0;
	[bflag:$0x0] =	sbarrier.arrive $0xFFFF  }
0x3e: {  	[tilespmem:s16], [sflag:$0x1] =	stream.indirect.gather [hbm4b:s4+s17], $0x80, s31, s17, $0xb8;
	[tilespmem:$0x1E800] =	vst v63  }
0x3f: {  	_ = 	snop  }
0x40: {  	[tilespmem:s18], [sflag:$0x2] =	stream.indirect.gather [hbm4b:s4+s17], $0x80, s17, s17, $0xb8;
	[tilespmem:$0x1E800] =	vst v63  }
0x41: {  	_ =	swait.ge [sflag:s19], $0x4000  }
0x42: {  	[sflag:s19] =	ssyncset.done $0x0  }
0x43: {  	s29 =	simm.s32 $0x1400;
	[sflag:s19] =	ssyncadd.s32 $0xFFFFC000  }
0x44: {  	[spmem:s1] =	stream.indirect.scatter.add.f32 [tilespmem:s16], [sflag:$0x3], $0x80, s29, s17, $0xb8;
	[tilespmem:$0x1E800] =	vst v63  }
0x45: {  	_ =	swait.ge [sflag:s20], $0x4000  }
0x46: {  	[sflag:s20] =	ssyncset.done $0x0  }
0x47: {  	s30 =	simm.s32 $0x1480;
	[sflag:s20] =	ssyncadd.s32 $0xFFFFC000  }
0x48: {  	[spmem:s1] =	stream.indirect.scatter.add.f32 [tilespmem:s18], [sflag:$0x4], $0x80, s30, s17, $0xb8;
	[tilespmem:$0x1E800] =	vst v63  }
0x49: {  	_ =	swait.ge [sflag:s21], $0x4000  }
0x4a: {  	[sflag:s21] =	ssyncset.done $0x0  }
0x4b: {  	s31 =	simm.s32 $0x100;
	[sflag:s21] =	ssyncadd.s32 $0xFFFFC000  }
0x4c: {  	[tilespmem:s16], [sflag:$0x1] =	stream.indirect.gather [hbm4b:s4+s17], $0x80, s31, s17, $0xb8;
	[tilespmem:$0x1E800] =	vst v63  }
0x4d: {  	_ =	swait.ge [sflag:s22], $0x4000  }
0x4e: {  	[sflag:s22] =	ssyncset.done $0x0  }
0x4f: {  	s26 =	simm.s32 $0x400;
	s28 =	simm.s32 $0x180;
	[sflag:s22] =	ssyncadd.s32 $0xFFFFC000  }
.LBB2_4:
0x50: {  	[tilespmem:s18], [sflag:$0x2] =	stream.indirect.gather [hbm4b:s4+s17], $0x80, s28, s17, $0xb8;
	[tilespmem:$0x1E800] =	vst v63  }
0x51: {  	s28 =	smov.u32 s26  }
0x52: {  	p0 =	sne.s32 s26, $0x4800;
	s26 =	sadd.s32 $0x400, s26;
	_ =	swait.ge [sflag:s19], $0x4000  }
0x53: {  	s28 =	sshra.s32 s28, $0x2;
	[sflag:s19] =	ssyncset.done $0x0  }
0x54: {  	s29 =	sadd.s32 $0x1400, s28;
	[sflag:s19] =	ssyncadd.s32 $0xFFFFC000  }
0x55: {  	[spmem:s1] =	stream.indirect.scatter.add.f32 [tilespmem:s16], [sflag:$0x3], $0x80, s29, s17, $0xb8;
	[tilespmem:$0x1E800] =	vst v63  }
0x56: {  	_ =	swait.ge [sflag:s20], $0x4000  }
0x57: {  	[sflag:s20] =	ssyncset.done $0x0  }
0x58: {  	s29 =	sadd.s32 $0x1480, s28;
	[sflag:s20] =	ssyncadd.s32 $0xFFFFC000  }
0x59: {  	[spmem:s1] =	stream.indirect.scatter.add.f32 [tilespmem:s18], [sflag:$0x4], $0x80, s29, s17, $0xb8;
	[tilespmem:$0x1E800] =	vst v63  }
0x5a: {  	_ =	swait.ge [sflag:s21], $0x4000  }
0x5b: {  	[sflag:s21] =	ssyncset.done $0x0  }
.Ltmp1:
0x5c: {  	s29 =	sadd.s32 $0x100, s28;
	[sflag:s21] =	ssyncadd.s32 $0xFFFFC000;
	(pc) =	sbr.rel @p0 .LBB2_4-.Ltmp1, $4  }
0x5d: {  	[tilespmem:s16], [sflag:$0x1] =	stream.indirect.gather [hbm4b:s4+s17], $0x80, s29, s17, $0xb8;
	[tilespmem:$0x1E800] =	vst v63  }
0x5e: {  	_ =	swait.ge [sflag:s22], $0x4000  }
0x5f: {  	[sflag:s22] =	ssyncset.done $0x0  }
0x60: {  	s28 =	sadd.s32 $0x180, s28;
	[sflag:s22] =	ssyncadd.s32 $0xFFFFC000  }
0x61: {  	[tilespmem:s18], [sflag:$0x2] =	stream.indirect.gather [hbm4b:s4+s17], $0x80, s28, s17, $0xb8;
	[tilespmem:$0x1E800] =	vst v63  }
0x62: {  	_ =	swait.ge [sflag:s19], $0x4000  }
0x63: {  	[sflag:s19] =	ssyncset.done $0x0  }
0x64: {  	[sflag:s19] =	ssyncadd.s32 $0xFFFFC000  }
0x65: {  	[spmem:s1] =	stream.indirect.scatter.add.f32 [tilespmem:s16], [sflag:$0x3], $0x80, s23, s17, $0xb8;
	[tilespmem:$0x1E800] =	vst v63  }
0x66: {  	_ =	swait.ge [sflag:s20], $0x4000  }
0x67: {  	[sflag:s20] =	ssyncset.done $0x0  }
0x68: {  	[sflag:s20] =	ssyncadd.s32 $0xFFFFC000  }
0x69: {  	[spmem:s1] =	stream.indirect.scatter.add.f32 [tilespmem:s18], [sflag:$0x4], $0x80, s24, s17, $0xb8;
	[tilespmem:$0x1E800] =	vst v63  }
0x6a: {  	_ =	swait.ge [sflag:s21], $0x4000  }
0x6b: {  	[sflag:s21] =	ssyncset.done $0x0  }
0x6c: {  	[sflag:s21] =	ssyncadd.s32 $0xFFFFC000  }
0x6d: {  	_ =	swait.ge [sflag:s22], $0x4000  }
0x6e: {  	s26 =	sshll.u32 s2, $0x6;
	s25 =	sadd.s32 $0x1, s25;
	[sflag:s22] =	ssyncset.done $0x0  }
0x6f: {  	s31 =	sshrl.u32 s7, $0x3;
	p0 =	sne.s32 s25, s13;
	[sflag:s22] =	ssyncadd.s32 $0xFFFFC000  }
.Ltmp2:
0x70: {  	s26 =	sor.u32 $0x1C05, s26;
	[bflag:$0x0] =	sbarrier.arrive $0xFFFF;
	(pc) =	sbr.rel @p0 .LBB2_1-.Ltmp2, $4  }
0x71: {  	[hbm:s12], [sflag:s26] =	dma.local [spmem:s31], $0x2800  }
0x72: {  	_ =	swait.ge [sflag:s14], $0x2800  }
0x73: {  	[sflag:s14] =	ssyncset.done $0x0  }
0x74: {  	[sflag:s14] =	ssyncadd.s32 $0xFFFFD800  }
0x75: {  	_ =	sfence.sel $0x180000  }
0x76: {  	[bflag:$0x0] =	sbarrier.arrive $0xFFFF  }
0x77: {  	p0 =	sne.s32 s2, $0x0;
	_ =	strace $0x90000050  }
0x78: {  	s0 =	sadd.s32 @!p0 $0x100000, s0;
	[bflag:$0x2] =	sbarrier.arrive $0xFFFF  }
0x79: {  	[sflag:s0] =	ssyncadd.tile.s32 @!p0 $0x1;
	_ =	shalt  }
.Lfunc_end2:
_tile_overlayer_lowered:
.L_overlay_start_2:
0x7a: {  	(tag) =	ssettag $0x2  }
0x7b: {  	s0 =	rddreg [dreg:$0x0];
	s2 =	stileid.u32  }
0x7c: {  	s1 =	rddreg [dreg:$0x1];
	p0 =	sne.s32 s2, $0x0  }
0x7d: {  	s3 =	rddreg [dreg:$0x2];
	[bflag:$0x3] =	sbarrier.arrive $0xFFFF;
	s2 =	simm.s32 @!p0 $0x1C05  }
0x7e: {  	[timem:s3], [sflag:s2] =	dma.local @!p0 [hbm:s0], s1  }
0x7f: {  	s0 =	simm.s32 @!p0 $0x5  }
0x80: {  	_ =	swait.ge @!p0 [sflag:s0], s1  }
0x81: {  	s1 =	ssub.s32 @!p0 $0x0, s1;
	[sflag:s0] =	ssyncset.done @!p0 $0x0  }
0x82: {  	[sflag:s0] =	ssyncadd.s32 @!p0 s1  }
0x83: {  	[bflag:$0x3] =	sbarrier.arrive $0xFFFF  }
0x84: {  	_ =	shalt  }

</sc_bundles>
